<compile_context>
chip_gen: v7x
topology: tpu7x:2x2x1
jax: 0.10.2.dev20260603
libtpu: 0.0.44.dev20260713+nightly
codegen_flags: <defaults>
</compile_context>

<pallas_src>
import functools

import jax
import jax.numpy as jnp
from jax import lax
from jax.experimental import pallas as pl
from jax.experimental.pallas import tpu as pltpu
from jax.experimental.pallas import tpu_sc as plsc

N_TOTAL = 1048576
K_BINS = 2048
LANES = 16
NUM_WORKERS = 32
CHUNK = 4096
UNROLL = 8
ROWS = K_BINS // 128
LAMBDA_ADV_W = 0.1
PACK = 8192.0


def _sc_hist_body(risk_hbm, dur_hbm, adv_hbm, ev_hbm,
                  hm_hbm, ha_hbm, er_hbm,
                  rbuf0, dbuf0, abuf0, ebuf0, rbuf1, dbuf1, abuf1, ebuf1,
                  hm, ha, er_v, sem):
    c = lax.axis_index("c")
    s = lax.axis_index("s")
    wid = s * 2 + c
    share = N_TOTAL // NUM_WORKERS
    base = wid * share
    n_chunks = share // CHUNK
    bufs = [(rbuf0, dbuf0, abuf0, ebuf0), (rbuf1, dbuf1, abuf1, ebuf1)]

    def issue(ci, slot):
        off = base + ci * CHUNK
        sl = pl.ds(off, CHUNK)
        rb, db, ab, eb = bufs[slot]
        return [
            pltpu.async_copy(risk_hbm.at[sl], rb, sem),
            pltpu.async_copy(dur_hbm.at[sl], db, sem),
            pltpu.async_copy(adv_hbm.at[sl], ab, sem),
            pltpu.async_copy(ev_hbm.at[sl], eb, sem),
        ]

    pending = issue(0, 0)

    def zero_body(i, carry):
        z = jnp.zeros((LANES,), jnp.float32)
        for u in range(UNROLL):
            sl = pl.ds((i * UNROLL + u) * LANES, LANES)
            hm[sl] = z
            ha[sl] = z
        return carry

    lax.fori_loop(0, K_BINS // (LANES * UNROLL), zero_body, 0)

    er_acc = jnp.zeros((LANES,), jnp.float32)
    for ci in range(n_chunks):
        slot = ci % 2
        for h in pending:
            h.wait()
        if ci + 1 < n_chunks:
            pending = issue(ci + 1, 1 - slot)
        rb, db, ab, eb = bufs[slot]

        def body(i, acc):
            sl = pl.ds(i * LANES, LANES)
            r = rb[sl]
            d = db[sl]
            a = ab[sl]
            e = eb[sl].astype(jnp.float32)
            v = jnp.exp(r) + e * PACK
            bm = (d * float(K_BINS)).astype(jnp.int32)
            ba = (a * float(K_BINS)).astype(jnp.int32)
            plsc.addupdate_scatter(hm, [bm], v)
            plsc.addupdate_scatter(ha, [ba], v)
            return acc + e * r

        er_acc = plsc.parallel_loop(
            0, CHUNK // LANES, carry=er_acc, unroll=UNROLL)(body)

    er_v[...] = er_acc
    pltpu.sync_copy(hm, hm_hbm.at[wid])
    pltpu.sync_copy(ha, ha_hbm.at[wid])
    pltpu.sync_copy(er_v, er_hbm.at[wid])


def _make_sc_hist():
    mesh = plsc.VectorSubcoreMesh(core_axis_name="c", subcore_axis_name="s")
    hist_shape = jax.ShapeDtypeStruct((NUM_WORKERS, K_BINS), jnp.float32)
    return pl.kernel(
        _sc_hist_body,
        mesh=mesh,
        compiler_params=pltpu.CompilerParams(needs_layout_passes=False),
        out_type=[hist_shape, hist_shape,
                  jax.ShapeDtypeStruct((NUM_WORKERS, LANES), jnp.float32)],
        scratch_types=[
            pltpu.VMEM((CHUNK,), jnp.float32),
            pltpu.VMEM((CHUNK,), jnp.float32),
            pltpu.VMEM((CHUNK,), jnp.float32),
            pltpu.VMEM((CHUNK,), jnp.int32),
            pltpu.VMEM((CHUNK,), jnp.float32),
            pltpu.VMEM((CHUNK,), jnp.float32),
            pltpu.VMEM((CHUNK,), jnp.float32),
            pltpu.VMEM((CHUNK,), jnp.int32),
            pltpu.VMEM((K_BINS,), jnp.float32),
            pltpu.VMEM((K_BINS,), jnp.float32),
            pltpu.VMEM((LANES,), jnp.float32),
            pltpu.SemaphoreType.DMA,
        ],
    )


def _suffix_excl(h):
    iu = lax.broadcasted_iota(jnp.int32, (128, 128), 0)
    ju = lax.broadcasted_iota(jnp.int32, (128, 128), 1)
    u_mat = (iu > ju).astype(jnp.float32)
    within = lax.dot_general(h, u_mat, (((1,), (0,)), ((), ())),
                             preferred_element_type=jnp.float32)
    totals = jnp.sum(h, axis=1, keepdims=True)
    ir = lax.broadcasted_iota(jnp.int32, (ROWS, ROWS), 0)
    jr = lax.broadcasted_iota(jnp.int32, (ROWS, ROWS), 1)
    m_mat = (jr > ir).astype(jnp.float32)
    rows_above = lax.dot_general(m_mat, totals, (((1,), (0,)), ((), ())),
                                 preferred_element_type=jnp.float32)
    return within + rows_above


def _bucket_loss(e_hist, c_hist, er_sum):
    p = _suffix_excl(e_hist)
    q = p + e_hist
    e_safe = jnp.maximum(e_hist, 1e-30)
    p_safe = jnp.maximum(p, 1e-30)
    avg_pos = jnp.log(p_safe) + (q / e_safe) * jnp.log1p(e_hist / p_safe) - 1.0
    avg_top = jnp.log(e_safe) - 1.0
    avg = jnp.where(p > 0.0, avg_pos, avg_top)
    term = jnp.where((e_hist > 0.0) | (c_hist > 0.0), c_hist * avg, 0.0)
    return (jnp.sum(term) - er_sum) * (1.0 / float(N_TOTAL))


def _unpack(h_ref):
    packed = h_ref[...]
    c_w = jnp.floor(packed * (1.0 / PACK))
    e_w = packed - c_w * PACK
    e_sum = jnp.sum(e_w, axis=0).reshape(ROWS, 128)
    c_sum = jnp.sum(c_w, axis=0).reshape(ROWS, 128)
    return e_sum, c_sum


def _tc_finish_body(hm_ref, ha_ref, er_ref, tot_ref, lm_ref, la_ref):
    er_sum = jnp.sum(er_ref[...])
    hem, hcm = _unpack(hm_ref)
    hea, hca = _unpack(ha_ref)
    lm = _bucket_loss(hem, hcm, er_sum)
    la = _bucket_loss(hea, hca, er_sum)
    tot_ref[...] = jnp.full((1, 1), lm + LAMBDA_ADV_W * la, jnp.float32)
    lm_ref[...] = jnp.full((1, 1), lm, jnp.float32)
    la_ref[...] = jnp.full((1, 1), la, jnp.float32)


@jax.jit
def kernel(risk, duration, duration_adv, event):
    hm, ha, er = _make_sc_hist()(risk, duration, duration_adv, event)

    scalar = jax.ShapeDtypeStruct((1, 1), jnp.float32)
    tot, lm, la = pl.pallas_call(
        _tc_finish_body,
        out_shape=[scalar, scalar, scalar],
    )(hm, ha, er)
    return (tot[0, 0], lm[0, 0], la[0, 0])

# --- scband reference (transcript-rebuilt; emitter-appended) ---
"""Pipeline reference for scband-cox-phloss-32822140076756 (READ-ONLY COPY).

The authoritative reference and input builder live on the scoring server;
editing this copy changes nothing except your own understanding.
"""

import jax, jax.numpy as jnp
import numpy as np

LAMBDA_ADV = 0.1
N = 1048576


def _cox_partial_ll(risk, duration, event_f, mask):
    # Sort descending by duration; invalid (masked) entries pushed to the end
    # by assigning them duration = -inf. Masked entries contribute 0 to the
    # cumulative exp-risk sum and to the log-likelihood, which is exactly
    # equivalent to filtering them out first (as the torch code does).
    d = jnp.where(mask, duration, -jnp.inf)
    order = jnp.argsort(-d)
    r = risk[order]
    e = event_f[order]
    m = mask[order].astype(risk.dtype)
    exp_risk_sum = jnp.cumsum(jnp.exp(r) * m)
    log_likelihood = (r - jnp.log(exp_risk_sum)) * e * m
    n_valid = jnp.maximum(jnp.sum(m), 1.0)
    return -jnp.sum(log_likelihood) / n_valid


def setup_inputs(seed: int = 0) -> dict:
    key = jax.random.key(seed)
    k1, k2, k3, k4 = jax.random.split(key, 4)
    risk = jax.random.normal(k1, (N,), dtype=jnp.float32)
    duration = jax.random.uniform(k2, (N,), dtype=jnp.float32)
    duration_adv = jax.random.uniform(k3, (N,), dtype=jnp.float32)
    event = jax.random.randint(k4, (N,), 0, 2, dtype=jnp.int64)
    return {"risk": risk, "duration": duration, "duration_adv": duration_adv, "event": event}


def reference(risk, duration, duration_adv, event):
    risk = jnp.squeeze(risk)
    event_f = event.astype(risk.dtype)

    # main loss
    valid_mask_main = (duration != -1) & (event != -1)
    loss_main = _cox_partial_ll(risk, duration, event_f, valid_mask_main)

    # adversarial loss (uses the full squeezed risk, re-masked by duration_adv)
    valid_mask_adv = (duration_adv != -1) & (event != -1)
    loss_adv = _cox_partial_ll(risk, duration_adv, event_f, valid_mask_adv)

    total_loss = loss_main + LAMBDA_ADV * loss_adv
    return (total_loss, loss_main, loss_adv)

if __name__ == "__main__":
    import jax
    _d = setup_inputs()
    print(jax.jit(kernel)(*tuple(_d.values())))

</pallas_src>

<mosaic_0001>
#map = affine_map<(d0, d1) -> (0)>
#map1 = affine_map<(d0, d1) -> (0, 0)>
module attributes {stable_mosaic.version = 14 : i64} {
  func.func @_sc_hist_body(%arg0: i32, %arg1: i32, %arg2: memref<1048576xf32, #tpu.memory_space<hbm>>, %arg3: memref<1048576xf32, #tpu.memory_space<hbm>>, %arg4: memref<1048576xf32, #tpu.memory_space<hbm>>, %arg5: memref<1048576xi32, #tpu.memory_space<hbm>>, %arg6: memref<32x2048xf32, #tpu.memory_space<hbm>>, %arg7: memref<32x2048xf32, #tpu.memory_space<hbm>>, %arg8: memref<32x16xf32, #tpu.memory_space<hbm>>, %arg9: memref<4096xf32, #tpu.memory_space<vmem>>, %arg10: memref<4096xf32, #tpu.memory_space<vmem>>, %arg11: memref<4096xf32, #tpu.memory_space<vmem>>, %arg12: memref<4096xi32, #tpu.memory_space<vmem>>, %arg13: memref<4096xf32, #tpu.memory_space<vmem>>, %arg14: memref<4096xf32, #tpu.memory_space<vmem>>, %arg15: memref<4096xf32, #tpu.memory_space<vmem>>, %arg16: memref<4096xi32, #tpu.memory_space<vmem>>, %arg17: memref<2048xf32, #tpu.memory_space<vmem>>, %arg18: memref<2048xf32, #tpu.memory_space<vmem>>, %arg19: memref<16xf32, #tpu.memory_space<vmem>>, %arg20: memref<!tpu.dma_semaphore, #tpu.memory_space<semaphore_mem>>) attributes {dimension_semantics = [#tpu.dimension_semantics<core_parallel>, #tpu.dimension_semantics<subcore_parallel>], iteration_bounds = array<i64: 2, 16>, scalar_prefetch = 0 : i64, scratch_operands = 12 : i64, tpu.core_type = #tpu.core_type<sc_vector_subcore>, window_params = [{transform_indices = #map}, {transform_indices = #map}, {transform_indices = #map}, {transform_indices = #map}, {transform_indices = #map1}, {transform_indices = #map1}, {transform_indices = #map1}]} {
    %mul3A = arith.constant 2 : i32
    %mul3A_0 = arith.muli %arg1, %mul3A : i32
    %add3A = arith.addi %mul3A_0, %arg0 : i32
    %mul3A_1 = arith.constant 32768 : i32
    %mul3A_2 = arith.muli %add3A, %mul3A_1 : i32
    %add3A_3 = arith.constant 0 : i32
    %add3A_4 = arith.addi %mul3A_2, %add3A_3 : i32
    %dma_start3A = tpu.memref_slice %arg2[%add3A_4] : memref<1048576xf32, #tpu.memory_space<hbm>> -> memref<4096xf32, #tpu.memory_space<hbm>>
    %dma_start3A_5 = tpu.memref_slice %arg2[%add3A_4] : memref<1048576xf32, #tpu.memory_space<hbm>> -> memref<4096xf32, #tpu.memory_space<hbm>>
    tpu.enqueue_dma source(%dma_start3A_5 : memref<4096xf32, #tpu.memory_space<hbm>>) target(%arg9 : memref<4096xf32, #tpu.memory_space<vmem>>) target_semaphore(%arg20 : memref<!tpu.dma_semaphore, #tpu.memory_space<semaphore_mem>>)
    %dma_start3A_6 = tpu.memref_slice %arg3[%add3A_4] : memref<1048576xf32, #tpu.memory_space<hbm>> -> memref<4096xf32, #tpu.memory_space<hbm>>
    %dma_start3A_7 = tpu.memref_slice %arg3[%add3A_4] : memref<1048576xf32, #tpu.memory_space<hbm>> -> memref<4096xf32, #tpu.memory_space<hbm>>
    tpu.enqueue_dma source(%dma_start3A_7 : memref<4096xf32, #tpu.memory_space<hbm>>) target(%arg10 : memref<4096xf32, #tpu.memory_space<vmem>>) target_semaphore(%arg20 : memref<!tpu.dma_semaphore, #tpu.memory_space<semaphore_mem>>)
    %dma_start3A_8 = tpu.memref_slice %arg4[%add3A_4] : memref<1048576xf32, #tpu.memory_space<hbm>> -> memref<4096xf32, #tpu.memory_space<hbm>>
    %dma_start3A_9 = tpu.memref_slice %arg4[%add3A_4] : memref<1048576xf32, #tpu.memory_space<hbm>> -> memref<4096xf32, #tpu.memory_space<hbm>>
    tpu.enqueue_dma source(%dma_start3A_9 : memref<4096xf32, #tpu.memory_space<hbm>>) target(%arg11 : memref<4096xf32, #tpu.memory_space<vmem>>) target_semaphore(%arg20 : memref<!tpu.dma_semaphore, #tpu.memory_space<semaphore_mem>>)
    %dma_start3A_10 = tpu.memref_slice %arg5[%add3A_4] : memref<1048576xi32, #tpu.memory_space<hbm>> -> memref<4096xi32, #tpu.memory_space<hbm>>
    %dma_start3A_11 = tpu.memref_slice %arg5[%add3A_4] : memref<1048576xi32, #tpu.memory_space<hbm>> -> memref<4096xi32, #tpu.memory_space<hbm>>
    tpu.enqueue_dma source(%dma_start3A_11 : memref<4096xi32, #tpu.memory_space<hbm>>) target(%arg12 : memref<4096xi32, #tpu.memory_space<vmem>>) target_semaphore(%arg20 : memref<!tpu.dma_semaphore, #tpu.memory_space<semaphore_mem>>)
    %scan3A = arith.constant 0 : i32
    %scan3A_12 = arith.constant 0 : i32
    %scan3A_13 = arith.constant 16 : i32
    %scan3A_14 = arith.addi %scan3A_12, %scan3A_13 : i32
    %scan3A_15 = arith.constant 1 : i32
    scf.for %scan3A_183 = %scan3A_12 to %scan3A_14 step %scan3A_15  : i32 {
      %broadcast_in_dim3A_184 = arith.constant 0.000000e+00 : f32
      %broadcast_in_dim3A_185 = vector.broadcast %broadcast_in_dim3A_184 : f32 to vector<16xf32>
      %mul3A_186 = arith.constant 8 : i32
      %mul3A_187 = arith.muli %scan3A_183, %mul3A_186 : i32
      %add3A_188 = arith.constant 0 : i32
      %add3A_189 = arith.addi %mul3A_187, %add3A_188 : i32
      %mul3A_190 = arith.constant 16 : i32
      %mul3A_191 = arith.muli %add3A_189, %mul3A_190 : i32
      %swap3A_192 = arith.index_cast %mul3A_191 : i32 to index
      %swap3A_193 = tpu.vector_load %arg17[%swap3A_192] {strides = array<i32>} : memref<2048xf32, #tpu.memory_space<vmem>>, vector<16xf32>,
      tpu.vector_store %arg17[%swap3A_192], %broadcast_in_dim3A_185 {strides = array<i32>} : memref<2048xf32, #tpu.memory_space<vmem>>, vector<16xf32>,
      %swap3A_194 = arith.index_cast %mul3A_191 : i32 to index
      %swap3A_195 = tpu.vector_load %arg18[%swap3A_194] {strides = array<i32>} : memref<2048xf32, #tpu.memory_space<vmem>>, vector<16xf32>,
      tpu.vector_store %arg18[%swap3A_194], %broadcast_in_dim3A_185 {strides = array<i32>} : memref<2048xf32, #tpu.memory_space<vmem>>, vector<16xf32>,
      %mul3A_196 = arith.constant 8 : i32
      %mul3A_197 = arith.muli %scan3A_183, %mul3A_196 : i32
      %add3A_198 = arith.constant 1 : i32
      %add3A_199 = arith.addi %mul3A_197, %add3A_198 : i32
      %mul3A_200 = arith.constant 16 : i32
      %mul3A_201 = arith.muli %add3A_199, %mul3A_200 : i32
      %swap3A_202 = arith.index_cast %mul3A_201 : i32 to index
      %swap3A_203 = tpu.vector_load %arg17[%swap3A_202] {strides = array<i32>} : memref<2048xf32, #tpu.memory_space<vmem>>, vector<16xf32>,
      tpu.vector_store %arg17[%swap3A_202], %broadcast_in_dim3A_185 {strides = array<i32>} : memref<2048xf32, #tpu.memory_space<vmem>>, vector<16xf32>,
      %swap3A_204 = arith.index_cast %mul3A_201 : i32 to index
      %swap3A_205 = tpu.vector_load %arg18[%swap3A_204] {strides = array<i32>} : memref<2048xf32, #tpu.memory_space<vmem>>, vector<16xf32>,
      tpu.vector_store %arg18[%swap3A_204], %broadcast_in_dim3A_185 {strides = array<i32>} : memref<2048xf32, #tpu.memory_space<vmem>>, vector<16xf32>,
      %mul3A_206 = arith.constant 8 : i32
      %mul3A_207 = arith.muli %scan3A_183, %mul3A_206 : i32
      %add3A_208 = arith.constant 2 : i32
      %add3A_209 = arith.addi %mul3A_207, %add3A_208 : i32
      %mul3A_210 = arith.constant 16 : i32
      %mul3A_211 = arith.muli %add3A_209, %mul3A_210 : i32
      %swap3A_212 = arith.index_cast %mul3A_211 : i32 to index
      %swap3A_213 = tpu.vector_load %arg17[%swap3A_212] {strides = array<i32>} : memref<2048xf32, #tpu.memory_space<vmem>>, vector<16xf32>,
      tpu.vector_store %arg17[%swap3A_212], %broadcast_in_dim3A_185 {strides = array<i32>} : memref<2048xf32, #tpu.memory_space<vmem>>, vector<16xf32>,
      %swap3A_214 = arith.index_cast %mul3A_211 : i32 to index
      %swap3A_215 = tpu.vector_load %arg18[%swap3A_214] {strides = array<i32>} : memref<2048xf32, #tpu.memory_space<vmem>>, vector<16xf32>,
      tpu.vector_store %arg18[%swap3A_214], %broadcast_in_dim3A_185 {strides = array<i32>} : memref<2048xf32, #tpu.memory_space<vmem>>, vector<16xf32>,
      %mul3A_216 = arith.constant 8 : i32
      %mul3A_217 = arith.muli %scan3A_183, %mul3A_216 : i32
      %add3A_218 = arith.constant 3 : i32
      %add3A_219 = arith.addi %mul3A_217, %add3A_218 : i32
      %mul3A_220 = arith.constant 16 : i32
      %mul3A_221 = arith.muli %add3A_219, %mul3A_220 : i32
      %swap3A_222 = arith.index_cast %mul3A_221 : i32 to index
      %swap3A_223 = tpu.vector_load %arg17[%swap3A_222] {strides = array<i32>} : memref<2048xf32, #tpu.memory_space<vmem>>, vector<16xf32>,
      tpu.vector_store %arg17[%swap3A_222], %broadcast_in_dim3A_185 {strides = array<i32>} : memref<2048xf32, #tpu.memory_space<vmem>>, vector<16xf32>,
      %swap3A_224 = arith.index_cast %mul3A_221 : i32 to index
      %swap3A_225 = tpu.vector_load %arg18[%swap3A_224] {strides = array<i32>} : memref<2048xf32, #tpu.memory_space<vmem>>, vector<16xf32>,
      tpu.vector_store %arg18[%swap3A_224], %broadcast_in_dim3A_185 {strides = array<i32>} : memref<2048xf32, #tpu.memory_space<vmem>>, vector<16xf32>,
      %mul3A_226 = arith.constant 8 : i32
      %mul3A_227 = arith.muli %scan3A_183, %mul3A_226 : i32
      %add3A_228 = arith.constant 4 : i32
      %add3A_229 = arith.addi %mul3A_227, %add3A_228 : i32
      %mul3A_230 = arith.constant 16 : i32
      %mul3A_231 = arith.muli %add3A_229, %mul3A_230 : i32
      %swap3A_232 = arith.index_cast %mul3A_231 : i32 to index
      %swap3A_233 = tpu.vector_load %arg17[%swap3A_232] {strides = array<i32>} : memref<2048xf32, #tpu.memory_space<vmem>>, vector<16xf32>,
      tpu.vector_store %arg17[%swap3A_232], %broadcast_in_dim3A_185 {strides = array<i32>} : memref<2048xf32, #tpu.memory_space<vmem>>, vector<16xf32>,
      %swap3A_234 = arith.index_cast %mul3A_231 : i32 to index
      %swap3A_235 = tpu.vector_load %arg18[%swap3A_234] {strides = array<i32>} : memref<2048xf32, #tpu.memory_space<vmem>>, vector<16xf32>,
      tpu.vector_store %arg18[%swap3A_234], %broadcast_in_dim3A_185 {strides = array<i32>} : memref<2048xf32, #tpu.memory_space<vmem>>, vector<16xf32>,
      %mul3A_236 = arith.constant 8 : i32
      %mul3A_237 = arith.muli %scan3A_183, %mul3A_236 : i32
      %add3A_238 = arith.constant 5 : i32
      %add3A_239 = arith.addi %mul3A_237, %add3A_238 : i32
      %mul3A_240 = arith.constant 16 : i32
      %mul3A_241 = arith.muli %add3A_239, %mul3A_240 : i32
      %swap3A_242 = arith.index_cast %mul3A_241 : i32 to index
      %swap3A_243 = tpu.vector_load %arg17[%swap3A_242] {strides = array<i32>} : memref<2048xf32, #tpu.memory_space<vmem>>, vector<16xf32>,
      tpu.vector_store %arg17[%swap3A_242], %broadcast_in_dim3A_185 {strides = array<i32>} : memref<2048xf32, #tpu.memory_space<vmem>>, vector<16xf32>,
      %swap3A_244 = arith.index_cast %mul3A_241 : i32 to index
      %swap3A_245 = tpu.vector_load %arg18[%swap3A_244] {strides = array<i32>} : memref<2048xf32, #tpu.memory_space<vmem>>, vector<16xf32>,
      tpu.vector_store %arg18[%swap3A_244], %broadcast_in_dim3A_185 {strides = array<i32>} : memref<2048xf32, #tpu.memory_space<vmem>>, vector<16xf32>,
      %mul3A_246 = arith.constant 8 : i32
      %mul3A_247 = arith.muli %scan3A_183, %mul3A_246 : i32
      %add3A_248 = arith.constant 6 : i32
      %add3A_249 = arith.addi %mul3A_247, %add3A_248 : i32
      %mul3A_250 = arith.constant 16 : i32
      %mul3A_251 = arith.muli %add3A_249, %mul3A_250 : i32
      %swap3A_252 = arith.index_cast %mul3A_251 : i32 to index
      %swap3A_253 = tpu.vector_load %arg17[%swap3A_252] {strides = array<i32>} : memref<2048xf32, #tpu.memory_space<vmem>>, vector<16xf32>,
      tpu.vector_store %arg17[%swap3A_252], %broadcast_in_dim3A_185 {strides = array<i32>} : memref<2048xf32, #tpu.memory_space<vmem>>, vector<16xf32>,
      %swap3A_254 = arith.index_cast %mul3A_251 : i32 to index
      %swap3A_255 = tpu.vector_load %arg18[%swap3A_254] {strides = array<i32>} : memref<2048xf32, #tpu.memory_space<vmem>>, vector<16xf32>,
      tpu.vector_store %arg18[%swap3A_254], %broadcast_in_dim3A_185 {strides = array<i32>} : memref<2048xf32, #tpu.memory_space<vmem>>, vector<16xf32>,
      %mul3A_256 = arith.constant 8 : i32
      %mul3A_257 = arith.muli %scan3A_183, %mul3A_256 : i32
      %add3A_258 = arith.constant 7 : i32
      %add3A_259 = arith.addi %mul3A_257, %add3A_258 : i32
      %mul3A_260 = arith.constant 16 : i32
      %mul3A_261 = arith.muli %add3A_259, %mul3A_260 : i32
      %swap3A_262 = arith.index_cast %mul3A_261 : i32 to index
      %swap3A_263 = tpu.vector_load %arg17[%swap3A_262] {strides = array<i32>} : memref<2048xf32, #tpu.memory_space<vmem>>, vector<16xf32>,
      tpu.vector_store %arg17[%swap3A_262], %broadcast_in_dim3A_185 {strides = array<i32>} : memref<2048xf32, #tpu.memory_space<vmem>>, vector<16xf32>,
      %swap3A_264 = arith.index_cast %mul3A_261 : i32 to index
      %swap3A_265 = tpu.vector_load %arg18[%swap3A_264] {strides = array<i32>} : memref<2048xf32, #tpu.memory_space<vmem>>, vector<16xf32>,
      tpu.vector_store %arg18[%swap3A_264], %broadcast_in_dim3A_185 {strides = array<i32>} : memref<2048xf32, #tpu.memory_space<vmem>>, vector<16xf32>,
    }
    %scan3A_16 = arith.constant 16 : i32
    %broadcast_in_dim3A = arith.constant 0.000000e+00 : f32
    %broadcast_in_dim3A_17 = vector.broadcast %broadcast_in_dim3A : f32 to vector<16xf32>
    %dma_wait3A = tpu.memref_slice %arg2[%add3A_4] : memref<1048576xf32, #tpu.memory_space<hbm>> -> memref<4096xf32, #tpu.memory_space<hbm>>
    %dma_wait3A_18 = tpu.memref_slice %arg2[%add3A_4] : memref<1048576xf32, #tpu.memory_space<hbm>> -> memref<4096xf32, #tpu.memory_space<hbm>>
    tpu.wait_dma2 semaphore(%arg20 : memref<!tpu.dma_semaphore, #tpu.memory_space<semaphore_mem>>) src(%dma_wait3A_18 : memref<4096xf32, #tpu.memory_space<hbm>>) dst(%arg9 : memref<4096xf32, #tpu.memory_space<vmem>>)
    %dma_wait3A_19 = tpu.memref_slice %arg3[%add3A_4] : memref<1048576xf32, #tpu.memory_space<hbm>> -> memref<4096xf32, #tpu.memory_space<hbm>>
    %dma_wait3A_20 = tpu.memref_slice %arg3[%add3A_4] : memref<1048576xf32, #tpu.memory_space<hbm>> -> memref<4096xf32, #tpu.memory_space<hbm>>
    tpu.wait_dma2 semaphore(%arg20 : memref<!tpu.dma_semaphore, #tpu.memory_space<semaphore_mem>>) src(%dma_wait3A_20 : memref<4096xf32, #tpu.memory_space<hbm>>) dst(%arg10 : memref<4096xf32, #tpu.memory_space<vmem>>)
    %dma_wait3A_21 = tpu.memref_slice %arg4[%add3A_4] : memref<1048576xf32, #tpu.memory_space<hbm>> -> memref<4096xf32, #tpu.memory_space<hbm>>
    %dma_wait3A_22 = tpu.memref_slice %arg4[%add3A_4] : memref<1048576xf32, #tpu.memory_space<hbm>> -> memref<4096xf32, #tpu.memory_space<hbm>>
    tpu.wait_dma2 semaphore(%arg20 : memref<!tpu.dma_semaphore, #tpu.memory_space<semaphore_mem>>) src(%dma_wait3A_22 : memref<4096xf32, #tpu.memory_space<hbm>>) dst(%arg11 : memref<4096xf32, #tpu.memory_space<vmem>>)
    %dma_wait3A_23 = tpu.memref_slice %arg5[%add3A_4] : memref<1048576xi32, #tpu.memory_space<hbm>> -> memref<4096xi32, #tpu.memory_space<hbm>>
    %dma_wait3A_24 = tpu.memref_slice %arg5[%add3A_4] : memref<1048576xi32, #tpu.memory_space<hbm>> -> memref<4096xi32, #tpu.memory_space<hbm>>
    tpu.wait_dma2 semaphore(%arg20 : memref<!tpu.dma_semaphore, #tpu.memory_space<semaphore_mem>>) src(%dma_wait3A_24 : memref<4096xi32, #tpu.memory_space<hbm>>) dst(%arg12 : memref<4096xi32, #tpu.memory_space<vmem>>)
    %add3A_25 = arith.constant 4096 : i32
    %add3A_26 = arith.addi %mul3A_2, %add3A_25 : i32
    %dma_start3A_27 = tpu.memref_slice %arg2[%add3A_26] : memref<1048576xf32, #tpu.memory_space<hbm>> -> memref<4096xf32, #tpu.memory_space<hbm>>
    %dma_start3A_28 = tpu.memref_slice %arg2[%add3A_26] : memref<1048576xf32, #tpu.memory_space<hbm>> -> memref<4096xf32, #tpu.memory_space<hbm>>
    tpu.enqueue_dma source(%dma_start3A_28 : memref<4096xf32, #tpu.memory_space<hbm>>) target(%arg13 : memref<4096xf32, #tpu.memory_space<vmem>>) target_semaphore(%arg20 : memref<!tpu.dma_semaphore, #tpu.memory_space<semaphore_mem>>)
    %dma_start3A_29 = tpu.memref_slice %arg3[%add3A_26] : memref<1048576xf32, #tpu.memory_space<hbm>> -> memref<4096xf32, #tpu.memory_space<hbm>>
    %dma_start3A_30 = tpu.memref_slice %arg3[%add3A_26] : memref<1048576xf32, #tpu.memory_space<hbm>> -> memref<4096xf32, #tpu.memory_space<hbm>>
    tpu.enqueue_dma source(%dma_start3A_30 : memref<4096xf32, #tpu.memory_space<hbm>>) target(%arg14 : memref<4096xf32, #tpu.memory_space<vmem>>) target_semaphore(%arg20 : memref<!tpu.dma_semaphore, #tpu.memory_space<semaphore_mem>>)
    %dma_start3A_31 = tpu.memref_slice %arg4[%add3A_26] : memref<1048576xf32, #tpu.memory_space<hbm>> -> memref<4096xf32, #tpu.memory_space<hbm>>
    %dma_start3A_32 = tpu.memref_slice %arg4[%add3A_26] : memref<1048576xf32, #tpu.memory_space<hbm>> -> memref<4096xf32, #tpu.memory_space<hbm>>
    tpu.enqueue_dma source(%dma_start3A_32 : memref<4096xf32, #tpu.memory_space<hbm>>) target(%arg15 : memref<4096xf32, #tpu.memory_space<vmem>>) target_semaphore(%arg20 : memref<!tpu.dma_semaphore, #tpu.memory_space<semaphore_mem>>)
    %dma_start3A_33 = tpu.memref_slice %arg5[%add3A_26] : memref<1048576xi32, #tpu.memory_space<hbm>> -> memref<4096xi32, #tpu.memory_space<hbm>>
    %dma_start3A_34 = tpu.memref_slice %arg5[%add3A_26] : memref<1048576xi32, #tpu.memory_space<hbm>> -> memref<4096xi32, #tpu.memory_space<hbm>>
    tpu.enqueue_dma source(%dma_start3A_34 : memref<4096xi32, #tpu.memory_space<hbm>>) target(%arg16 : memref<4096xi32, #tpu.memory_space<vmem>>) target_semaphore(%arg20 : memref<!tpu.dma_semaphore, #tpu.memory_space<semaphore_mem>>)
    %parallel_loop3A = arith.constant 0 : i32
    %parallel_loop3A_35 = arith.constant 256 : i32
    %parallel_loop3A_36 = arith.constant 1 : i32
    %parallel_loop3A_37 = scf.for %parallel_loop3A_183 = %parallel_loop3A to %parallel_loop3A_35 step %parallel_loop3A_36 iter_args(%parallel_loop3A_184 = %broadcast_in_dim3A_17) -> (vector<16xf32>)  : i32 {
      %parallel_loop3A_185 = arith.constant 16 : i32
      %parallel_loop3A_186 = arith.muli %parallel_loop3A_183, %parallel_loop3A_185 : i32
      %parallel_loop3A_187 = arith.index_cast %parallel_loop3A_186 : i32 to index
      %parallel_loop3A_188 = tpu.vector_load %arg9[%parallel_loop3A_187] {strides = array<i32>} : memref<4096xf32, #tpu.memory_space<vmem>>, vector<16xf32>,
      %parallel_loop3A_189 = arith.index_cast %parallel_loop3A_186 : i32 to index
      %parallel_loop3A_190 = tpu.vector_load %arg10[%parallel_loop3A_189] {strides = array<i32>} : memref<4096xf32, #tpu.memory_space<vmem>>, vector<16xf32>,
      %parallel_loop3A_191 = arith.index_cast %parallel_loop3A_186 : i32 to index
      %parallel_loop3A_192 = tpu.vector_load %arg11[%parallel_loop3A_191] {strides = array<i32>} : memref<4096xf32, #tpu.memory_space<vmem>>, vector<16xf32>,
      %parallel_loop3A_193 = arith.index_cast %parallel_loop3A_186 : i32 to index
      %parallel_loop3A_194 = tpu.vector_load %arg12[%parallel_loop3A_193] {strides = array<i32>} : memref<4096xi32, #tpu.memory_space<vmem>>, vector<16xi32>,
      %parallel_loop3A_195 = arith.sitofp %parallel_loop3A_194 : vector<16xi32> to vector<16xf32>
      %parallel_loop3A_196 = math.exp %parallel_loop3A_188 : vector<16xf32>
      %parallel_loop3A_197 = arith.constant 8.192000e+03 : f32
      %parallel_loop3A_198 = vector.broadcast %parallel_loop3A_197 : f32 to vector<16xf32>
      %parallel_loop3A_199 = arith.mulf %parallel_loop3A_195, %parallel_loop3A_198 : vector<16xf32>
      %parallel_loop3A_200 = arith.addf %parallel_loop3A_196, %parallel_loop3A_199 : vector<16xf32>
      %parallel_loop3A_201 = arith.constant 2.048000e+03 : f32
      %parallel_loop3A_202 = vector.broadcast %parallel_loop3A_201 : f32 to vector<16xf32>
      %parallel_loop3A_203 = arith.mulf %parallel_loop3A_190, %parallel_loop3A_202 : vector<16xf32>
      %parallel_loop3A_204 = arith.fptosi %parallel_loop3A_203 : vector<16xf32> to vector<16xi32>
      %parallel_loop3A_205 = arith.constant 2.048000e+03 : f32
      %parallel_loop3A_206 = vector.broadcast %parallel_loop3A_205 : f32 to vector<16xf32>
      %parallel_loop3A_207 = arith.mulf %parallel_loop3A_192, %parallel_loop3A_206 : vector<16xf32>
      %parallel_loop3A_208 = arith.fptosi %parallel_loop3A_207 : vector<16xf32> to vector<16xi32>
      tpu.vector_store_idx %arg17[%parallel_loop3A_204], %parallel_loop3A_200 {add = true} : memref<2048xf32, #tpu.memory_space<vmem>>[vector<16xi32>], vector<16xf32>,
      tpu.vector_store_idx %arg18[%parallel_loop3A_208], %parallel_loop3A_200 {add = true} : memref<2048xf32, #tpu.memory_space<vmem>>[vector<16xi32>], vector<16xf32>,
      %parallel_loop3A_209 = arith.mulf %parallel_loop3A_195, %parallel_loop3A_188 : vector<16xf32>
      %parallel_loop3A_210 = arith.addf %parallel_loop3A_184, %parallel_loop3A_209 : vector<16xf32>
      scf.yield %parallel_loop3A_210 : vector<16xf32>
    } {sc.loop_unroll_factor = 8 : i64, sc.parallel_access}
    %dma_wait3A_38 = tpu.memref_slice %arg2[%add3A_26] : memref<1048576xf32, #tpu.memory_space<hbm>> -> memref<4096xf32, #tpu.memory_space<hbm>>
    %dma_wait3A_39 = tpu.memref_slice %arg2[%add3A_26] : memref<1048576xf32, #tpu.memory_space<hbm>> -> memref<4096xf32, #tpu.memory_space<hbm>>
    tpu.wait_dma2 semaphore(%arg20 : memref<!tpu.dma_semaphore, #tpu.memory_space<semaphore_mem>>) src(%dma_wait3A_39 : memref<4096xf32, #tpu.memory_space<hbm>>) dst(%arg13 : memref<4096xf32, #tpu.memory_space<vmem>>)
    %dma_wait3A_40 = tpu.memref_slice %arg3[%add3A_26] : memref<1048576xf32, #tpu.memory_space<hbm>> -> memref<4096xf32, #tpu.memory_space<hbm>>
    %dma_wait3A_41 = tpu.memref_slice %arg3[%add3A_26] : memref<1048576xf32, #tpu.memory_space<hbm>> -> memref<4096xf32, #tpu.memory_space<hbm>>
    tpu.wait_dma2 semaphore(%arg20 : memref<!tpu.dma_semaphore, #tpu.memory_space<semaphore_mem>>) src(%dma_wait3A_41 : memref<4096xf32, #tpu.memory_space<hbm>>) dst(%arg14 : memref<4096xf32, #tpu.memory_space<vmem>>)
    %dma_wait3A_42 = tpu.memref_slice %arg4[%add3A_26] : memref<1048576xf32, #tpu.memory_space<hbm>> -> memref<4096xf32, #tpu.memory_space<hbm>>
    %dma_wait3A_43 = tpu.memref_slice %arg4[%add3A_26] : memref<1048576xf32, #tpu.memory_space<hbm>> -> memref<4096xf32, #tpu.memory_space<hbm>>
    tpu.wait_dma2 semaphore(%arg20 : memref<!tpu.dma_semaphore, #tpu.memory_space<semaphore_mem>>) src(%dma_wait3A_43 : memref<4096xf32, #tpu.memory_space<hbm>>) dst(%arg15 : memref<4096xf32, #tpu.memory_space<vmem>>)
    %dma_wait3A_44 = tpu.memref_slice %arg5[%add3A_26] : memref<1048576xi32, #tpu.memory_space<hbm>> -> memref<4096xi32, #tpu.memory_space<hbm>>
    %dma_wait3A_45 = tpu.memref_slice %arg5[%add3A_26] : memref<1048576xi32, #tpu.memory_space<hbm>> -> memref<4096xi32, #tpu.memory_space<hbm>>
    tpu.wait_dma2 semaphore(%arg20 : memref<!tpu.dma_semaphore, #tpu.memory_space<semaphore_mem>>) src(%dma_wait3A_45 : memref<4096xi32, #tpu.memory_space<hbm>>) dst(%arg16 : memref<4096xi32, #tpu.memory_space<vmem>>)
    %add3A_46 = arith.constant 8192 : i32
    %add3A_47 = arith.addi %mul3A_2, %add3A_46 : i32
    %dma_start3A_48 = tpu.memref_slice %arg2[%add3A_47] : memref<1048576xf32, #tpu.memory_space<hbm>> -> memref<4096xf32, #tpu.memory_space<hbm>>
    %dma_start3A_49 = tpu.memref_slice %arg2[%add3A_47] : memref<1048576xf32, #tpu.memory_space<hbm>> -> memref<4096xf32, #tpu.memory_space<hbm>>
    tpu.enqueue_dma source(%dma_start3A_49 : memref<4096xf32, #tpu.memory_space<hbm>>) target(%arg9 : memref<4096xf32, #tpu.memory_space<vmem>>) target_semaphore(%arg20 : memref<!tpu.dma_semaphore, #tpu.memory_space<semaphore_mem>>)
    %dma_start3A_50 = tpu.memref_slice %arg3[%add3A_47] : memref<1048576xf32, #tpu.memory_space<hbm>> -> memref<4096xf32, #tpu.memory_space<hbm>>
    %dma_start3A_51 = tpu.memref_slice %arg3[%add3A_47] : memref<1048576xf32, #tpu.memory_space<hbm>> -> memref<4096xf32, #tpu.memory_space<hbm>>
    tpu.enqueue_dma source(%dma_start3A_51 : memref<4096xf32, #tpu.memory_space<hbm>>) target(%arg10 : memref<4096xf32, #tpu.memory_space<vmem>>) target_semaphore(%arg20 : memref<!tpu.dma_semaphore, #tpu.memory_space<semaphore_mem>>)
    %dma_start3A_52 = tpu.memref_slice %arg4[%add3A_47] : memref<1048576xf32, #tpu.memory_space<hbm>> -> memref<4096xf32, #tpu.memory_space<hbm>>
    %dma_start3A_53 = tpu.memref_slice %arg4[%add3A_47] : memref<1048576xf32, #tpu.memory_space<hbm>> -> memref<4096xf32, #tpu.memory_space<hbm>>
    tpu.enqueue_dma source(%dma_start3A_53 : memref<4096xf32, #tpu.memory_space<hbm>>) target(%arg11 : memref<4096xf32, #tpu.memory_space<vmem>>) target_semaphore(%arg20 : memref<!tpu.dma_semaphore, #tpu.memory_space<semaphore_mem>>)
    %dma_start3A_54 = tpu.memref_slice %arg5[%add3A_47] : memref<1048576xi32, #tpu.memory_space<hbm>> -> memref<4096xi32, #tpu.memory_space<hbm>>
    %dma_start3A_55 = tpu.memref_slice %arg5[%add3A_47] : memref<1048576xi32, #tpu.memory_space<hbm>> -> memref<4096xi32, #tpu.memory_space<hbm>>
    tpu.enqueue_dma source(%dma_start3A_55 : memref<4096xi32, #tpu.memory_space<hbm>>) target(%arg12 : memref<4096xi32, #tpu.memory_space<vmem>>) target_semaphore(%arg20 : memref<!tpu.dma_semaphore, #tpu.memory_space<semaphore_mem>>)
    %parallel_loop3A_56 = arith.constant 0 : i32
    %parallel_loop3A_57 = arith.constant 256 : i32
    %parallel_loop3A_58 = arith.constant 1 : i32
    %parallel_loop3A_59 = scf.for %parallel_loop3A_183 = %parallel_loop3A_56 to %parallel_loop3A_57 step %parallel_loop3A_58 iter_args(%parallel_loop3A_184 = %parallel_loop3A_37) -> (vector<16xf32>)  : i32 {
      %parallel_loop3A_185 = arith.constant 16 : i32
      %parallel_loop3A_186 = arith.muli %parallel_loop3A_183, %parallel_loop3A_185 : i32
      %parallel_loop3A_187 = arith.index_cast %parallel_loop3A_186 : i32 to index
      %parallel_loop3A_188 = tpu.vector_load %arg13[%parallel_loop3A_187] {strides = array<i32>} : memref<4096xf32, #tpu.memory_space<vmem>>, vector<16xf32>,
      %parallel_loop3A_189 = arith.index_cast %parallel_loop3A_186 : i32 to index
      %parallel_loop3A_190 = tpu.vector_load %arg14[%parallel_loop3A_189] {strides = array<i32>} : memref<4096xf32, #tpu.memory_space<vmem>>, vector<16xf32>,
      %parallel_loop3A_191 = arith.index_cast %parallel_loop3A_186 : i32 to index
      %parallel_loop3A_192 = tpu.vector_load %arg15[%parallel_loop3A_191] {strides = array<i32>} : memref<4096xf32, #tpu.memory_space<vmem>>, vector<16xf32>,
      %parallel_loop3A_193 = arith.index_cast %parallel_loop3A_186 : i32 to index
      %parallel_loop3A_194 = tpu.vector_load %arg16[%parallel_loop3A_193] {strides = array<i32>} : memref<4096xi32, #tpu.memory_space<vmem>>, vector<16xi32>,
      %parallel_loop3A_195 = arith.sitofp %parallel_loop3A_194 : vector<16xi32> to vector<16xf32>
      %parallel_loop3A_196 = math.exp %parallel_loop3A_188 : vector<16xf32>
      %parallel_loop3A_197 = arith.constant 8.192000e+03 : f32
      %parallel_loop3A_198 = vector.broadcast %parallel_loop3A_197 : f32 to vector<16xf32>
      %parallel_loop3A_199 = arith.mulf %parallel_loop3A_195, %parallel_loop3A_198 : vector<16xf32>
      %parallel_loop3A_200 = arith.addf %parallel_loop3A_196, %parallel_loop3A_199 : vector<16xf32>
      %parallel_loop3A_201 = arith.constant 2.048000e+03 : f32
      %parallel_loop3A_202 = vector.broadcast %parallel_loop3A_201 : f32 to vector<16xf32>
      %parallel_loop3A_203 = arith.mulf %parallel_loop3A_190, %parallel_loop3A_202 : vector<16xf32>
      %parallel_loop3A_204 = arith.fptosi %parallel_loop3A_203 : vector<16xf32> to vector<16xi32>
      %parallel_loop3A_205 = arith.constant 2.048000e+03 : f32
      %parallel_loop3A_206 = vector.broadcast %parallel_loop3A_205 : f32 to vector<16xf32>
      %parallel_loop3A_207 = arith.mulf %parallel_loop3A_192, %parallel_loop3A_206 : vector<16xf32>
      %parallel_loop3A_208 = arith.fptosi %parallel_loop3A_207 : vector<16xf32> to vector<16xi32>
      tpu.vector_store_idx %arg17[%parallel_loop3A_204], %parallel_loop3A_200 {add = true} : memref<2048xf32, #tpu.memory_space<vmem>>[vector<16xi32>], vector<16xf32>,
      tpu.vector_store_idx %arg18[%parallel_loop3A_208], %parallel_loop3A_200 {add = true} : memref<2048xf32, #tpu.memory_space<vmem>>[vector<16xi32>], vector<16xf32>,
      %parallel_loop3A_209 = arith.mulf %parallel_loop3A_195, %parallel_loop3A_188 : vector<16xf32>
      %parallel_loop3A_210 = arith.addf %parallel_loop3A_184, %parallel_loop3A_209 : vector<16xf32>
      scf.yield %parallel_loop3A_210 : vector<16xf32>
    } {sc.loop_unroll_factor = 8 : i64, sc.parallel_access}
    %dma_wait3A_60 = tpu.memref_slice %arg2[%add3A_47] : memref<1048576xf32, #tpu.memory_space<hbm>> -> memref<4096xf32, #tpu.memory_space<hbm>>
    %dma_wait3A_61 = tpu.memref_slice %arg2[%add3A_47] : memref<1048576xf32, #tpu.memory_space<hbm>> -> memref<4096xf32, #tpu.memory_space<hbm>>
    tpu.wait_dma2 semaphore(%arg20 : memref<!tpu.dma_semaphore, #tpu.memory_space<semaphore_mem>>) src(%dma_wait3A_61 : memref<4096xf32, #tpu.memory_space<hbm>>) dst(%arg9 : memref<4096xf32, #tpu.memory_space<vmem>>)
    %dma_wait3A_62 = tpu.memref_slice %arg3[%add3A_47] : memref<1048576xf32, #tpu.memory_space<hbm>> -> memref<4096xf32, #tpu.memory_space<hbm>>
    %dma_wait3A_63 = tpu.memref_slice %arg3[%add3A_47] : memref<1048576xf32, #tpu.memory_space<hbm>> -> memref<4096xf32, #tpu.memory_space<hbm>>
    tpu.wait_dma2 semaphore(%arg20 : memref<!tpu.dma_semaphore, #tpu.memory_space<semaphore_mem>>) src(%dma_wait3A_63 : memref<4096xf32, #tpu.memory_space<hbm>>) dst(%arg10 : memref<4096xf32, #tpu.memory_space<vmem>>)
    %dma_wait3A_64 = tpu.memref_slice %arg4[%add3A_47] : memref<1048576xf32, #tpu.memory_space<hbm>> -> memref<4096xf32, #tpu.memory_space<hbm>>
    %dma_wait3A_65 = tpu.memref_slice %arg4[%add3A_47] : memref<1048576xf32, #tpu.memory_space<hbm>> -> memref<4096xf32, #tpu.memory_space<hbm>>
    tpu.wait_dma2 semaphore(%arg20 : memref<!tpu.dma_semaphore, #tpu.memory_space<semaphore_mem>>) src(%dma_wait3A_65 : memref<4096xf32, #tpu.memory_space<hbm>>) dst(%arg11 : memref<4096xf32, #tpu.memory_space<vmem>>)
    %dma_wait3A_66 = tpu.memref_slice %arg5[%add3A_47] : memref<1048576xi32, #tpu.memory_space<hbm>> -> memref<4096xi32, #tpu.memory_space<hbm>>
    %dma_wait3A_67 = tpu.memref_slice %arg5[%add3A_47] : memref<1048576xi32, #tpu.memory_space<hbm>> -> memref<4096xi32, #tpu.memory_space<hbm>>
    tpu.wait_dma2 semaphore(%arg20 : memref<!tpu.dma_semaphore, #tpu.memory_space<semaphore_mem>>) src(%dma_wait3A_67 : memref<4096xi32, #tpu.memory_space<hbm>>) dst(%arg12 : memref<4096xi32, #tpu.memory_space<vmem>>)
    %add3A_68 = arith.constant 12288 : i32
    %add3A_69 = arith.addi %mul3A_2, %add3A_68 : i32
    %dma_start3A_70 = tpu.memref_slice %arg2[%add3A_69] : memref<1048576xf32, #tpu.memory_space<hbm>> -> memref<4096xf32, #tpu.memory_space<hbm>>
    %dma_start3A_71 = tpu.memref_slice %arg2[%add3A_69] : memref<1048576xf32, #tpu.memory_space<hbm>> -> memref<4096xf32, #tpu.memory_space<hbm>>
    tpu.enqueue_dma source(%dma_start3A_71 : memref<4096xf32, #tpu.memory_space<hbm>>) target(%arg13 : memref<4096xf32, #tpu.memory_space<vmem>>) target_semaphore(%arg20 : memref<!tpu.dma_semaphore, #tpu.memory_space<semaphore_mem>>)
    %dma_start3A_72 = tpu.memref_slice %arg3[%add3A_69] : memref<1048576xf32, #tpu.memory_space<hbm>> -> memref<4096xf32, #tpu.memory_space<hbm>>
    %dma_start3A_73 = tpu.memref_slice %arg3[%add3A_69] : memref<1048576xf32, #tpu.memory_space<hbm>> -> memref<4096xf32, #tpu.memory_space<hbm>>
    tpu.enqueue_dma source(%dma_start3A_73 : memref<4096xf32, #tpu.memory_space<hbm>>) target(%arg14 : memref<4096xf32, #tpu.memory_space<vmem>>) target_semaphore(%arg20 : memref<!tpu.dma_semaphore, #tpu.memory_space<semaphore_mem>>)
    %dma_start3A_74 = tpu.memref_slice %arg4[%add3A_69] : memref<1048576xf32, #tpu.memory_space<hbm>> -> memref<4096xf32, #tpu.memory_space<hbm>>
    %dma_start3A_75 = tpu.memref_slice %arg4[%add3A_69] : memref<1048576xf32, #tpu.memory_space<hbm>> -> memref<4096xf32, #tpu.memory_space<hbm>>
    tpu.enqueue_dma source(%dma_start3A_75 : memref<4096xf32, #tpu.memory_space<hbm>>) target(%arg15 : memref<4096xf32, #tpu.memory_space<vmem>>) target_semaphore(%arg20 : memref<!tpu.dma_semaphore, #tpu.memory_space<semaphore_mem>>)
    %dma_start3A_76 = tpu.memref_slice %arg5[%add3A_69] : memref<1048576xi32, #tpu.memory_space<hbm>> -> memref<4096xi32, #tpu.memory_space<hbm>>
    %dma_start3A_77 = tpu.memref_slice %arg5[%add3A_69] : memref<1048576xi32, #tpu.memory_space<hbm>> -> memref<4096xi32, #tpu.memory_space<hbm>>
    tpu.enqueue_dma source(%dma_start3A_77 : memref<4096xi32, #tpu.memory_space<hbm>>) target(%arg16 : memref<4096xi32, #tpu.memory_space<vmem>>) target_semaphore(%arg20 : memref<!tpu.dma_semaphore, #tpu.memory_space<semaphore_mem>>)
    %parallel_loop3A_78 = arith.constant 0 : i32
    %parallel_loop3A_79 = arith.constant 256 : i32
    %parallel_loop3A_80 = arith.constant 1 : i32
    %parallel_loop3A_81 = scf.for %parallel_loop3A_183 = %parallel_loop3A_78 to %parallel_loop3A_79 step %parallel_loop3A_80 iter_args(%parallel_loop3A_184 = %parallel_loop3A_59) -> (vector<16xf32>)  : i32 {
      %parallel_loop3A_185 = arith.constant 16 : i32
      %parallel_loop3A_186 = arith.muli %parallel_loop3A_183, %parallel_loop3A_185 : i32
      %parallel_loop3A_187 = arith.index_cast %parallel_loop3A_186 : i32 to index
      %parallel_loop3A_188 = tpu.vector_load %arg9[%parallel_loop3A_187] {strides = array<i32>} : memref<4096xf32, #tpu.memory_space<vmem>>, vector<16xf32>,
      %parallel_loop3A_189 = arith.index_cast %parallel_loop3A_186 : i32 to index
      %parallel_loop3A_190 = tpu.vector_load %arg10[%parallel_loop3A_189] {strides = array<i32>} : memref<4096xf32, #tpu.memory_space<vmem>>, vector<16xf32>,
      %parallel_loop3A_191 = arith.index_cast %parallel_loop3A_186 : i32 to index
      %parallel_loop3A_192 = tpu.vector_load %arg11[%parallel_loop3A_191] {strides = array<i32>} : memref<4096xf32, #tpu.memory_space<vmem>>, vector<16xf32>,
      %parallel_loop3A_193 = arith.index_cast %parallel_loop3A_186 : i32 to index
      %parallel_loop3A_194 = tpu.vector_load %arg12[%parallel_loop3A_193] {strides = array<i32>} : memref<4096xi32, #tpu.memory_space<vmem>>, vector<16xi32>,
      %parallel_loop3A_195 = arith.sitofp %parallel_loop3A_194 : vector<16xi32> to vector<16xf32>
      %parallel_loop3A_196 = math.exp %parallel_loop3A_188 : vector<16xf32>
      %parallel_loop3A_197 = arith.constant 8.192000e+03 : f32
      %parallel_loop3A_198 = vector.broadcast %parallel_loop3A_197 : f32 to vector<16xf32>
      %parallel_loop3A_199 = arith.mulf %parallel_loop3A_195, %parallel_loop3A_198 : vector<16xf32>
      %parallel_loop3A_200 = arith.addf %parallel_loop3A_196, %parallel_loop3A_199 : vector<16xf32>
      %parallel_loop3A_201 = arith.constant 2.048000e+03 : f32
      %parallel_loop3A_202 = vector.broadcast %parallel_loop3A_201 : f32 to vector<16xf32>
      %parallel_loop3A_203 = arith.mulf %parallel_loop3A_190, %parallel_loop3A_202 : vector<16xf32>
      %parallel_loop3A_204 = arith.fptosi %parallel_loop3A_203 : vector<16xf32> to vector<16xi32>
      %parallel_loop3A_205 = arith.constant 2.048000e+03 : f32
      %parallel_loop3A_206 = vector.broadcast %parallel_loop3A_205 : f32 to vector<16xf32>
      %parallel_loop3A_207 = arith.mulf %parallel_loop3A_192, %parallel_loop3A_206 : vector<16xf32>
      %parallel_loop3A_208 = arith.fptosi %parallel_loop3A_207 : vector<16xf32> to vector<16xi32>
      tpu.vector_store_idx %arg17[%parallel_loop3A_204], %parallel_loop3A_200 {add = true} : memref<2048xf32, #tpu.memory_space<vmem>>[vector<16xi32>], vector<16xf32>,
      tpu.vector_store_idx %arg18[%parallel_loop3A_208], %parallel_loop3A_200 {add = true} : memref<2048xf32, #tpu.memory_space<vmem>>[vector<16xi32>], vector<16xf32>,
      %parallel_loop3A_209 = arith.mulf %parallel_loop3A_195, %parallel_loop3A_188 : vector<16xf32>
      %parallel_loop3A_210 = arith.addf %parallel_loop3A_184, %parallel_loop3A_209 : vector<16xf32>
      scf.yield %parallel_loop3A_210 : vector<16xf32>
    } {sc.loop_unroll_factor = 8 : i64, sc.parallel_access}
    %dma_wait3A_82 = tpu.memref_slice %arg2[%add3A_69] : memref<1048576xf32, #tpu.memory_space<hbm>> -> memref<4096xf32, #tpu.memory_space<hbm>>
    %dma_wait3A_83 = tpu.memref_slice %arg2[%add3A_69] : memref<1048576xf32, #tpu.memory_space<hbm>> -> memref<4096xf32, #tpu.memory_space<hbm>>
    tpu.wait_dma2 semaphore(%arg20 : memref<!tpu.dma_semaphore, #tpu.memory_space<semaphore_mem>>) src(%dma_wait3A_83 : memref<4096xf32, #tpu.memory_space<hbm>>) dst(%arg13 : memref<4096xf32, #tpu.memory_space<vmem>>)
    %dma_wait3A_84 = tpu.memref_slice %arg3[%add3A_69] : memref<1048576xf32, #tpu.memory_space<hbm>> -> memref<4096xf32, #tpu.memory_space<hbm>>
    %dma_wait3A_85 = tpu.memref_slice %arg3[%add3A_69] : memref<1048576xf32, #tpu.memory_space<hbm>> -> memref<4096xf32, #tpu.memory_space<hbm>>
    tpu.wait_dma2 semaphore(%arg20 : memref<!tpu.dma_semaphore, #tpu.memory_space<semaphore_mem>>) src(%dma_wait3A_85 : memref<4096xf32, #tpu.memory_space<hbm>>) dst(%arg14 : memref<4096xf32, #tpu.memory_space<vmem>>)
    %dma_wait3A_86 = tpu.memref_slice %arg4[%add3A_69] : memref<1048576xf32, #tpu.memory_space<hbm>> -> memref<4096xf32, #tpu.memory_space<hbm>>
    %dma_wait3A_87 = tpu.memref_slice %arg4[%add3A_69] : memref<1048576xf32, #tpu.memory_space<hbm>> -> memref<4096xf32, #tpu.memory_space<hbm>>
    tpu.wait_dma2 semaphore(%arg20 : memref<!tpu.dma_semaphore, #tpu.memory_space<semaphore_mem>>) src(%dma_wait3A_87 : memref<4096xf32, #tpu.memory_space<hbm>>) dst(%arg15 : memref<4096xf32, #tpu.memory_space<vmem>>)
    %dma_wait3A_88 = tpu.memref_slice %arg5[%add3A_69] : memref<1048576xi32, #tpu.memory_space<hbm>> -> memref<4096xi32, #tpu.memory_space<hbm>>
    %dma_wait3A_89 = tpu.memref_slice %arg5[%add3A_69] : memref<1048576xi32, #tpu.memory_space<hbm>> -> memref<4096xi32, #tpu.memory_space<hbm>>
    tpu.wait_dma2 semaphore(%arg20 : memref<!tpu.dma_semaphore, #tpu.memory_space<semaphore_mem>>) src(%dma_wait3A_89 : memref<4096xi32, #tpu.memory_space<hbm>>) dst(%arg16 : memref<4096xi32, #tpu.memory_space<vmem>>)
    %add3A_90 = arith.constant 16384 : i32
    %add3A_91 = arith.addi %mul3A_2, %add3A_90 : i32
    %dma_start3A_92 = tpu.memref_slice %arg2[%add3A_91] : memref<1048576xf32, #tpu.memory_space<hbm>> -> memref<4096xf32, #tpu.memory_space<hbm>>
    %dma_start3A_93 = tpu.memref_slice %arg2[%add3A_91] : memref<1048576xf32, #tpu.memory_space<hbm>> -> memref<4096xf32, #tpu.memory_space<hbm>>
    tpu.enqueue_dma source(%dma_start3A_93 : memref<4096xf32, #tpu.memory_space<hbm>>) target(%arg9 : memref<4096xf32, #tpu.memory_space<vmem>>) target_semaphore(%arg20 : memref<!tpu.dma_semaphore, #tpu.memory_space<semaphore_mem>>)
    %dma_start3A_94 = tpu.memref_slice %arg3[%add3A_91] : memref<1048576xf32, #tpu.memory_space<hbm>> -> memref<4096xf32, #tpu.memory_space<hbm>>
    %dma_start3A_95 = tpu.memref_slice %arg3[%add3A_91] : memref<1048576xf32, #tpu.memory_space<hbm>> -> memref<4096xf32, #tpu.memory_space<hbm>>
    tpu.enqueue_dma source(%dma_start3A_95 : memref<4096xf32, #tpu.memory_space<hbm>>) target(%arg10 : memref<4096xf32, #tpu.memory_space<vmem>>) target_semaphore(%arg20 : memref<!tpu.dma_semaphore, #tpu.memory_space<semaphore_mem>>)
    %dma_start3A_96 = tpu.memref_slice %arg4[%add3A_91] : memref<1048576xf32, #tpu.memory_space<hbm>> -> memref<4096xf32, #tpu.memory_space<hbm>>
    %dma_start3A_97 = tpu.memref_slice %arg4[%add3A_91] : memref<1048576xf32, #tpu.memory_space<hbm>> -> memref<4096xf32, #tpu.memory_space<hbm>>
    tpu.enqueue_dma source(%dma_start3A_97 : memref<4096xf32, #tpu.memory_space<hbm>>) target(%arg11 : memref<4096xf32, #tpu.memory_space<vmem>>) target_semaphore(%arg20 : memref<!tpu.dma_semaphore, #tpu.memory_space<semaphore_mem>>)
    %dma_start3A_98 = tpu.memref_slice %arg5[%add3A_91] : memref<1048576xi32, #tpu.memory_space<hbm>> -> memref<4096xi32, #tpu.memory_space<hbm>>
    %dma_start3A_99 = tpu.memref_slice %arg5[%add3A_91] : memref<1048576xi32, #tpu.memory_space<hbm>> -> memref<4096xi32, #tpu.memory_space<hbm>>
    tpu.enqueue_dma source(%dma_start3A_99 : memref<4096xi32, #tpu.memory_space<hbm>>) target(%arg12 : memref<4096xi32, #tpu.memory_space<vmem>>) target_semaphore(%arg20 : memref<!tpu.dma_semaphore, #tpu.memory_space<semaphore_mem>>)
    %parallel_loop3A_100 = arith.constant 0 : i32
    %parallel_loop3A_101 = arith.constant 256 : i32
    %parallel_loop3A_102 = arith.constant 1 : i32
    %parallel_loop3A_103 = scf.for %parallel_loop3A_183 = %parallel_loop3A_100 to %parallel_loop3A_101 step %parallel_loop3A_102 iter_args(%parallel_loop3A_184 = %parallel_loop3A_81) -> (vector<16xf32>)  : i32 {
      %parallel_loop3A_185 = arith.constant 16 : i32
      %parallel_loop3A_186 = arith.muli %parallel_loop3A_183, %parallel_loop3A_185 : i32
      %parallel_loop3A_187 = arith.index_cast %parallel_loop3A_186 : i32 to index
      %parallel_loop3A_188 = tpu.vector_load %arg13[%parallel_loop3A_187] {strides = array<i32>} : memref<4096xf32, #tpu.memory_space<vmem>>, vector<16xf32>,
      %parallel_loop3A_189 = arith.index_cast %parallel_loop3A_186 : i32 to index
      %parallel_loop3A_190 = tpu.vector_load %arg14[%parallel_loop3A_189] {strides = array<i32>} : memref<4096xf32, #tpu.memory_space<vmem>>, vector<16xf32>,
      %parallel_loop3A_191 = arith.index_cast %parallel_loop3A_186 : i32 to index
      %parallel_loop3A_192 = tpu.vector_load %arg15[%parallel_loop3A_191] {strides = array<i32>} : memref<4096xf32, #tpu.memory_space<vmem>>, vector<16xf32>,
      %parallel_loop3A_193 = arith.index_cast %parallel_loop3A_186 : i32 to index
      %parallel_loop3A_194 = tpu.vector_load %arg16[%parallel_loop3A_193] {strides = array<i32>} : memref<4096xi32, #tpu.memory_space<vmem>>, vector<16xi32>,
      %parallel_loop3A_195 = arith.sitofp %parallel_loop3A_194 : vector<16xi32> to vector<16xf32>
      %parallel_loop3A_196 = math.exp %parallel_loop3A_188 : vector<16xf32>
      %parallel_loop3A_197 = arith.constant 8.192000e+03 : f32
      %parallel_loop3A_198 = vector.broadcast %parallel_loop3A_197 : f32 to vector<16xf32>
      %parallel_loop3A_199 = arith.mulf %parallel_loop3A_195, %parallel_loop3A_198 : vector<16xf32>
      %parallel_loop3A_200 = arith.addf %parallel_loop3A_196, %parallel_loop3A_199 : vector<16xf32>
      %parallel_loop3A_201 = arith.constant 2.048000e+03 : f32
      %parallel_loop3A_202 = vector.broadcast %parallel_loop3A_201 : f32 to vector<16xf32>
      %parallel_loop3A_203 = arith.mulf %parallel_loop3A_190, %parallel_loop3A_202 : vector<16xf32>
      %parallel_loop3A_204 = arith.fptosi %parallel_loop3A_203 : vector<16xf32> to vector<16xi32>
      %parallel_loop3A_205 = arith.constant 2.048000e+03 : f32
      %parallel_loop3A_206 = vector.broadcast %parallel_loop3A_205 : f32 to vector<16xf32>
      %parallel_loop3A_207 = arith.mulf %parallel_loop3A_192, %parallel_loop3A_206 : vector<16xf32>
      %parallel_loop3A_208 = arith.fptosi %parallel_loop3A_207 : vector<16xf32> to vector<16xi32>
      tpu.vector_store_idx %arg17[%parallel_loop3A_204], %parallel_loop3A_200 {add = true} : memref<2048xf32, #tpu.memory_space<vmem>>[vector<16xi32>], vector<16xf32>,
      tpu.vector_store_idx %arg18[%parallel_loop3A_208], %parallel_loop3A_200 {add = true} : memref<2048xf32, #tpu.memory_space<vmem>>[vector<16xi32>], vector<16xf32>,
      %parallel_loop3A_209 = arith.mulf %parallel_loop3A_195, %parallel_loop3A_188 : vector<16xf32>
      %parallel_loop3A_210 = arith.addf %parallel_loop3A_184, %parallel_loop3A_209 : vector<16xf32>
      scf.yield %parallel_loop3A_210 : vector<16xf32>
    } {sc.loop_unroll_factor = 8 : i64, sc.parallel_access}
    %dma_wait3A_104 = tpu.memref_slice %arg2[%add3A_91] : memref<1048576xf32, #tpu.memory_space<hbm>> -> memref<4096xf32, #tpu.memory_space<hbm>>
    %dma_wait3A_105 = tpu.memref_slice %arg2[%add3A_91] : memref<1048576xf32, #tpu.memory_space<hbm>> -> memref<4096xf32, #tpu.memory_space<hbm>>
    tpu.wait_dma2 semaphore(%arg20 : memref<!tpu.dma_semaphore, #tpu.memory_space<semaphore_mem>>) src(%dma_wait3A_105 : memref<4096xf32, #tpu.memory_space<hbm>>) dst(%arg9 : memref<4096xf32, #tpu.memory_space<vmem>>)
    %dma_wait3A_106 = tpu.memref_slice %arg3[%add3A_91] : memref<1048576xf32, #tpu.memory_space<hbm>> -> memref<4096xf32, #tpu.memory_space<hbm>>
    %dma_wait3A_107 = tpu.memref_slice %arg3[%add3A_91] : memref<1048576xf32, #tpu.memory_space<hbm>> -> memref<4096xf32, #tpu.memory_space<hbm>>
    tpu.wait_dma2 semaphore(%arg20 : memref<!tpu.dma_semaphore, #tpu.memory_space<semaphore_mem>>) src(%dma_wait3A_107 : memref<4096xf32, #tpu.memory_space<hbm>>) dst(%arg10 : memref<4096xf32, #tpu.memory_space<vmem>>)
    %dma_wait3A_108 = tpu.memref_slice %arg4[%add3A_91] : memref<1048576xf32, #tpu.memory_space<hbm>> -> memref<4096xf32, #tpu.memory_space<hbm>>
    %dma_wait3A_109 = tpu.memref_slice %arg4[%add3A_91] : memref<1048576xf32, #tpu.memory_space<hbm>> -> memref<4096xf32, #tpu.memory_space<hbm>>
    tpu.wait_dma2 semaphore(%arg20 : memref<!tpu.dma_semaphore, #tpu.memory_space<semaphore_mem>>) src(%dma_wait3A_109 : memref<4096xf32, #tpu.memory_space<hbm>>) dst(%arg11 : memref<4096xf32, #tpu.memory_space<vmem>>)
    %dma_wait3A_110 = tpu.memref_slice %arg5[%add3A_91] : memref<1048576xi32, #tpu.memory_space<hbm>> -> memref<4096xi32, #tpu.memory_space<hbm>>
    %dma_wait3A_111 = tpu.memref_slice %arg5[%add3A_91] : memref<1048576xi32, #tpu.memory_space<hbm>> -> memref<4096xi32, #tpu.memory_space<hbm>>
    tpu.wait_dma2 semaphore(%arg20 : memref<!tpu.dma_semaphore, #tpu.memory_space<semaphore_mem>>) src(%dma_wait3A_111 : memref<4096xi32, #tpu.memory_space<hbm>>) dst(%arg12 : memref<4096xi32, #tpu.memory_space<vmem>>)
    %add3A_112 = arith.constant 20480 : i32
    %add3A_113 = arith.addi %mul3A_2, %add3A_112 : i32
    %dma_start3A_114 = tpu.memref_slice %arg2[%add3A_113] : memref<1048576xf32, #tpu.memory_space<hbm>> -> memref<4096xf32, #tpu.memory_space<hbm>>
    %dma_start3A_115 = tpu.memref_slice %arg2[%add3A_113] : memref<1048576xf32, #tpu.memory_space<hbm>> -> memref<4096xf32, #tpu.memory_space<hbm>>
    tpu.enqueue_dma source(%dma_start3A_115 : memref<4096xf32, #tpu.memory_space<hbm>>) target(%arg13 : memref<4096xf32, #tpu.memory_space<vmem>>) target_semaphore(%arg20 : memref<!tpu.dma_semaphore, #tpu.memory_space<semaphore_mem>>)
    %dma_start3A_116 = tpu.memref_slice %arg3[%add3A_113] : memref<1048576xf32, #tpu.memory_space<hbm>> -> memref<4096xf32, #tpu.memory_space<hbm>>
    %dma_start3A_117 = tpu.memref_slice %arg3[%add3A_113] : memref<1048576xf32, #tpu.memory_space<hbm>> -> memref<4096xf32, #tpu.memory_space<hbm>>
    tpu.enqueue_dma source(%dma_start3A_117 : memref<4096xf32, #tpu.memory_space<hbm>>) target(%arg14 : memref<4096xf32, #tpu.memory_space<vmem>>) target_semaphore(%arg20 : memref<!tpu.dma_semaphore, #tpu.memory_space<semaphore_mem>>)
    %dma_start3A_118 = tpu.memref_slice %arg4[%add3A_113] : memref<1048576xf32, #tpu.memory_space<hbm>> -> memref<4096xf32, #tpu.memory_space<hbm>>
    %dma_start3A_119 = tpu.memref_slice %arg4[%add3A_113] : memref<1048576xf32, #tpu.memory_space<hbm>> -> memref<4096xf32, #tpu.memory_space<hbm>>
    tpu.enqueue_dma source(%dma_start3A_119 : memref<4096xf32, #tpu.memory_space<hbm>>) target(%arg15 : memref<4096xf32, #tpu.memory_space<vmem>>) target_semaphore(%arg20 : memref<!tpu.dma_semaphore, #tpu.memory_space<semaphore_mem>>)
    %dma_start3A_120 = tpu.memref_slice %arg5[%add3A_113] : memref<1048576xi32, #tpu.memory_space<hbm>> -> memref<4096xi32, #tpu.memory_space<hbm>>
    %dma_start3A_121 = tpu.memref_slice %arg5[%add3A_113] : memref<1048576xi32, #tpu.memory_space<hbm>> -> memref<4096xi32, #tpu.memory_space<hbm>>
    tpu.enqueue_dma source(%dma_start3A_121 : memref<4096xi32, #tpu.memory_space<hbm>>) target(%arg16 : memref<4096xi32, #tpu.memory_space<vmem>>) target_semaphore(%arg20 : memref<!tpu.dma_semaphore, #tpu.memory_space<semaphore_mem>>)
    %parallel_loop3A_122 = arith.constant 0 : i32
    %parallel_loop3A_123 = arith.constant 256 : i32
    %parallel_loop3A_124 = arith.constant 1 : i32
    %parallel_loop3A_125 = scf.for %parallel_loop3A_183 = %parallel_loop3A_122 to %parallel_loop3A_123 step %parallel_loop3A_124 iter_args(%parallel_loop3A_184 = %parallel_loop3A_103) -> (vector<16xf32>)  : i32 {
      %parallel_loop3A_185 = arith.constant 16 : i32
      %parallel_loop3A_186 = arith.muli %parallel_loop3A_183, %parallel_loop3A_185 : i32
      %parallel_loop3A_187 = arith.index_cast %parallel_loop3A_186 : i32 to index
      %parallel_loop3A_188 = tpu.vector_load %arg9[%parallel_loop3A_187] {strides = array<i32>} : memref<4096xf32, #tpu.memory_space<vmem>>, vector<16xf32>,
      %parallel_loop3A_189 = arith.index_cast %parallel_loop3A_186 : i32 to index
      %parallel_loop3A_190 = tpu.vector_load %arg10[%parallel_loop3A_189] {strides = array<i32>} : memref<4096xf32, #tpu.memory_space<vmem>>, vector<16xf32>,
      %parallel_loop3A_191 = arith.index_cast %parallel_loop3A_186 : i32 to index
      %parallel_loop3A_192 = tpu.vector_load %arg11[%parallel_loop3A_191] {strides = array<i32>} : memref<4096xf32, #tpu.memory_space<vmem>>, vector<16xf32>,
      %parallel_loop3A_193 = arith.index_cast %parallel_loop3A_186 : i32 to index
      %parallel_loop3A_194 = tpu.vector_load %arg12[%parallel_loop3A_193] {strides = array<i32>} : memref<4096xi32, #tpu.memory_space<vmem>>, vector<16xi32>,
      %parallel_loop3A_195 = arith.sitofp %parallel_loop3A_194 : vector<16xi32> to vector<16xf32>
      %parallel_loop3A_196 = math.exp %parallel_loop3A_188 : vector<16xf32>
      %parallel_loop3A_197 = arith.constant 8.192000e+03 : f32
      %parallel_loop3A_198 = vector.broadcast %parallel_loop3A_197 : f32 to vector<16xf32>
      %parallel_loop3A_199 = arith.mulf %parallel_loop3A_195, %parallel_loop3A_198 : vector<16xf32>
      %parallel_loop3A_200 = arith.addf %parallel_loop3A_196, %parallel_loop3A_199 : vector<16xf32>
      %parallel_loop3A_201 = arith.constant 2.048000e+03 : f32
      %parallel_loop3A_202 = vector.broadcast %parallel_loop3A_201 : f32 to vector<16xf32>
      %parallel_loop3A_203 = arith.mulf %parallel_loop3A_190, %parallel_loop3A_202 : vector<16xf32>
      %parallel_loop3A_204 = arith.fptosi %parallel_loop3A_203 : vector<16xf32> to vector<16xi32>
      %parallel_loop3A_205 = arith.constant 2.048000e+03 : f32
      %parallel_loop3A_206 = vector.broadcast %parallel_loop3A_205 : f32 to vector<16xf32>
      %parallel_loop3A_207 = arith.mulf %parallel_loop3A_192, %parallel_loop3A_206 : vector<16xf32>
      %parallel_loop3A_208 = arith.fptosi %parallel_loop3A_207 : vector<16xf32> to vector<16xi32>
      tpu.vector_store_idx %arg17[%parallel_loop3A_204], %parallel_loop3A_200 {add = true} : memref<2048xf32, #tpu.memory_space<vmem>>[vector<16xi32>], vector<16xf32>,
      tpu.vector_store_idx %arg18[%parallel_loop3A_208], %parallel_loop3A_200 {add = true} : memref<2048xf32, #tpu.memory_space<vmem>>[vector<16xi32>], vector<16xf32>,
      %parallel_loop3A_209 = arith.mulf %parallel_loop3A_195, %parallel_loop3A_188 : vector<16xf32>
      %parallel_loop3A_210 = arith.addf %parallel_loop3A_184, %parallel_loop3A_209 : vector<16xf32>
      scf.yield %parallel_loop3A_210 : vector<16xf32>
    } {sc.loop_unroll_factor = 8 : i64, sc.parallel_access}
    %dma_wait3A_126 = tpu.memref_slice %arg2[%add3A_113] : memref<1048576xf32, #tpu.memory_space<hbm>> -> memref<4096xf32, #tpu.memory_space<hbm>>
    %dma_wait3A_127 = tpu.memref_slice %arg2[%add3A_113] : memref<1048576xf32, #tpu.memory_space<hbm>> -> memref<4096xf32, #tpu.memory_space<hbm>>
    tpu.wait_dma2 semaphore(%arg20 : memref<!tpu.dma_semaphore, #tpu.memory_space<semaphore_mem>>) src(%dma_wait3A_127 : memref<4096xf32, #tpu.memory_space<hbm>>) dst(%arg13 : memref<4096xf32, #tpu.memory_space<vmem>>)
    %dma_wait3A_128 = tpu.memref_slice %arg3[%add3A_113] : memref<1048576xf32, #tpu.memory_space<hbm>> -> memref<4096xf32, #tpu.memory_space<hbm>>
    %dma_wait3A_129 = tpu.memref_slice %arg3[%add3A_113] : memref<1048576xf32, #tpu.memory_space<hbm>> -> memref<4096xf32, #tpu.memory_space<hbm>>
    tpu.wait_dma2 semaphore(%arg20 : memref<!tpu.dma_semaphore, #tpu.memory_space<semaphore_mem>>) src(%dma_wait3A_129 : memref<4096xf32, #tpu.memory_space<hbm>>) dst(%arg14 : memref<4096xf32, #tpu.memory_space<vmem>>)
    %dma_wait3A_130 = tpu.memref_slice %arg4[%add3A_113] : memref<1048576xf32, #tpu.memory_space<hbm>> -> memref<4096xf32, #tpu.memory_space<hbm>>
    %dma_wait3A_131 = tpu.memref_slice %arg4[%add3A_113] : memref<1048576xf32, #tpu.memory_space<hbm>> -> memref<4096xf32, #tpu.memory_space<hbm>>
    tpu.wait_dma2 semaphore(%arg20 : memref<!tpu.dma_semaphore, #tpu.memory_space<semaphore_mem>>) src(%dma_wait3A_131 : memref<4096xf32, #tpu.memory_space<hbm>>) dst(%arg15 : memref<4096xf32, #tpu.memory_space<vmem>>)
    %dma_wait3A_132 = tpu.memref_slice %arg5[%add3A_113] : memref<1048576xi32, #tpu.memory_space<hbm>> -> memref<4096xi32, #tpu.memory_space<hbm>>
    %dma_wait3A_133 = tpu.memref_slice %arg5[%add3A_113] : memref<1048576xi32, #tpu.memory_space<hbm>> -> memref<4096xi32, #tpu.memory_space<hbm>>
    tpu.wait_dma2 semaphore(%arg20 : memref<!tpu.dma_semaphore, #tpu.memory_space<semaphore_mem>>) src(%dma_wait3A_133 : memref<4096xi32, #tpu.memory_space<hbm>>) dst(%arg16 : memref<4096xi32, #tpu.memory_space<vmem>>)
    %add3A_134 = arith.constant 24576 : i32
    %add3A_135 = arith.addi %mul3A_2, %add3A_134 : i32
    %dma_start3A_136 = tpu.memref_slice %arg2[%add3A_135] : memref<1048576xf32, #tpu.memory_space<hbm>> -> memref<4096xf32, #tpu.memory_space<hbm>>
    %dma_start3A_137 = tpu.memref_slice %arg2[%add3A_135] : memref<1048576xf32, #tpu.memory_space<hbm>> -> memref<4096xf32, #tpu.memory_space<hbm>>
    tpu.enqueue_dma source(%dma_start3A_137 : memref<4096xf32, #tpu.memory_space<hbm>>) target(%arg9 : memref<4096xf32, #tpu.memory_space<vmem>>) target_semaphore(%arg20 : memref<!tpu.dma_semaphore, #tpu.memory_space<semaphore_mem>>)
    %dma_start3A_138 = tpu.memref_slice %arg3[%add3A_135] : memref<1048576xf32, #tpu.memory_space<hbm>> -> memref<4096xf32, #tpu.memory_space<hbm>>
    %dma_start3A_139 = tpu.memref_slice %arg3[%add3A_135] : memref<1048576xf32, #tpu.memory_space<hbm>> -> memref<4096xf32, #tpu.memory_space<hbm>>
    tpu.enqueue_dma source(%dma_start3A_139 : memref<4096xf32, #tpu.memory_space<hbm>>) target(%arg10 : memref<4096xf32, #tpu.memory_space<vmem>>) target_semaphore(%arg20 : memref<!tpu.dma_semaphore, #tpu.memory_space<semaphore_mem>>)
    %dma_start3A_140 = tpu.memref_slice %arg4[%add3A_135] : memref<1048576xf32, #tpu.memory_space<hbm>> -> memref<4096xf32, #tpu.memory_space<hbm>>
    %dma_start3A_141 = tpu.memref_slice %arg4[%add3A_135] : memref<1048576xf32, #tpu.memory_space<hbm>> -> memref<4096xf32, #tpu.memory_space<hbm>>
    tpu.enqueue_dma source(%dma_start3A_141 : memref<4096xf32, #tpu.memory_space<hbm>>) target(%arg11 : memref<4096xf32, #tpu.memory_space<vmem>>) target_semaphore(%arg20 : memref<!tpu.dma_semaphore, #tpu.memory_space<semaphore_mem>>)
    %dma_start3A_142 = tpu.memref_slice %arg5[%add3A_135] : memref<1048576xi32, #tpu.memory_space<hbm>> -> memref<4096xi32, #tpu.memory_space<hbm>>
    %dma_start3A_143 = tpu.memref_slice %arg5[%add3A_135] : memref<1048576xi32, #tpu.memory_space<hbm>> -> memref<4096xi32, #tpu.memory_space<hbm>>
    tpu.enqueue_dma source(%dma_start3A_143 : memref<4096xi32, #tpu.memory_space<hbm>>) target(%arg12 : memref<4096xi32, #tpu.memory_space<vmem>>) target_semaphore(%arg20 : memref<!tpu.dma_semaphore, #tpu.memory_space<semaphore_mem>>)
    %parallel_loop3A_144 = arith.constant 0 : i32
    %parallel_loop3A_145 = arith.constant 256 : i32
    %parallel_loop3A_146 = arith.constant 1 : i32
    %parallel_loop3A_147 = scf.for %parallel_loop3A_183 = %parallel_loop3A_144 to %parallel_loop3A_145 step %parallel_loop3A_146 iter_args(%parallel_loop3A_184 = %parallel_loop3A_125) -> (vector<16xf32>)  : i32 {
      %parallel_loop3A_185 = arith.constant 16 : i32
      %parallel_loop3A_186 = arith.muli %parallel_loop3A_183, %parallel_loop3A_185 : i32
      %parallel_loop3A_187 = arith.index_cast %parallel_loop3A_186 : i32 to index
      %parallel_loop3A_188 = tpu.vector_load %arg13[%parallel_loop3A_187] {strides = array<i32>} : memref<4096xf32, #tpu.memory_space<vmem>>, vector<16xf32>,
      %parallel_loop3A_189 = arith.index_cast %parallel_loop3A_186 : i32 to index
      %parallel_loop3A_190 = tpu.vector_load %arg14[%parallel_loop3A_189] {strides = array<i32>} : memref<4096xf32, #tpu.memory_space<vmem>>, vector<16xf32>,
      %parallel_loop3A_191 = arith.index_cast %parallel_loop3A_186 : i32 to index
      %parallel_loop3A_192 = tpu.vector_load %arg15[%parallel_loop3A_191] {strides = array<i32>} : memref<4096xf32, #tpu.memory_space<vmem>>, vector<16xf32>,
      %parallel_loop3A_193 = arith.index_cast %parallel_loop3A_186 : i32 to index
      %parallel_loop3A_194 = tpu.vector_load %arg16[%parallel_loop3A_193] {strides = array<i32>} : memref<4096xi32, #tpu.memory_space<vmem>>, vector<16xi32>,
      %parallel_loop3A_195 = arith.sitofp %parallel_loop3A_194 : vector<16xi32> to vector<16xf32>
      %parallel_loop3A_196 = math.exp %parallel_loop3A_188 : vector<16xf32>
      %parallel_loop3A_197 = arith.constant 8.192000e+03 : f32
      %parallel_loop3A_198 = vector.broadcast %parallel_loop3A_197 : f32 to vector<16xf32>
      %parallel_loop3A_199 = arith.mulf %parallel_loop3A_195, %parallel_loop3A_198 : vector<16xf32>
      %parallel_loop3A_200 = arith.addf %parallel_loop3A_196, %parallel_loop3A_199 : vector<16xf32>
      %parallel_loop3A_201 = arith.constant 2.048000e+03 : f32
      %parallel_loop3A_202 = vector.broadcast %parallel_loop3A_201 : f32 to vector<16xf32>
      %parallel_loop3A_203 = arith.mulf %parallel_loop3A_190, %parallel_loop3A_202 : vector<16xf32>
      %parallel_loop3A_204 = arith.fptosi %parallel_loop3A_203 : vector<16xf32> to vector<16xi32>
      %parallel_loop3A_205 = arith.constant 2.048000e+03 : f32
      %parallel_loop3A_206 = vector.broadcast %parallel_loop3A_205 : f32 to vector<16xf32>
      %parallel_loop3A_207 = arith.mulf %parallel_loop3A_192, %parallel_loop3A_206 : vector<16xf32>
      %parallel_loop3A_208 = arith.fptosi %parallel_loop3A_207 : vector<16xf32> to vector<16xi32>
      tpu.vector_store_idx %arg17[%parallel_loop3A_204], %parallel_loop3A_200 {add = true} : memref<2048xf32, #tpu.memory_space<vmem>>[vector<16xi32>], vector<16xf32>,
      tpu.vector_store_idx %arg18[%parallel_loop3A_208], %parallel_loop3A_200 {add = true} : memref<2048xf32, #tpu.memory_space<vmem>>[vector<16xi32>], vector<16xf32>,
      %parallel_loop3A_209 = arith.mulf %parallel_loop3A_195, %parallel_loop3A_188 : vector<16xf32>
      %parallel_loop3A_210 = arith.addf %parallel_loop3A_184, %parallel_loop3A_209 : vector<16xf32>
      scf.yield %parallel_loop3A_210 : vector<16xf32>
    } {sc.loop_unroll_factor = 8 : i64, sc.parallel_access}
    %dma_wait3A_148 = tpu.memref_slice %arg2[%add3A_135] : memref<1048576xf32, #tpu.memory_space<hbm>> -> memref<4096xf32, #tpu.memory_space<hbm>>
    %dma_wait3A_149 = tpu.memref_slice %arg2[%add3A_135] : memref<1048576xf32, #tpu.memory_space<hbm>> -> memref<4096xf32, #tpu.memory_space<hbm>>
    tpu.wait_dma2 semaphore(%arg20 : memref<!tpu.dma_semaphore, #tpu.memory_space<semaphore_mem>>) src(%dma_wait3A_149 : memref<4096xf32, #tpu.memory_space<hbm>>) dst(%arg9 : memref<4096xf32, #tpu.memory_space<vmem>>)
    %dma_wait3A_150 = tpu.memref_slice %arg3[%add3A_135] : memref<1048576xf32, #tpu.memory_space<hbm>> -> memref<4096xf32, #tpu.memory_space<hbm>>
    %dma_wait3A_151 = tpu.memref_slice %arg3[%add3A_135] : memref<1048576xf32, #tpu.memory_space<hbm>> -> memref<4096xf32, #tpu.memory_space<hbm>>
    tpu.wait_dma2 semaphore(%arg20 : memref<!tpu.dma_semaphore, #tpu.memory_space<semaphore_mem>>) src(%dma_wait3A_151 : memref<4096xf32, #tpu.memory_space<hbm>>) dst(%arg10 : memref<4096xf32, #tpu.memory_space<vmem>>)
    %dma_wait3A_152 = tpu.memref_slice %arg4[%add3A_135] : memref<1048576xf32, #tpu.memory_space<hbm>> -> memref<4096xf32, #tpu.memory_space<hbm>>
    %dma_wait3A_153 = tpu.memref_slice %arg4[%add3A_135] : memref<1048576xf32, #tpu.memory_space<hbm>> -> memref<4096xf32, #tpu.memory_space<hbm>>
    tpu.wait_dma2 semaphore(%arg20 : memref<!tpu.dma_semaphore, #tpu.memory_space<semaphore_mem>>) src(%dma_wait3A_153 : memref<4096xf32, #tpu.memory_space<hbm>>) dst(%arg11 : memref<4096xf32, #tpu.memory_space<vmem>>)
    %dma_wait3A_154 = tpu.memref_slice %arg5[%add3A_135] : memref<1048576xi32, #tpu.memory_space<hbm>> -> memref<4096xi32, #tpu.memory_space<hbm>>
    %dma_wait3A_155 = tpu.memref_slice %arg5[%add3A_135] : memref<1048576xi32, #tpu.memory_space<hbm>> -> memref<4096xi32, #tpu.memory_space<hbm>>
    tpu.wait_dma2 semaphore(%arg20 : memref<!tpu.dma_semaphore, #tpu.memory_space<semaphore_mem>>) src(%dma_wait3A_155 : memref<4096xi32, #tpu.memory_space<hbm>>) dst(%arg12 : memref<4096xi32, #tpu.memory_space<vmem>>)
    %add3A_156 = arith.constant 28672 : i32
    %add3A_157 = arith.addi %mul3A_2, %add3A_156 : i32
    %dma_start3A_158 = tpu.memref_slice %arg2[%add3A_157] : memref<1048576xf32, #tpu.memory_space<hbm>> -> memref<4096xf32, #tpu.memory_space<hbm>>
    %dma_start3A_159 = tpu.memref_slice %arg2[%add3A_157] : memref<1048576xf32, #tpu.memory_space<hbm>> -> memref<4096xf32, #tpu.memory_space<hbm>>
    tpu.enqueue_dma source(%dma_start3A_159 : memref<4096xf32, #tpu.memory_space<hbm>>) target(%arg13 : memref<4096xf32, #tpu.memory_space<vmem>>) target_semaphore(%arg20 : memref<!tpu.dma_semaphore, #tpu.memory_space<semaphore_mem>>)
    %dma_start3A_160 = tpu.memref_slice %arg3[%add3A_157] : memref<1048576xf32, #tpu.memory_space<hbm>> -> memref<4096xf32, #tpu.memory_space<hbm>>
    %dma_start3A_161 = tpu.memref_slice %arg3[%add3A_157] : memref<1048576xf32, #tpu.memory_space<hbm>> -> memref<4096xf32, #tpu.memory_space<hbm>>
    tpu.enqueue_dma source(%dma_start3A_161 : memref<4096xf32, #tpu.memory_space<hbm>>) target(%arg14 : memref<4096xf32, #tpu.memory_space<vmem>>) target_semaphore(%arg20 : memref<!tpu.dma_semaphore, #tpu.memory_space<semaphore_mem>>)
    %dma_start3A_162 = tpu.memref_slice %arg4[%add3A_157] : memref<1048576xf32, #tpu.memory_space<hbm>> -> memref<4096xf32, #tpu.memory_space<hbm>>
    %dma_start3A_163 = tpu.memref_slice %arg4[%add3A_157] : memref<1048576xf32, #tpu.memory_space<hbm>> -> memref<4096xf32, #tpu.memory_space<hbm>>
    tpu.enqueue_dma source(%dma_start3A_163 : memref<4096xf32, #tpu.memory_space<hbm>>) target(%arg15 : memref<4096xf32, #tpu.memory_space<vmem>>) target_semaphore(%arg20 : memref<!tpu.dma_semaphore, #tpu.memory_space<semaphore_mem>>)
    %dma_start3A_164 = tpu.memref_slice %arg5[%add3A_157] : memref<1048576xi32, #tpu.memory_space<hbm>> -> memref<4096xi32, #tpu.memory_space<hbm>>
    %dma_start3A_165 = tpu.memref_slice %arg5[%add3A_157] : memref<1048576xi32, #tpu.memory_space<hbm>> -> memref<4096xi32, #tpu.memory_space<hbm>>
    tpu.enqueue_dma source(%dma_start3A_165 : memref<4096xi32, #tpu.memory_space<hbm>>) target(%arg16 : memref<4096xi32, #tpu.memory_space<vmem>>) target_semaphore(%arg20 : memref<!tpu.dma_semaphore, #tpu.memory_space<semaphore_mem>>)
    %parallel_loop3A_166 = arith.constant 0 : i32
    %parallel_loop3A_167 = arith.constant 256 : i32
    %parallel_loop3A_168 = arith.constant 1 : i32
    %parallel_loop3A_169 = scf.for %parallel_loop3A_183 = %parallel_loop3A_166 to %parallel_loop3A_167 step %parallel_loop3A_168 iter_args(%parallel_loop3A_184 = %parallel_loop3A_147) -> (vector<16xf32>)  : i32 {
      %parallel_loop3A_185 = arith.constant 16 : i32
      %parallel_loop3A_186 = arith.muli %parallel_loop3A_183, %parallel_loop3A_185 : i32
      %parallel_loop3A_187 = arith.index_cast %parallel_loop3A_186 : i32 to index
      %parallel_loop3A_188 = tpu.vector_load %arg9[%parallel_loop3A_187] {strides = array<i32>} : memref<4096xf32, #tpu.memory_space<vmem>>, vector<16xf32>,
      %parallel_loop3A_189 = arith.index_cast %parallel_loop3A_186 : i32 to index
      %parallel_loop3A_190 = tpu.vector_load %arg10[%parallel_loop3A_189] {strides = array<i32>} : memref<4096xf32, #tpu.memory_space<vmem>>, vector<16xf32>,
      %parallel_loop3A_191 = arith.index_cast %parallel_loop3A_186 : i32 to index
      %parallel_loop3A_192 = tpu.vector_load %arg11[%parallel_loop3A_191] {strides = array<i32>} : memref<4096xf32, #tpu.memory_space<vmem>>, vector<16xf32>,
      %parallel_loop3A_193 = arith.index_cast %parallel_loop3A_186 : i32 to index
      %parallel_loop3A_194 = tpu.vector_load %arg12[%parallel_loop3A_193] {strides = array<i32>} : memref<4096xi32, #tpu.memory_space<vmem>>, vector<16xi32>,
      %parallel_loop3A_195 = arith.sitofp %parallel_loop3A_194 : vector<16xi32> to vector<16xf32>
      %parallel_loop3A_196 = math.exp %parallel_loop3A_188 : vector<16xf32>
      %parallel_loop3A_197 = arith.constant 8.192000e+03 : f32
      %parallel_loop3A_198 = vector.broadcast %parallel_loop3A_197 : f32 to vector<16xf32>
      %parallel_loop3A_199 = arith.mulf %parallel_loop3A_195, %parallel_loop3A_198 : vector<16xf32>
      %parallel_loop3A_200 = arith.addf %parallel_loop3A_196, %parallel_loop3A_199 : vector<16xf32>
      %parallel_loop3A_201 = arith.constant 2.048000e+03 : f32
      %parallel_loop3A_202 = vector.broadcast %parallel_loop3A_201 : f32 to vector<16xf32>
      %parallel_loop3A_203 = arith.mulf %parallel_loop3A_190, %parallel_loop3A_202 : vector<16xf32>
      %parallel_loop3A_204 = arith.fptosi %parallel_loop3A_203 : vector<16xf32> to vector<16xi32>
      %parallel_loop3A_205 = arith.constant 2.048000e+03 : f32
      %parallel_loop3A_206 = vector.broadcast %parallel_loop3A_205 : f32 to vector<16xf32>
      %parallel_loop3A_207 = arith.mulf %parallel_loop3A_192, %parallel_loop3A_206 : vector<16xf32>
      %parallel_loop3A_208 = arith.fptosi %parallel_loop3A_207 : vector<16xf32> to vector<16xi32>
      tpu.vector_store_idx %arg17[%parallel_loop3A_204], %parallel_loop3A_200 {add = true} : memref<2048xf32, #tpu.memory_space<vmem>>[vector<16xi32>], vector<16xf32>,
      tpu.vector_store_idx %arg18[%parallel_loop3A_208], %parallel_loop3A_200 {add = true} : memref<2048xf32, #tpu.memory_space<vmem>>[vector<16xi32>], vector<16xf32>,
      %parallel_loop3A_209 = arith.mulf %parallel_loop3A_195, %parallel_loop3A_188 : vector<16xf32>
      %parallel_loop3A_210 = arith.addf %parallel_loop3A_184, %parallel_loop3A_209 : vector<16xf32>
      scf.yield %parallel_loop3A_210 : vector<16xf32>
    } {sc.loop_unroll_factor = 8 : i64, sc.parallel_access}
    %dma_wait3A_170 = tpu.memref_slice %arg2[%add3A_157] : memref<1048576xf32, #tpu.memory_space<hbm>> -> memref<4096xf32, #tpu.memory_space<hbm>>
    %dma_wait3A_171 = tpu.memref_slice %arg2[%add3A_157] : memref<1048576xf32, #tpu.memory_space<hbm>> -> memref<4096xf32, #tpu.memory_space<hbm>>
    tpu.wait_dma2 semaphore(%arg20 : memref<!tpu.dma_semaphore, #tpu.memory_space<semaphore_mem>>) src(%dma_wait3A_171 : memref<4096xf32, #tpu.memory_space<hbm>>) dst(%arg13 : memref<4096xf32, #tpu.memory_space<vmem>>)
    %dma_wait3A_172 = tpu.memref_slice %arg3[%add3A_157] : memref<1048576xf32, #tpu.memory_space<hbm>> -> memref<4096xf32, #tpu.memory_space<hbm>>
    %dma_wait3A_173 = tpu.memref_slice %arg3[%add3A_157] : memref<1048576xf32, #tpu.memory_space<hbm>> -> memref<4096xf32, #tpu.memory_space<hbm>>
    tpu.wait_dma2 semaphore(%arg20 : memref<!tpu.dma_semaphore, #tpu.memory_space<semaphore_mem>>) src(%dma_wait3A_173 : memref<4096xf32, #tpu.memory_space<hbm>>) dst(%arg14 : memref<4096xf32, #tpu.memory_space<vmem>>)
    %dma_wait3A_174 = tpu.memref_slice %arg4[%add3A_157] : memref<1048576xf32, #tpu.memory_space<hbm>> -> memref<4096xf32, #tpu.memory_space<hbm>>
    %dma_wait3A_175 = tpu.memref_slice %arg4[%add3A_157] : memref<1048576xf32, #tpu.memory_space<hbm>> -> memref<4096xf32, #tpu.memory_space<hbm>>
    tpu.wait_dma2 semaphore(%arg20 : memref<!tpu.dma_semaphore, #tpu.memory_space<semaphore_mem>>) src(%dma_wait3A_175 : memref<4096xf32, #tpu.memory_space<hbm>>) dst(%arg15 : memref<4096xf32, #tpu.memory_space<vmem>>)
    %dma_wait3A_176 = tpu.memref_slice %arg5[%add3A_157] : memref<1048576xi32, #tpu.memory_space<hbm>> -> memref<4096xi32, #tpu.memory_space<hbm>>
    %dma_wait3A_177 = tpu.memref_slice %arg5[%add3A_157] : memref<1048576xi32, #tpu.memory_space<hbm>> -> memref<4096xi32, #tpu.memory_space<hbm>>
    tpu.wait_dma2 semaphore(%arg20 : memref<!tpu.dma_semaphore, #tpu.memory_space<semaphore_mem>>) src(%dma_wait3A_177 : memref<4096xi32, #tpu.memory_space<hbm>>) dst(%arg16 : memref<4096xi32, #tpu.memory_space<vmem>>)
    %parallel_loop3A_178 = arith.constant 0 : i32
    %parallel_loop3A_179 = arith.constant 256 : i32
    %parallel_loop3A_180 = arith.constant 1 : i32
    %parallel_loop3A_181 = scf.for %parallel_loop3A_183 = %parallel_loop3A_178 to %parallel_loop3A_179 step %parallel_loop3A_180 iter_args(%parallel_loop3A_184 = %parallel_loop3A_169) -> (vector<16xf32>)  : i32 {
      %parallel_loop3A_185 = arith.constant 16 : i32
      %parallel_loop3A_186 = arith.muli %parallel_loop3A_183, %parallel_loop3A_185 : i32
      %parallel_loop3A_187 = arith.index_cast %parallel_loop3A_186 : i32 to index
      %parallel_loop3A_188 = tpu.vector_load %arg13[%parallel_loop3A_187] {strides = array<i32>} : memref<4096xf32, #tpu.memory_space<vmem>>, vector<16xf32>,
      %parallel_loop3A_189 = arith.index_cast %parallel_loop3A_186 : i32 to index
      %parallel_loop3A_190 = tpu.vector_load %arg14[%parallel_loop3A_189] {strides = array<i32>} : memref<4096xf32, #tpu.memory_space<vmem>>, vector<16xf32>,
      %parallel_loop3A_191 = arith.index_cast %parallel_loop3A_186 : i32 to index
      %parallel_loop3A_192 = tpu.vector_load %arg15[%parallel_loop3A_191] {strides = array<i32>} : memref<4096xf32, #tpu.memory_space<vmem>>, vector<16xf32>,
      %parallel_loop3A_193 = arith.index_cast %parallel_loop3A_186 : i32 to index
      %parallel_loop3A_194 = tpu.vector_load %arg16[%parallel_loop3A_193] {strides = array<i32>} : memref<4096xi32, #tpu.memory_space<vmem>>, vector<16xi32>,
      %parallel_loop3A_195 = arith.sitofp %parallel_loop3A_194 : vector<16xi32> to vector<16xf32>
      %parallel_loop3A_196 = math.exp %parallel_loop3A_188 : vector<16xf32>
      %parallel_loop3A_197 = arith.constant 8.192000e+03 : f32
      %parallel_loop3A_198 = vector.broadcast %parallel_loop3A_197 : f32 to vector<16xf32>
      %parallel_loop3A_199 = arith.mulf %parallel_loop3A_195, %parallel_loop3A_198 : vector<16xf32>
      %parallel_loop3A_200 = arith.addf %parallel_loop3A_196, %parallel_loop3A_199 : vector<16xf32>
      %parallel_loop3A_201 = arith.constant 2.048000e+03 : f32
      %parallel_loop3A_202 = vector.broadcast %parallel_loop3A_201 : f32 to vector<16xf32>
      %parallel_loop3A_203 = arith.mulf %parallel_loop3A_190, %parallel_loop3A_202 : vector<16xf32>
      %parallel_loop3A_204 = arith.fptosi %parallel_loop3A_203 : vector<16xf32> to vector<16xi32>
      %parallel_loop3A_205 = arith.constant 2.048000e+03 : f32
      %parallel_loop3A_206 = vector.broadcast %parallel_loop3A_205 : f32 to vector<16xf32>
      %parallel_loop3A_207 = arith.mulf %parallel_loop3A_192, %parallel_loop3A_206 : vector<16xf32>
      %parallel_loop3A_208 = arith.fptosi %parallel_loop3A_207 : vector<16xf32> to vector<16xi32>
      tpu.vector_store_idx %arg17[%parallel_loop3A_204], %parallel_loop3A_200 {add = true} : memref<2048xf32, #tpu.memory_space<vmem>>[vector<16xi32>], vector<16xf32>,
      tpu.vector_store_idx %arg18[%parallel_loop3A_208], %parallel_loop3A_200 {add = true} : memref<2048xf32, #tpu.memory_space<vmem>>[vector<16xi32>], vector<16xf32>,
      %parallel_loop3A_209 = arith.mulf %parallel_loop3A_195, %parallel_loop3A_188 : vector<16xf32>
      %parallel_loop3A_210 = arith.addf %parallel_loop3A_184, %parallel_loop3A_209 : vector<16xf32>
      scf.yield %parallel_loop3A_210 : vector<16xf32>
    } {sc.loop_unroll_factor = 8 : i64, sc.parallel_access}
    %swap3A = arith.constant 0 : index
    %swap3A_182 = tpu.vector_load %arg19[%swap3A] {strides = array<i32>} : memref<16xf32, #tpu.memory_space<vmem>>, vector<16xf32>,
    tpu.vector_store %arg19[%swap3A], %parallel_loop3A_181 {strides = array<i32>} : memref<16xf32, #tpu.memory_space<vmem>>, vector<16xf32>,
    "tpu.region"() ({
      %run_scoped3A = tpu.sem_alloc : memref<!tpu.dma_semaphore, #tpu.memory_space<semaphore_mem>>
      %dma_start3A_183 = arith.constant 0 : i32
      %dma_start3A_184 = tpu.memref_slice %arg6[%add3A, %dma_start3A_183] : memref<32x2048xf32, #tpu.memory_space<hbm>> -> memref<1x2048xf32, #tpu.memory_space<hbm>>
      %dma_start3A_185 = tpu.memref_squeeze %dma_start3A_184 : memref<1x2048xf32, #tpu.memory_space<hbm>> -> memref<2048xf32, #tpu.memory_space<hbm>>
      %dma_start3A_186 = arith.constant 0 : i32
      %dma_start3A_187 = tpu.memref_slice %arg6[%add3A, %dma_start3A_186] : memref<32x2048xf32, #tpu.memory_space<hbm>> -> memref<1x2048xf32, #tpu.memory_space<hbm>>
      %dma_start3A_188 = tpu.memref_squeeze %dma_start3A_187 : memref<1x2048xf32, #tpu.memory_space<hbm>> -> memref<2048xf32, #tpu.memory_space<hbm>>
      tpu.enqueue_dma source(%arg17 : memref<2048xf32, #tpu.memory_space<vmem>>) target(%dma_start3A_188 : memref<2048xf32, #tpu.memory_space<hbm>>) target_semaphore(%run_scoped3A : memref<!tpu.dma_semaphore, #tpu.memory_space<semaphore_mem>>)
      %dma_wait3A_189 = arith.constant 0 : i32
      %dma_wait3A_190 = tpu.memref_slice %arg6[%add3A, %dma_wait3A_189] : memref<32x2048xf32, #tpu.memory_space<hbm>> -> memref<1x2048xf32, #tpu.memory_space<hbm>>
      %dma_wait3A_191 = tpu.memref_squeeze %dma_wait3A_190 : memref<1x2048xf32, #tpu.memory_space<hbm>> -> memref<2048xf32, #tpu.memory_space<hbm>>
      %dma_wait3A_192 = arith.constant 0 : i32
      %dma_wait3A_193 = tpu.memref_slice %arg6[%add3A, %dma_wait3A_192] : memref<32x2048xf32, #tpu.memory_space<hbm>> -> memref<1x2048xf32, #tpu.memory_space<hbm>>
      %dma_wait3A_194 = tpu.memref_squeeze %dma_wait3A_193 : memref<1x2048xf32, #tpu.memory_space<hbm>> -> memref<2048xf32, #tpu.memory_space<hbm>>
      tpu.wait_dma2 semaphore(%run_scoped3A : memref<!tpu.dma_semaphore, #tpu.memory_space<semaphore_mem>>) src(%arg17 : memref<2048xf32, #tpu.memory_space<vmem>>) dst(%dma_wait3A_194 : memref<2048xf32, #tpu.memory_space<hbm>>)
      tpu.yield
    }) : () -> ()
    "tpu.region"() ({
      %run_scoped3A = tpu.sem_alloc : memref<!tpu.dma_semaphore, #tpu.memory_space<semaphore_mem>>
      %dma_start3A_183 = arith.constant 0 : i32
      %dma_start3A_184 = tpu.memref_slice %arg7[%add3A, %dma_start3A_183] : memref<32x2048xf32, #tpu.memory_space<hbm>> -> memref<1x2048xf32, #tpu.memory_space<hbm>>
      %dma_start3A_185 = tpu.memref_squeeze %dma_start3A_184 : memref<1x2048xf32, #tpu.memory_space<hbm>> -> memref<2048xf32, #tpu.memory_space<hbm>>
      %dma_start3A_186 = arith.constant 0 : i32
      %dma_start3A_187 = tpu.memref_slice %arg7[%add3A, %dma_start3A_186] : memref<32x2048xf32, #tpu.memory_space<hbm>> -> memref<1x2048xf32, #tpu.memory_space<hbm>>
      %dma_start3A_188 = tpu.memref_squeeze %dma_start3A_187 : memref<1x2048xf32, #tpu.memory_space<hbm>> -> memref<2048xf32, #tpu.memory_space<hbm>>
      tpu.enqueue_dma source(%arg18 : memref<2048xf32, #tpu.memory_space<vmem>>) target(%dma_start3A_188 : memref<2048xf32, #tpu.memory_space<hbm>>) target_semaphore(%run_scoped3A : memref<!tpu.dma_semaphore, #tpu.memory_space<semaphore_mem>>)
      %dma_wait3A_189 = arith.constant 0 : i32
      %dma_wait3A_190 = tpu.memref_slice %arg7[%add3A, %dma_wait3A_189] : memref<32x2048xf32, #tpu.memory_space<hbm>> -> memref<1x2048xf32, #tpu.memory_space<hbm>>
      %dma_wait3A_191 = tpu.memref_squeeze %dma_wait3A_190 : memref<1x2048xf32, #tpu.memory_space<hbm>> -> memref<2048xf32, #tpu.memory_space<hbm>>
      %dma_wait3A_192 = arith.constant 0 : i32
      %dma_wait3A_193 = tpu.memref_slice %arg7[%add3A, %dma_wait3A_192] : memref<32x2048xf32, #tpu.memory_space<hbm>> -> memref<1x2048xf32, #tpu.memory_space<hbm>>
      %dma_wait3A_194 = tpu.memref_squeeze %dma_wait3A_193 : memref<1x2048xf32, #tpu.memory_space<hbm>> -> memref<2048xf32, #tpu.memory_space<hbm>>
      tpu.wait_dma2 semaphore(%run_scoped3A : memref<!tpu.dma_semaphore, #tpu.memory_space<semaphore_mem>>) src(%arg18 : memref<2048xf32, #tpu.memory_space<vmem>>) dst(%dma_wait3A_194 : memref<2048xf32, #tpu.memory_space<hbm>>)
      tpu.yield
    }) : () -> ()
    "tpu.region"() ({
      %run_scoped3A = tpu.sem_alloc : memref<!tpu.dma_semaphore, #tpu.memory_space<semaphore_mem>>
      %dma_start3A_183 = arith.constant 0 : i32
      %dma_start3A_184 = tpu.memref_slice %arg8[%add3A, %dma_start3A_183] : memref<32x16xf32, #tpu.memory_space<hbm>> -> memref<1x16xf32, #tpu.memory_space<hbm>>
      %dma_start3A_185 = tpu.memref_squeeze %dma_start3A_184 : memref<1x16xf32, #tpu.memory_space<hbm>> -> memref<16xf32, #tpu.memory_space<hbm>>
      %dma_start3A_186 = arith.constant 0 : i32
      %dma_start3A_187 = tpu.memref_slice %arg8[%add3A, %dma_start3A_186] : memref<32x16xf32, #tpu.memory_space<hbm>> -> memref<1x16xf32, #tpu.memory_space<hbm>>
      %dma_start3A_188 = tpu.memref_squeeze %dma_start3A_187 : memref<1x16xf32, #tpu.memory_space<hbm>> -> memref<16xf32, #tpu.memory_space<hbm>>
      tpu.enqueue_dma source(%arg19 : memref<16xf32, #tpu.memory_space<vmem>>) target(%dma_start3A_188 : memref<16xf32, #tpu.memory_space<hbm>>) target_semaphore(%run_scoped3A : memref<!tpu.dma_semaphore, #tpu.memory_space<semaphore_mem>>)
      %dma_wait3A_189 = arith.constant 0 : i32
      %dma_wait3A_190 = tpu.memref_slice %arg8[%add3A, %dma_wait3A_189] : memref<32x16xf32, #tpu.memory_space<hbm>> -> memref<1x16xf32, #tpu.memory_space<hbm>>
      %dma_wait3A_191 = tpu.memref_squeeze %dma_wait3A_190 : memref<1x16xf32, #tpu.memory_space<hbm>> -> memref<16xf32, #tpu.memory_space<hbm>>
      %dma_wait3A_192 = arith.constant 0 : i32
      %dma_wait3A_193 = tpu.memref_slice %arg8[%add3A, %dma_wait3A_192] : memref<32x16xf32, #tpu.memory_space<hbm>> -> memref<1x16xf32, #tpu.memory_space<hbm>>
      %dma_wait3A_194 = tpu.memref_squeeze %dma_wait3A_193 : memref<1x16xf32, #tpu.memory_space<hbm>> -> memref<16xf32, #tpu.memory_space<hbm>>
      tpu.wait_dma2 semaphore(%run_scoped3A : memref<!tpu.dma_semaphore, #tpu.memory_space<semaphore_mem>>) src(%arg19 : memref<16xf32, #tpu.memory_space<vmem>>) dst(%dma_wait3A_194 : memref<16xf32, #tpu.memory_space<hbm>>)
      tpu.yield
    }) : () -> ()
    return
  }
}

module attributes {stable_mosaic.version = 14 : i64} {
  func.func @_tc_finish_body(%arg0: memref<32x2048xf32, #tpu.memory_space<vmem>>, %arg1: memref<32x2048xf32, #tpu.memory_space<vmem>>, %arg2: memref<32x16xf32, #tpu.memory_space<vmem>>, %arg3: memref<1x1xf32, #tpu.memory_space<vmem>>, %arg4: memref<1x1xf32, #tpu.memory_space<vmem>>, %arg5: memref<1x1xf32, #tpu.memory_space<vmem>>) attributes {dimension_semantics = [], scalar_prefetch = 0 : i64, scratch_operands = 0 : i64, tpu.core_type = #tpu.core_type<tc>} {
    %get3A = arith.constant 0 : index
    %get3A_0 = arith.constant 0 : index
    %get3A_1 = vector.load %arg2[%get3A, %get3A_0] : memref<32x16xf32, #tpu.memory_space<vmem>>, vector<32x16xf32>
    %reduce_sum3A = vector.shape_cast %get3A_1 : vector<32x16xf32> to vector<1x32x16xf32>
    %reduce_sum3A_2 = arith.constant dense<0.000000e+00> : vector<1xf32>
    %reduce_sum3A_3 = vector.multi_reduction <add>, %reduce_sum3A, %reduce_sum3A_2 [1, 2] : vector<1x32x16xf32> to vector<1xf32>
    %reduce_sum3A_4 = vector.shape_cast %reduce_sum3A_3 : vector<1xf32> to vector<1x1x1xf32>
    %reduce_sum3A_5 = vector.extract %reduce_sum3A_4[0, 0, 0] : f32 from vector<1x1x1xf32>
    %get3A_6 = arith.constant 0 : index
    %get3A_7 = arith.constant 0 : index
    %get3A_8 = vector.load %arg0[%get3A_6, %get3A_7] : memref<32x2048xf32, #tpu.memory_space<vmem>>, vector<32x2048xf32>
    %mul3A = arith.constant 1.22070313E-4 : f32
    %mul3A_9 = vector.broadcast %mul3A : f32 to vector<32x2048xf32>
    %mul3A_10 = arith.mulf %get3A_8, %mul3A_9 : vector<32x2048xf32>
    %floor3A = math.floor %mul3A_10 : vector<32x2048xf32>
    %mul3A_11 = arith.constant 8.192000e+03 : f32
    %mul3A_12 = vector.broadcast %mul3A_11 : f32 to vector<32x2048xf32>
    %mul3A_13 = arith.mulf %floor3A, %mul3A_12 : vector<32x2048xf32>
    %sub3A = arith.subf %get3A_8, %mul3A_13 : vector<32x2048xf32>
    %reduce_sum3A_14 = arith.constant dense<0.000000e+00> : vector<2048xf32>
    %reduce_sum3A_15 = vector.multi_reduction <add>, %sub3A, %reduce_sum3A_14 [0] : vector<32x2048xf32> to vector<2048xf32>
    %reshape3A = vector.shape_cast %reduce_sum3A_15 : vector<2048xf32> to vector<16x128xf32>
    %reduce_sum3A_16 = arith.constant dense<0.000000e+00> : vector<2048xf32>
    %reduce_sum3A_17 = vector.multi_reduction <add>, %floor3A, %reduce_sum3A_16 [0] : vector<32x2048xf32> to vector<2048xf32>
    %reshape3A_18 = vector.shape_cast %reduce_sum3A_17 : vector<2048xf32> to vector<16x128xf32>
    %get3A_19 = arith.constant 0 : index
    %get3A_20 = arith.constant 0 : index
    %get3A_21 = vector.load %arg1[%get3A_19, %get3A_20] : memref<32x2048xf32, #tpu.memory_space<vmem>>, vector<32x2048xf32>
    %mul3A_22 = arith.constant 1.22070313E-4 : f32
    %mul3A_23 = vector.broadcast %mul3A_22 : f32 to vector<32x2048xf32>
    %mul3A_24 = arith.mulf %get3A_21, %mul3A_23 : vector<32x2048xf32>
    %floor3A_25 = math.floor %mul3A_24 : vector<32x2048xf32>
    %mul3A_26 = arith.constant 8.192000e+03 : f32
    %mul3A_27 = vector.broadcast %mul3A_26 : f32 to vector<32x2048xf32>
    %mul3A_28 = arith.mulf %floor3A_25, %mul3A_27 : vector<32x2048xf32>
    %sub3A_29 = arith.subf %get3A_21, %mul3A_28 : vector<32x2048xf32>
    %reduce_sum3A_30 = arith.constant dense<0.000000e+00> : vector<2048xf32>
    %reduce_sum3A_31 = vector.multi_reduction <add>, %sub3A_29, %reduce_sum3A_30 [0] : vector<32x2048xf32> to vector<2048xf32>
    %reshape3A_32 = vector.shape_cast %reduce_sum3A_31 : vector<2048xf32> to vector<16x128xf32>
    %reduce_sum3A_33 = arith.constant dense<0.000000e+00> : vector<2048xf32>
    %reduce_sum3A_34 = vector.multi_reduction <add>, %floor3A_25, %reduce_sum3A_33 [0] : vector<32x2048xf32> to vector<2048xf32>
    %reshape3A_35 = vector.shape_cast %reduce_sum3A_34 : vector<2048xf32> to vector<16x128xf32>
    %iota3A = tpu.iota {dimensions = array<i32: 0>} : vector<128x128xi32>
    %iota3A_36 = tpu.iota {dimensions = array<i32: 1>} : vector<128x128xi32>
    %gt3A = arith.cmpi sgt, %iota3A, %iota3A_36 : vector<128x128xi32>
    %convert_element_type3A = arith.extui %gt3A : vector<128x128xi1> to vector<128x128xi32>
    %convert_element_type3A_37 = arith.sitofp %convert_element_type3A : vector<128x128xi32> to vector<128x128xf32>
    %dot_general3A = arith.constant dense<0.000000e+00> : vector<16x128xf32>
    %dot_general3A_38 = tpu.matmul %reshape3A, %convert_element_type3A_37, %dot_general3A {dimension_numbers = #tpu.dot_dimension_numbers<[1], [0], [0], [1], [0, 0, 1, 1], [], []>, transpose_lhs_hint = false} : vector<16x128xf32>, vector<128x128xf32>, vector<16x128xf32> -> vector<16x128xf32>
    %reduce_sum3A_39 = arith.constant dense<0.000000e+00> : vector<16xf32>
    %reduce_sum3A_40 = vector.multi_reduction <add>, %reshape3A, %reduce_sum3A_39 [1] : vector<16x128xf32> to vector<16xf32>
    %broadcast_in_dim3A = vector.shape_cast %reduce_sum3A_40 : vector<16xf32> to vector<16x1xf32>
    %iota3A_41 = tpu.iota {dimensions = array<i32: 0>} : vector<16x16xi32>
    %iota3A_42 = tpu.iota {dimensions = array<i32: 1>} : vector<16x16xi32>
    %gt3A_43 = arith.cmpi sgt, %iota3A_42, %iota3A_41 : vector<16x16xi32>
    %convert_element_type3A_44 = arith.extui %gt3A_43 : vector<16x16xi1> to vector<16x16xi32>
    %convert_element_type3A_45 = arith.sitofp %convert_element_type3A_44 : vector<16x16xi32> to vector<16x16xf32>
    %dot_general3A_46 = arith.constant dense<0.000000e+00> : vector<16x1xf32>
    %dot_general3A_47 = tpu.matmul %convert_element_type3A_45, %broadcast_in_dim3A, %dot_general3A_46 {dimension_numbers = #tpu.dot_dimension_numbers<[1], [0], [0], [1], [0, 0, 1, 1], [], []>, transpose_lhs_hint = false} : vector<16x16xf32>, vector<16x1xf32>, vector<16x1xf32> -> vector<16x1xf32>
    %add3A = vector.broadcast %dot_general3A_47 : vector<16x1xf32> to vector<16x128xf32>
    %add3A_48 = arith.addf %dot_general3A_38, %add3A : vector<16x128xf32>
    %add3A_49 = arith.addf %add3A_48, %reshape3A : vector<16x128xf32>
    %max3A = arith.constant 1.000000e-30 : f32
    %max3A_50 = vector.broadcast %max3A : f32 to vector<16x128xf32>
    %max3A_51 = arith.maximumf %reshape3A, %max3A_50 : vector<16x128xf32>
    %max3A_52 = arith.constant 1.000000e-30 : f32
    %max3A_53 = vector.broadcast %max3A_52 : f32 to vector<16x128xf32>
    %max3A_54 = arith.maximumf %add3A_48, %max3A_53 : vector<16x128xf32>
    %log3A = math.log %max3A_54 : vector<16x128xf32>
    %div3A = arith.divf %add3A_49, %max3A_51 : vector<16x128xf32>
    %div3A_55 = arith.divf %reshape3A, %max3A_54 : vector<16x128xf32>
    %log1p3A = math.log1p %div3A_55 : vector<16x128xf32>
    %mul3A_56 = arith.mulf %div3A, %log1p3A : vector<16x128xf32>
    %add3A_57 = arith.addf %log3A, %mul3A_56 : vector<16x128xf32>
    %sub3A_58 = arith.constant 1.000000e+00 : f32
    %sub3A_59 = vector.broadcast %sub3A_58 : f32 to vector<16x128xf32>
    %sub3A_60 = arith.subf %add3A_57, %sub3A_59 : vector<16x128xf32>
    %log3A_61 = math.log %max3A_51 : vector<16x128xf32>
    %sub3A_62 = arith.constant 1.000000e+00 : f32
    %sub3A_63 = vector.broadcast %sub3A_62 : f32 to vector<16x128xf32>
    %sub3A_64 = arith.subf %log3A_61, %sub3A_63 : vector<16x128xf32>
    %gt3A_65 = arith.constant 0.000000e+00 : f32
    %gt3A_66 = vector.broadcast %gt3A_65 : f32 to vector<16x128xf32>
    %gt3A_67 = arith.cmpf ogt, %add3A_48, %gt3A_66 : vector<16x128xf32>
    %select_n3A = arith.select %gt3A_67, %sub3A_60, %sub3A_64 : vector<16x128xi1>, vector<16x128xf32>
    %gt3A_68 = arith.constant 0.000000e+00 : f32
    %gt3A_69 = vector.broadcast %gt3A_68 : f32 to vector<16x128xf32>
    %gt3A_70 = arith.cmpf ogt, %reshape3A, %gt3A_69 : vector<16x128xf32>
    %gt3A_71 = arith.constant 0.000000e+00 : f32
    %gt3A_72 = vector.broadcast %gt3A_71 : f32 to vector<16x128xf32>
    %gt3A_73 = arith.cmpf ogt, %reshape3A_18, %gt3A_72 : vector<16x128xf32>
    %or3A = arith.ori %gt3A_70, %gt3A_73 : vector<16x128xi1>
    %mul3A_74 = arith.mulf %reshape3A_18, %select_n3A : vector<16x128xf32>
    %jit3A = arith.constant 0.000000e+00 : f32
    %broadcast_in_dim3A_75 = vector.broadcast %jit3A : f32 to vector<16x128xf32>
    %select_n3A_76 = arith.select %or3A, %mul3A_74, %broadcast_in_dim3A_75 : vector<16x128xi1>, vector<16x128xf32>
    %reduce_sum3A_77 = vector.shape_cast %select_n3A_76 : vector<16x128xf32> to vector<1x16x128xf32>
    %reduce_sum3A_78 = arith.constant dense<0.000000e+00> : vector<1xf32>
    %reduce_sum3A_79 = vector.multi_reduction <add>, %reduce_sum3A_77, %reduce_sum3A_78 [1, 2] : vector<1x16x128xf32> to vector<1xf32>
    %reduce_sum3A_80 = vector.shape_cast %reduce_sum3A_79 : vector<1xf32> to vector<1x1x1xf32>
    %reduce_sum3A_81 = vector.extract %reduce_sum3A_80[0, 0, 0] : f32 from vector<1x1x1xf32>
    %sub3A_82 = arith.subf %reduce_sum3A_81, %reduce_sum3A_5 : f32
    %mul3A_83 = arith.constant 9.53674316E-7 : f32
    %mul3A_84 = arith.mulf %sub3A_82, %mul3A_83 : f32
    %iota3A_85 = tpu.iota {dimensions = array<i32: 0>} : vector<128x128xi32>
    %iota3A_86 = tpu.iota {dimensions = array<i32: 1>} : vector<128x128xi32>
    %gt3A_87 = arith.cmpi sgt, %iota3A_85, %iota3A_86 : vector<128x128xi32>
    %convert_element_type3A_88 = arith.extui %gt3A_87 : vector<128x128xi1> to vector<128x128xi32>
    %convert_element_type3A_89 = arith.sitofp %convert_element_type3A_88 : vector<128x128xi32> to vector<128x128xf32>
    %dot_general3A_90 = arith.constant dense<0.000000e+00> : vector<16x128xf32>
    %dot_general3A_91 = tpu.matmul %reshape3A_32, %convert_element_type3A_89, %dot_general3A_90 {dimension_numbers = #tpu.dot_dimension_numbers<[1], [0], [0], [1], [0, 0, 1, 1], [], []>, transpose_lhs_hint = false} : vector<16x128xf32>, vector<128x128xf32>, vector<16x128xf32> -> vector<16x128xf32>
    %reduce_sum3A_92 = arith.constant dense<0.000000e+00> : vector<16xf32>
    %reduce_sum3A_93 = vector.multi_reduction <add>, %reshape3A_32, %reduce_sum3A_92 [1] : vector<16x128xf32> to vector<16xf32>
    %broadcast_in_dim3A_94 = vector.shape_cast %reduce_sum3A_93 : vector<16xf32> to vector<16x1xf32>
    %iota3A_95 = tpu.iota {dimensions = array<i32: 0>} : vector<16x16xi32>
    %iota3A_96 = tpu.iota {dimensions = array<i32: 1>} : vector<16x16xi32>
    %gt3A_97 = arith.cmpi sgt, %iota3A_96, %iota3A_95 : vector<16x16xi32>
    %convert_element_type3A_98 = arith.extui %gt3A_97 : vector<16x16xi1> to vector<16x16xi32>
    %convert_element_type3A_99 = arith.sitofp %convert_element_type3A_98 : vector<16x16xi32> to vector<16x16xf32>
    %dot_general3A_100 = arith.constant dense<0.000000e+00> : vector<16x1xf32>
    %dot_general3A_101 = tpu.matmul %convert_element_type3A_99, %broadcast_in_dim3A_94, %dot_general3A_100 {dimension_numbers = #tpu.dot_dimension_numbers<[1], [0], [0], [1], [0, 0, 1, 1], [], []>, transpose_lhs_hint = false} : vector<16x16xf32>, vector<16x1xf32>, vector<16x1xf32> -> vector<16x1xf32>
    %add3A_102 = vector.broadcast %dot_general3A_101 : vector<16x1xf32> to vector<16x128xf32>
    %add3A_103 = arith.addf %dot_general3A_91, %add3A_102 : vector<16x128xf32>
    %add3A_104 = arith.addf %add3A_103, %reshape3A_32 : vector<16x128xf32>
    %max3A_105 = arith.constant 1.000000e-30 : f32
    %max3A_106 = vector.broadcast %max3A_105 : f32 to vector<16x128xf32>
    %max3A_107 = arith.maximumf %reshape3A_32, %max3A_106 : vector<16x128xf32>
    %max3A_108 = arith.constant 1.000000e-30 : f32
    %max3A_109 = vector.broadcast %max3A_108 : f32 to vector<16x128xf32>
    %max3A_110 = arith.maximumf %add3A_103, %max3A_109 : vector<16x128xf32>
    %log3A_111 = math.log %max3A_110 : vector<16x128xf32>
    %div3A_112 = arith.divf %add3A_104, %max3A_107 : vector<16x128xf32>
    %div3A_113 = arith.divf %reshape3A_32, %max3A_110 : vector<16x128xf32>
    %log1p3A_114 = math.log1p %div3A_113 : vector<16x128xf32>
    %mul3A_115 = arith.mulf %div3A_112, %log1p3A_114 : vector<16x128xf32>
    %add3A_116 = arith.addf %log3A_111, %mul3A_115 : vector<16x128xf32>
    %sub3A_117 = arith.constant 1.000000e+00 : f32
    %sub3A_118 = vector.broadcast %sub3A_117 : f32 to vector<16x128xf32>
    %sub3A_119 = arith.subf %add3A_116, %sub3A_118 : vector<16x128xf32>
    %log3A_120 = math.log %max3A_107 : vector<16x128xf32>
    %sub3A_121 = arith.constant 1.000000e+00 : f32
    %sub3A_122 = vector.broadcast %sub3A_121 : f32 to vector<16x128xf32>
    %sub3A_123 = arith.subf %log3A_120, %sub3A_122 : vector<16x128xf32>
    %gt3A_124 = arith.constant 0.000000e+00 : f32
    %gt3A_125 = vector.broadcast %gt3A_124 : f32 to vector<16x128xf32>
    %gt3A_126 = arith.cmpf ogt, %add3A_103, %gt3A_125 : vector<16x128xf32>
    %select_n3A_127 = arith.select %gt3A_126, %sub3A_119, %sub3A_123 : vector<16x128xi1>, vector<16x128xf32>
    %gt3A_128 = arith.constant 0.000000e+00 : f32
    %gt3A_129 = vector.broadcast %gt3A_128 : f32 to vector<16x128xf32>
    %gt3A_130 = arith.cmpf ogt, %reshape3A_32, %gt3A_129 : vector<16x128xf32>
    %gt3A_131 = arith.constant 0.000000e+00 : f32
    %gt3A_132 = vector.broadcast %gt3A_131 : f32 to vector<16x128xf32>
    %gt3A_133 = arith.cmpf ogt, %reshape3A_35, %gt3A_132 : vector<16x128xf32>
    %or3A_134 = arith.ori %gt3A_130, %gt3A_133 : vector<16x128xi1>
    %mul3A_135 = arith.mulf %reshape3A_35, %select_n3A_127 : vector<16x128xf32>
    %jit3A_136 = arith.constant 0.000000e+00 : f32
    %broadcast_in_dim3A_137 = vector.broadcast %jit3A_136 : f32 to vector<16x128xf32>
    %select_n3A_138 = arith.select %or3A_134, %mul3A_135, %broadcast_in_dim3A_137 : vector<16x128xi1>, vector<16x128xf32>
    %reduce_sum3A_139 = vector.shape_cast %select_n3A_138 : vector<16x128xf32> to vector<1x16x128xf32>
    %reduce_sum3A_140 = arith.constant dense<0.000000e+00> : vector<1xf32>
    %reduce_sum3A_141 = vector.multi_reduction <add>, %reduce_sum3A_139, %reduce_sum3A_140 [1, 2] : vector<1x16x128xf32> to vector<1xf32>
    %reduce_sum3A_142 = vector.shape_cast %reduce_sum3A_141 : vector<1xf32> to vector<1x1x1xf32>
    %reduce_sum3A_143 = vector.extract %reduce_sum3A_142[0, 0, 0] : f32 from vector<1x1x1xf32>
    %sub3A_144 = arith.subf %reduce_sum3A_143, %reduce_sum3A_5 : f32
    %mul3A_145 = arith.constant 9.53674316E-7 : f32
    %mul3A_146 = arith.mulf %sub3A_144, %mul3A_145 : f32
    %mul3A_147 = arith.constant 1.000000e-01 : f32
    %mul3A_148 = arith.mulf %mul3A_147, %mul3A_146 : f32
    %add3A_149 = arith.addf %mul3A_84, %mul3A_148 : f32
    %broadcast_in_dim3A_150 = vector.broadcast %add3A_149 : f32 to vector<1x1xf32>
    %swap3A = arith.constant 0 : index
    %swap3A_151 = arith.constant 0 : index
    %swap3A_152 = vector.load %arg3[%swap3A, %swap3A_151] : memref<1x1xf32, #tpu.memory_space<vmem>>, vector<1x1xf32>
    tpu.vector_store %arg3[%swap3A, %swap3A_151], %broadcast_in_dim3A_150 {strides = array<i32>} : memref<1x1xf32, #tpu.memory_space<vmem>>, vector<1x1xf32>,
    %broadcast_in_dim3A_153 = vector.broadcast %mul3A_84 : f32 to vector<1x1xf32>
    %swap3A_154 = arith.constant 0 : index
    %swap3A_155 = arith.constant 0 : index
    %swap3A_156 = vector.load %arg4[%swap3A_154, %swap3A_155] : memref<1x1xf32, #tpu.memory_space<vmem>>, vector<1x1xf32>
    tpu.vector_store %arg4[%swap3A_154, %swap3A_155], %broadcast_in_dim3A_153 {strides = array<i32>} : memref<1x1xf32, #tpu.memory_space<vmem>>, vector<1x1xf32>,
    %broadcast_in_dim3A_157 = vector.broadcast %mul3A_146 : f32 to vector<1x1xf32>
    %swap3A_158 = arith.constant 0 : index
    %swap3A_159 = arith.constant 0 : index
    %swap3A_160 = vector.load %arg5[%swap3A_158, %swap3A_159] : memref<1x1xf32, #tpu.memory_space<vmem>>, vector<1x1xf32>
    tpu.vector_store %arg5[%swap3A_158, %swap3A_159], %broadcast_in_dim3A_157 {strides = array<i32>} : memref<1x1xf32, #tpu.memory_space<vmem>>, vector<1x1xf32>,
    return
  }
}

</mosaic_0001>

<sc_bundles>
// kernel: kernel.4.cloned.1.call-start
scs
__scs_entry_jumppad:
0x0: {  	(pc) =	sbr.rel $0x88, $3  }
0x1: {  	(tag) =	ssettag $0x0;
	lr =	simm.s32 $0x1  }
0x2: {  	[smem:$0x3F9D] =	sst lr;
	_ =	strace $0xD0000000  }
0x3: {  	_ = 	snop  }
0x4: {  	_ = 	snop  }
0x5: {  	_ = 	snop  }
0x6: {  	_ = 	snop  }
0x7: {  	_ = 	snop  }
__scs_overlays_trampoline_lowered:
0x8: {  	[smem:$0x3FAC] =	sst s0  }
0x9: {  	[smem:$0x3FAD] =	sst s1  }
0xa: {  	[smem:$0x3FAE] =	sst s2  }
0xb: {  	[smem:$0x3FAF] =	sst s3  }
0xc: {  	[smem:$0x3FB0] =	sst s4  }
0xd: {  	[smem:$0x3FB1] =	sst s5  }
0xe: {  	[smem:$0x3FB2] =	sst s6  }
0xf: {  	[smem:$0x3FB3] =	sst s7  }
0x10: {  	[smem:$0x3FB4] =	sst s8  }
0x11: {  	[smem:$0x3FB5] =	sst s9;
	s0 =	simm.s32 @!p0 $0x0  }
0x12: {  	s1 =	sld [smem:$0x3F9B];
	s0 =	simm.s32 @p0 $0x1  }
0x13: {  	[smem:$0x3FB6] =	sst s0;
	s0 =	simm.s32 @!p1 $0x0  }
0x14: {  	s2 =	sld [smem:$0x3F9A];
	s0 =	simm.s32 @p1 $0x1  }
0x15: {  	[smem:$0x3FB7] =	sst s0;
	s0 =	simm.s32 @!p2 $0x0  }
0x16: {  	s3 =	sld [smem:$0x3FDB];
	s0 =	simm.s32 @p2 $0x1  }
0x17: {  	s4 =	simm.s32 $0x1BF5;
	[smem:$0x3FB9] =	sst s0  }
0x18: {  	s0 =	sld [smem:$0x3F9C];
	_ =	swait.ge [sflag:s4], $0x0  }
0x19: {  	s7 =	sld [smem:$0x3F9D]  }
0x1a: {  	s8 =	sadd.s32 $0xFFFFE003, lr  }
0x1b: {  	s9 =	sadd.s32 $0xFFFFFEF7, lr;
	s5 =	simm.s32 $0xFFFFFFFF;
	p2 =	slt.u32 s8, $0xFFFFF086  }
0x1c: {  	p1 =	slt.u32 s9, $0xF7A;
	s5 =	simm.s32 @!p2 $0x0  }
0x1d: {  	s5 =	simm.s32 @p1 $0x1;
	p0 =	seq.s32 s7, s2  }
0x1e: {  	s7 =	smul.u32 @!p0 $0xF7A, s2;
	p2 =	seq.s32 @!p0 s5, $0x0  }
0x1f: {  	s9 =	smul.u32 $0xF7A, s1;
	s8 =	simm.s32 @!p0 $0x1BF5;
	p2 =	por !p2, p0  }
0x20: {  	[sflag:s8] =	ssyncset.s32 @!p0 $0xFFFFF086;
	s6 =	sadd.s32 @!p0 s3, s7;
	s7 =	simm.s32 @!p0 $0x108  }
0x21: {  	s3 =	sadd.s32 s3, s9;
	s6 =	sadd.s32 @!p0 $0x88, s6;
	s7 =	simm.s32 @p2 $0x1082  }
0x22: {  	[simem:s7], [sflag:s8] =	dma.local @!p0 [hbm:s6], $0xF7A  }
0x23: {  	s9 =	sor.u32 $0xD0000000, s2;
	s6 =	simm.s32 $0x108;
	_ =	swait.ge @!p0 [sflag:s8], $0x0  }
0x24: {  	s3 =	sadd.s32 $0x88, s3;
	s6 =	simm.s32 @!p1 $0x1082;
	[sflag:s4] =	ssyncset.s32 $0xFFFFF086  }
0x25: {  	[simem:s6], [sflag:s4] =	dma.local [hbm:s3], $0xF7A  }
0x26: {  	[smem:$0x3F9D] =	sst s1;
	(tag) =	ssettag s2;
	_ =	strace s9  }
0x27: {  	s1 =	sld [smem:$0x3FAD]  }
0x28: {  	s2 =	sld [smem:$0x3FAE]  }
0x29: {  	s4 =	sld [smem:$0x3FB0]  }
0x2a: {  	p0 =	seq.s32 s5, $0x0;
	s5 =	sld [smem:$0x3FB1]  }
0x2b: {  	s6 =	sld [smem:$0x3FB2]  }
0x2c: {  	s7 =	sld [smem:$0x3FB3]  }
0x2d: {  	s3 =	simm.s32 $0x108;
	s8 =	sld [smem:$0x3FB4]  }
0x2e: {  	s3 =	simm.s32 @!p0 $0x1082;
	s9 =	sld [smem:$0x3FB5]  }
0x2f: {  	lr =	sadd.s32 s0, s3;
	s0 =	sld [smem:$0x3FAC]  }
0x30: {  	s3 =	sld [smem:$0x3FAF]  }
0x31: {  	[smem:$0x3FB8] =	sst s10  }
0x32: {  	s10 =	sld [smem:$0x3FB6];
	_ =	sdelay $0x3  }
0x33: {  	p0 =	seq.s32 s10, $0x1;
	s10 =	sld [smem:$0x3FB8];
	_ =	sdelay $0x3  }
0x34: {  	[smem:$0x3FB8] =	sst s10  }
0x35: {  	s10 =	sld [smem:$0x3FB7];
	_ =	sdelay $0x3  }
0x36: {  	p1 =	seq.s32 s10, $0x1;
	s10 =	sld [smem:$0x3FB8];
	_ =	sdelay $0x3  }
0x37: {  	[smem:$0x3FB8] =	sst s10  }
0x38: {  	s10 =	sld [smem:$0x3FB9]  }
0x39: {  	_ = 	snop;
	(pc) =	sbr.ind lr, $3  }
0x3a: {  	_ = 	snop  }
0x3b: {  	_ = 	snop  }
0x3c: {  	p2 =	seq.s32 s10, $0x1;
	s10 =	sld [smem:$0x3FB8]  }
0x3d: {  	_ =	shalt  }
0x3e: {  	_ =	shalt  }
0x3f: {  	_ =	shalt  }
0x40: {  	_ =	shalt  }
0x41: {  	_ =	shalt  }
0x42: {  	_ =	shalt  }
0x43: {  	_ =	shalt  }
0x44: {  	_ =	shalt  }
0x45: {  	_ =	shalt  }
0x46: {  	_ =	shalt  }
0x47: {  	_ =	shalt  }
0x48: {  	_ =	shalt  }
0x49: {  	_ =	shalt  }
0x4a: {  	_ =	shalt  }
0x4b: {  	_ =	shalt  }
0x4c: {  	_ =	shalt  }
0x4d: {  	_ =	shalt  }
0x4e: {  	_ =	shalt  }
0x4f: {  	_ =	shalt  }
0x50: {  	_ =	shalt  }
0x51: {  	_ =	shalt  }
0x52: {  	_ =	shalt  }
0x53: {  	_ =	shalt  }
0x54: {  	_ =	shalt  }
0x55: {  	_ =	shalt  }
0x56: {  	_ =	shalt  }
0x57: {  	_ =	shalt  }
0x58: {  	_ =	shalt  }
0x59: {  	_ =	shalt  }
0x5a: {  	_ =	shalt  }
0x5b: {  	_ =	shalt  }
0x5c: {  	_ =	shalt  }
0x5d: {  	_ =	shalt  }
0x5e: {  	_ =	shalt  }
0x5f: {  	_ =	shalt  }
0x60: {  	_ =	shalt  }
0x61: {  	_ =	shalt  }
0x62: {  	_ =	shalt  }
0x63: {  	_ =	shalt  }
0x64: {  	_ =	shalt  }
0x65: {  	_ =	shalt  }
0x66: {  	_ =	shalt  }
0x67: {  	_ =	shalt  }
0x68: {  	_ =	shalt  }
0x69: {  	_ =	shalt  }
0x6a: {  	_ =	shalt  }
0x6b: {  	_ =	shalt  }
0x6c: {  	_ =	shalt  }
0x6d: {  	_ =	shalt  }
0x6e: {  	_ =	shalt  }
0x6f: {  	_ =	shalt  }
0x70: {  	_ =	shalt  }
0x71: {  	_ =	shalt  }
0x72: {  	_ =	shalt  }
0x73: {  	_ =	shalt  }
0x74: {  	_ =	shalt  }
0x75: {  	_ =	shalt  }
0x76: {  	_ =	shalt  }
0x77: {  	_ =	shalt  }
0x78: {  	_ =	shalt  }
0x79: {  	_ =	shalt  }
0x7a: {  	_ =	shalt  }
0x7b: {  	_ =	shalt  }
0x7c: {  	_ =	shalt  }
0x7d: {  	_ =	shalt  }
0x7e: {  	_ =	shalt  }
0x7f: {  	_ =	shalt  }
0x80: {  	_ =	shalt  }
0x81: {  	_ =	shalt  }
0x82: {  	_ =	shalt  }
0x83: {  	_ =	shalt  }
0x84: {  	_ =	shalt  }
0x85: {  	_ =	shalt  }
0x86: {  	_ =	shalt  }
0x87: {  	_ =	shalt  }
.Lfunc_end0:
.L_simem_size_0:
called_computation_lowered:
.L_overlay_start_0:
0x88: {  	s2 =	sld [smem:$0x3FD9]  }
0x89: {  	s3 =	sld [smem:$0x3FFE];
	_ =	sdelay $0x1  }
0x8a: {  	s1 =	srdreg.scid  }
0x8b: {  	s0 =	sand.u32 $0x1, s1  }
0x8c: {  	s17 =	sshll.u32 s0, $0xA;
	s2 =	sadd.s32 s3, s2  }
0x8d: {  	s2 =	sadd.s32 s2, s17  }
0x8e: {  	[smem:$0x3FC4] =	sst s2  }
0x8f: {  	_ = 	snop  }
0x90: {  	s2 =	sld [smem:$0x3FC9]  }
0x91: {  	s18 =	sld [smem:$0x3FC8]  }
0x92: {  	s4 =	sld [smem:$0x3FC7]  }
0x93: {  	s5 =	sld [smem:$0x3FC6];
	(tm) =	ssettm $0x1  }
0x94: {  	s6 =	sld [smem:$0x3FFB];
	_ =	sdelay $0x3  }
0x95: {  	_ =	strace s6  }
0x96: {  	s6 =	sld [smem:$0x3FFC];
	_ =	sdelay $0x3  }
0x97: {  	_ =	strace s6  }
0x98: {  	s6 =	sld [smem:$0x3FFD];
	_ =	sdelay $0x3  }
0x99: {  	_ =	strace s6  }
0x9a: {  	_ =	strace $0x8FFFFFFF  }
0x9b: {  	s19 =	sld [smem:$0x3FDB];
	_ =	sdelay $0x1  }
0x9c: {  	s7 =	simm.s32 $_scs_section_size  }
0x9d: {  	s8 =	simm.s32 $_size__tile_overlayer_lowered;
	s9 =	simm.s32 $_tile_overlayer_lowered  }
0x9e: {  	s22 =	simm.s32 $0x1BFF;
	s21 =	sshll.u32 s9, $0x1;
	s6 =	sadd.s32 s7, s19  }
0x9f: {  	s10 =	simm.s32 $0x0;
	s20 =	sshll.u32 s8, $0x1;
	s8 =	sadd.s32 s21, s6  }
0xa0: {  	[timem:s10], [sflag:s22] =	dma.local [hbm:s8], s20  }
0xa1: {  	_ =	swait.ge [sflag:s22], s20  }
0xa2: {  	s7 =	ssub.s32 $0x0, s20;
	[sflag:s22] =	ssyncset.done $0x0  }
0xa3: {  	[sflag:s22] =	ssyncadd.s32 s7;
	_ =	sdelay $0x1  }
0xa4: {  	s23 =	simm.s32 $0x1B8B  }
0xa5: {  	_ =	swait.ge [sflag:s23], $0x1  }
0xa6: {  	[sflag:s23] =	ssyncset.done $0x0  }
0xa7: {  	s25 =	simm.s32 $0x1B8E;
	s24 =	sld [smem:$0x3FFE];
	[sflag:s23] =	ssyncadd.s32 $0xFFFFFFFF  }
0xa8: {  	s26 =	simm.s32 $execute0_lowered;
	[smem:$0x3FD2] =	sst s25  }
0xa9: {  	s8 =	sshll.u32 s26, $0x1;
	_ =	strace $0x80000046;
	[dreg:$0x1] =	wrdreg $0xFFFFFFFF  }
0xaa: {  	s28 =	simm.s32 $_size_execute0_lowered;
	s6 =	sadd.s32 s6, s8;
	[dreg:$0x0] =	wrdreg $0x0  }
0xab: {  	s8 =	sshll.u32 s28, $0x1;
	[dreg:$0x2] =	wrdreg s6  }
0xac: {  	[dreg:$0x3] =	wrdreg s8  }
0xad: {  	[dreg:$0x4] =	wrdreg $0xC0  }
0xae: {  	_ =	task [dreg:s10], $0x5FFFF  }
0xaf: {  	[dreg:$0x1] =	wrdreg $0xFFFFFFFF  }
0xb0: {  	[dreg:$0x0] =	wrdreg $0x60  }
0xb1: {  	[dreg:$0x2] =	wrdreg s2  }
0xb2: {  	[dreg:$0x3] =	wrdreg s18  }
0xb3: {  	[dreg:$0x4] =	wrdreg s4  }
0xb4: {  	[dreg:$0x5] =	wrdreg s5  }
0xb5: {  	[dreg:$0x6] =	wrdreg s24  }
0xb6: {  	[dreg:$0x7] =	wrdreg $0x9  }
0xb7: {  	_ =	task.clear_ibuf [dreg:s10], $0x8FFFF;
	_ =	strace $0x90000046  }
0xb8: {  	s29 =	simm.s32 $0x9;
	_ =	strace $0x80000048  }
0xb9: {  	_ =	swait.ge [sflag:s29], $0x1  }
0xba: {  	[sflag:s29] =	ssyncadd.s32 $0xFFFFFFFF  }
0xbb: {  	_ =	strace $0x90000048  }
0xbc: {  	_ =	sfence  }
0xbd: {  	s30 =	sld [smem:$0x0];
	_ =	sdelay $0x2  }
0xbe: {  	s31 =	sshll.u32 s1, $0xD;
	s1 =	sshrl.u32 s1, $0x2  }
0xbf: {  	s3 =	sand.u32 $0x4000, s31;
	s1 =	sadd.s32 s1, s30  }
0xc0: {  	s0 =	sor.u32 s3, s0;
	s1 =	sshll.u32 s1, $0x11  }
0xc1: {  	s0 =	sor.u32 s1, s0  }
0xc2: {  	s0 =	sadd.s32 $0x8F2B, s0  }
0xc3: {  	[sflag:s0] =	ssyncadd.remote.s32 $0x1  }
0xc4: {  	_ =	sfence.sel $0xFFFF  }
0xc5: {  	[dreg:$0x0] =	wrdreg $0xFFFFFFFF;
	(pc) =	sbr.abs _section_cstart, $3  }
0xc6: {  	[dreg:$0x1] =	wrdreg $0xFFFFFFFF  }
0xc7: {  	_ =	task.clear_ibuf [dreg:s10], $0x2FFFF;
	_ =	strace $0x9FFFFFFF  }
0xc8: {  	(tm) =	ssettm $0x7FFFFFFF  }
0xc9: {  	_ =	shalt  }
tec
execute0_lowered:
.L_overlay_start_1:
0x0: {  	(tag) =	ssettag $0x1  }
0x1: {  	s2 =	rddreg [dreg:$0x0]  }
0x2: {  	s0 =	srdreg.scid;
	s3 =	rddreg [dreg:$0x1]  }
0x3: {  	s6 =	stileid.u32;
	s5 =	rddreg [dreg:$0x2]  }
0x4: {  	s7 =	rddreg [dreg:$0x3];
	s0 =	sand.u32 $0x1, s0;
	s1 =	sshll.u32 s6, $0x1  }
0x5: {  	s9 =	rddreg [dreg:$0x4];
	s6 =	sshrl.u32 s6, $0x2;
	s4 =	sor.u32 s0, s1  }
0x6: {  	s15 =	sshll.u32 s6, $0xE;
	s1 =	sshll.u32 s4, $0x7;
	s4 =	sshll.u32 s4, $0xC  }
0x7: {  	s8 =	sand.u32 $0x380, s1;
	s1 =	simm.s32 $0x0;
	s17 =	sor.u32 $0x200, s4  }
0x8: {  	s6 =	sshll.u32 s6, $0xA;
	[smem:$0x7FF] =	sst s1;
	s18 =	sadd.s32 s2, s17  }
0x9: {  	s0 =	ssub.s32 $0x2, s0;
	s19 =	sadd.s32 s3, s17;
	[dreg:$0x6] =	wrdreg s18  }
0xa: {  	s16 =	sshrl.u32 s0, $0x1;
	s20 =	sadd.s32 s5, s17;
	[dreg:$0x7] =	wrdreg s19  }
0xb: {  	s22 =	sor.u32 $0x400, s4;
	s21 =	sadd.s32 s7, s17;
	[dreg:$0x8] =	wrdreg s20  }
0xc: {  	s25 =	sor.u32 $0x600, s4;
	s23 =	sadd.s32 s2, s22;
	[dreg:$0x9] =	wrdreg s21  }
0xd: {  	s10 =	sor.u32 s15, s8;
	s24 =	sadd.s32 s3, s22;
	[dreg:$0xa] =	wrdreg s23  }
0xe: {  	s6 =	sor.u32 s6, s8;
	s11 =	sadd.s32 s5, s22;
	[dreg:$0xb] =	wrdreg s24  }
0xf: {  	s8 =	ssub.s32 s0, s16;
	s0 =	sadd.s32 s7, s22;
	[dreg:$0xc] =	wrdreg s11  }
0x10: {  	s26 =	sadd.s32 s2, s25;
	[dreg:$0xd] =	wrdreg s0  }
0x11: {  	s13 =	sor.u32 $0x800, s4;
	s12 =	sadd.s32 s5, s25;
	[dreg:$0xe] =	wrdreg s26  }
0x12: {  	s14 =	sadd.s32 s2, s13;
	s15 =	sadd.s32 s3, s13;
	[dreg:$0x10] =	wrdreg s12  }
0x13: {  	s16 =	sadd.s32 s5, s13;
	s17 =	sor.u32 $0xA00, s4;
	[dreg:$0x12] =	wrdreg s14  }
0x14: {  	s22 =	sadd.s32 s3, s4;
	s10 =	sshrl.u32 s10, $0x3;
	[dreg:$0x13] =	wrdreg s15  }
0x15: {  	s6 =	sshrl.u32 s6, $0x3;
	s11 =	sadd.s32 s3, s25;
	[dreg:$0x14] =	wrdreg s16  }
0x16: {  	s0 =	sadd.s32 s7, s13;
	s18 =	sadd.s32 s2, s17;
	[dreg:$0x1b] =	wrdreg s22  }
0x17: {  	s19 =	sadd.s32 s3, s17;
	s20 =	sadd.s32 s5, s17;
	[dreg:$0xf] =	wrdreg s11  }
0x18: {  	s21 =	sadd.s32 s2, s4;
	s23 =	sadd.s32 s5, s4;
	[dreg:$0x15] =	wrdreg s0  }
0x19: {  	s24 =	sor.u32 $0xC00, s4;
	s12 =	simm.s32 $0x4000;
	[dreg:$0x16] =	wrdreg s18  }
0x1a: {  	s13 =	simm.s32 $0x5000;
	s14 =	simm.s32 $0x6000;
	[dreg:$0x17] =	wrdreg s19  }
0x1b: {  	s15 =	simm.s32 $0x7000;
	s16 =	simm.s32 $0x8000;
	[dreg:$0x18] =	wrdreg s20  }
0x1c: {  	s10 =	sadd.s32 s10, s9;
	s6 =	sadd.s32 s6, s9;
	[dreg:$0x1a] =	wrdreg s21  }
0x1d: {  	s9 =	sadd.s32 s7, s25;
	s0 =	sadd.s32 s7, s17;
	[dreg:$0x1c] =	wrdreg s23  }
0x1e: {  	s25 =	sadd.s32 s7, s4;
	s4 =	sor.u32 $0xE00, s4;
	s26 =	sadd.s32 s2, s24  }
0x1f: {  	s29 =	sadd.s32 s3, s24;
	s30 =	sadd.s32 s5, s24;
	s31 =	sadd.s32 s7, s24  }
0x20: {  	s11 =	simm.s32 $0x1;
	s17 =	simm.s32 $0x8800;
	[dreg:$0x11] =	wrdreg s9  }
0x21: {  	s18 =	simm.s32 $0x2;
	s19 =	simm.s32 $0x0;
	[dreg:$0x19] =	wrdreg s0  }
0x22: {  	s28 =	sadd.s32 s2, s4;
	s0 =	sadd.s32 s3, s4;
	s2 =	sadd.s32 s5, s4  }
0x23: {  	s3 =	sadd.s32 s7, s4;
	s4 =	sadd.s32 $0x1000, s10;
	s5 =	sadd.s32 $0x3000, s10  }
0x24: {  	s6 =	sadd.s32 $0x5000, s6;
	s7 =	smax.u32 s8, $0x1;
	s8 =	simm.s32 $0x1000  }
0x25: {  	v0 =	vimm.f32 $0.0e+00;
	s9 =	simm.s32 $0x2000;
	s10 =	simm.s32 $0x3000;
	_ =	strace $0x80000047  }
.LBB2_1:
0x26: {  	s20 =	rddreg [dreg:$0x1a]  }
0x27: {  	[tilespmem:s1], [sflag:$0x1] =	stream.linear.gather [hbm4b:s20+s1], $0x1000, $0x38;
	[tilespmem:$0x9080] =	vst v63  }
0x28: {  	s23 =	rddreg [dreg:$0x1b]  }
0x29: {  	[tilespmem:s8], [sflag:$0x1] =	stream.linear.gather [hbm4b:s23+s1], $0x1000, $0x38;
	[tilespmem:$0x9080] =	vst v63  }
0x2a: {  	s24 =	rddreg [dreg:$0x1c]  }
0x2b: {  	[tilespmem:s9], [sflag:$0x1] =	stream.linear.gather [hbm4b:s24+s1], $0x1000, $0x38;
	[tilespmem:$0x9080] =	vst v63  }
0x2c: {  	s21 =	simm.s32 $0x200;
	s20 =	simm.s32 $0x0  }
0x2d: {  	[tilespmem:s10], [sflag:$0x1] =	stream.linear.gather [hbm4b:s25+s1], $0x1000, $0x38;
	[tilespmem:$0x9080] =	vst v63  }
.LBB2_2:
0x2e: {  	p0 =	sne.s32 s21, $0x1E00;
	[tilespmem:s20+$0x8870] =	vst v0  }
0x2f: {  	[tilespmem:s20+$0x8000] =	vst v0  }
0x30: {  	[tilespmem:s20+$0x8800] =	vst v0  }
0x31: {  	[tilespmem:s20+$0x8010] =	vst v0  }
0x32: {  	[tilespmem:s20+$0x8810] =	vst v0  }
0x33: {  	[tilespmem:s20+$0x8020] =	vst v0  }
0x34: {  	[tilespmem:s20+$0x8820] =	vst v0  }
0x35: {  	[tilespmem:s20+$0x8030] =	vst v0  }
0x36: {  	[tilespmem:s20+$0x8830] =	vst v0  }
0x37: {  	[tilespmem:s20+$0x8040] =	vst v0  }
0x38: {  	[tilespmem:s20+$0x8840] =	vst v0  }
.Ltmp0:
0x39: {  	[tilespmem:s20+$0x8050] =	vst v0;
	(pc) =	sbr.rel @p0 .LBB2_2-.Ltmp0, $4  }
0x3a: {  	[tilespmem:s20+$0x8850] =	vst v0  }
0x3b: {  	[tilespmem:s20+$0x8060] =	vst v0  }
0x3c: {  	[tilespmem:s20+$0x8860] =	vst v0  }
0x3d: {  	[tilespmem:s20+$0x8070] =	vst v0;
	s20 =	sshra.s32 s21, $0x2;
	s21 =	sadd.s32 $0x200, s21  }
0x3e: {  	[tilespmem:s20+$0x8870] =	vst v0  }
0x3f: {  	[tilespmem:s20+$0x8000] =	vst v0  }
0x40: {  	[tilespmem:s20+$0x8800] =	vst v0  }
0x41: {  	[tilespmem:s20+$0x8010] =	vst v0  }
0x42: {  	[tilespmem:s20+$0x8810] =	vst v0  }
0x43: {  	[tilespmem:s20+$0x8020] =	vst v0  }
0x44: {  	[tilespmem:s20+$0x8820] =	vst v0  }
0x45: {  	[tilespmem:s20+$0x8030] =	vst v0  }
0x46: {  	[tilespmem:s20+$0x8830] =	vst v0  }
0x47: {  	[tilespmem:s20+$0x8040] =	vst v0  }
0x48: {  	[tilespmem:s20+$0x8840] =	vst v0  }
0x49: {  	[tilespmem:s20+$0x8050] =	vst v0  }
0x4a: {  	[tilespmem:s20+$0x8850] =	vst v0  }
0x4b: {  	[tilespmem:s20+$0x8060] =	vst v0  }
0x4c: {  	[tilespmem:s20+$0x8860] =	vst v0  }
0x4d: {  	[tilespmem:s20+$0x8070] =	vst v0  }
0x4e: {  	_ =	swait.ge [sflag:s11], $0x1000  }
0x4f: {  	[sflag:s11] =	ssyncset.done $0x0  }
0x50: {  	[sflag:s11] =	ssyncadd.s32 $0xFFFFF000  }
0x51: {  	_ =	swait.ge [sflag:s11], $0x1000  }
0x52: {  	[sflag:s11] =	ssyncset.done $0x0  }
0x53: {  	[sflag:s11] =	ssyncadd.s32 $0xFFFFF000  }
0x54: {  	_ =	swait.ge [sflag:s11], $0x1000  }
0x55: {  	[sflag:s11] =	ssyncset.done $0x0  }
0x56: {  	[sflag:s11] =	ssyncadd.s32 $0xFFFFF000  }
0x57: {  	_ =	swait.ge [sflag:s11], $0x1000  }
0x58: {  	[sflag:s11] =	ssyncset.done $0x0  }
0x59: {  	s21 =	rddreg [dreg:$0x6];
	[sflag:s11] =	ssyncadd.s32 $0xFFFFF000  }
0x5a: {  	[tilespmem:s12], [sflag:$0x1] =	stream.linear.gather [hbm4b:s21+s1], $0x1000, $0x38;
	[tilespmem:$0x9080] =	vst v63  }
0x5b: {  	s22 =	rddreg [dreg:$0x7]  }
0x5c: {  	[tilespmem:s13], [sflag:$0x1] =	stream.linear.gather [hbm4b:s22+s1], $0x1000, $0x38;
	[tilespmem:$0x9080] =	vst v63  }
0x5d: {  	s23 =	rddreg [dreg:$0x8]  }
0x5e: {  	[tilespmem:s14], [sflag:$0x1] =	stream.linear.gather [hbm4b:s23+s1], $0x1000, $0x38;
	[tilespmem:$0x9080] =	vst v63  }
0x5f: {  	s24 =	rddreg [dreg:$0x9];
	s22 =	simm.s32 $0x2040  }
0x60: {  	[tilespmem:s15], [sflag:$0x1] =	stream.linear.gather [hbm4b:s24+s1], $0x1000, $0x38;
	[tilespmem:$0x9080] =	vst v63  }
0x61: {  	s20 =	simm.s32 $0x3040;
	v1 =	vld [tilespmem:s22+$0x30]  }
0x62: {  	s23 =	simm.s32 $0x40;
	v3 =	vld [tilespmem:s20+$0x30]  }
0x63: {  	s21 =	simm.s32 $0x1040;
	v2 =	vld [tilespmem:s23+$0x30]  }
0x64: {  	v4 =	vld [tilespmem:s21+$0x30]  }
0x65: {  	v5 =	vld [tilespmem:s20+$0x10]  }
0x66: {  	v6 =	vld [tilespmem:s22+$0x10]  }
0x67: {  	v9 =	vld [tilespmem:s22+$0xFFFFFFC0]  }
0x68: {  	v11 =	vld [tilespmem:s23+$0xFFFFFFC0]  }
0x69: {  	v12 =	vld [tilespmem:s21+$0xFFFFFFC0]  }
0x6a: {  	v14 =	vld [tilespmem:s21+$0x10]  }
0x6b: {  	v18 =	vld [tilespmem:s23+$0x10]  }
0x6c: {  	v17 =	vld [tilespmem:s23+$0x0]  }
0x6d: {  	v21 =	vld [tilespmem:s23+$0xFFFFFFE0]  }
0x6e: {  	v24 =	vld [tilespmem:s23+$0xFFFFFFD0];
	v3 =	vcvt.s32.f32 v3;
	v8 =	vmul.f32 $1.442695020e+00, v2  }
0x6f: {  	v29 =	vld [tilespmem:s20+$0xFFFFFFF0];
	v1 =	vmul.f32 $2.048000000e+03, v1;
	v4 =	vmul.f32 $2.048000000e+03, v4  }
0x70: {  	v60 =	vld [tilespmem:s21+$0xFFFFFFF0];
	v5 =	vcvt.s32.f32 v5;
	v6 =	vmul.f32 $2.048000000e+03, v6  }
0x71: {  	v9 =	vmul.f32 $2.048000000e+03, v9;
	v15 =	vmul.f32 $1.442695020e+00, v11  }
0x72: {  	v12 =	vmul.f32 $2.048000000e+03, v12;
	v14 =	vmul.f32 $2.048000000e+03, v14  }
0x73: {  	v7 =	vld [tilespmem:s21+$0x0];
	v23 =	vmul.f32 $1.442695020e+00, v18;
	v25 =	vmul.f32 $1.442695020e+00, v17  }
0x74: {  	v28 =	vmul.f32 $1.442695020e+00, v21;
	v55 =	vmul.f32 $1.442695020e+00, v24  }
0x75: {  	v57 =	vcvt.s32.f32 v29;
	v62 =	vmul.f32 $2.048000000e+03, v60  }
0x76: {  	v10 =	vmul.f32 $8.192000000e+03, v3;
	(erf) = vpow2.f32 v8  }
0x77: {  	v1 =	vtrunc.f32 v1;
	v8 =	vld [tilespmem:s21+$0x20];
	v4 =	vtrunc.f32 v4  }
0x78: {  	v13 =	vcvt.f32.s32 v1;
	v1 =	vmul.f32 $2.048000000e+03, v7;
	v7 =	vld [tilespmem:s23+$0x20]  }
0x79: {  	v6 =	vtrunc.f32 v6;
	v12 =	vtrunc.f32 v12  }
0x7a: {  	v14 =	vtrunc.f32 v14;
	v4 =	vcvt.f32.s32 v4  }
0x7b: {  	v19 =	vcvt.f32.s32 v6;
	(erf) = vpow2.f32 v15;
	v6 =	vld [tilespmem:s20+$0xFFFFFFC0]  }
0x7c: {  	v15 =	vmul.f32 $8.192000000e+03, v5;
	(erf) = vpow2.f32 v23  }
0x7d: {  	v58 =	vld [tilespmem:s20+$0x20];
	v20 =	vmul.f32 $2.048000000e+03, v8;
	v8 =	vmul.f32 $1.442695020e+00, v7  }
0x7e: {  	v27 =	vld [tilespmem:s20+$0x0];
	v16 =	vtrunc.f32 v1;
	v1 =	vtrunc.f32 v9  }
0x7f: {  	v22 =	vcvt.f32.s32 v1;
	v1 =	vld [tilespmem:s20+$0xFFFFFFD0];
	v54 =	vpop (erf);
	(erf) = vpow2.f32 v8  }
0x80: {  	v12 =	vcvt.f32.s32 v12;
	v9 =	vld [tilespmem:s23+$0xFFFFFFF0];
	v6 =	vcvt.s32.f32 v6  }
0x81: {  	v26 =	vld [tilespmem:s20+$0xFFFFFFE0];
	v56 =	vcvt.f32.s32 v14;
	v5 =	vmul.f32 v5, v18;
	v8 =	vadd.f32 v10, v54  }
0x82: {  	v18 =	vcvt.s32.f32 v58;
	v11 =	vmul.f32 v6, v11;
	v10 =	vld [tilespmem:s22+$0x0]  }
0x83: {  	(erf) = vpow2.f32 v25;
	[tilespmem:v4+s16+$0x0] =	vst.idx.add.f32.msk $0xffff, v8;
	v4 =	vmul.f32 $8.192000000e+03, v6  }
0x84: {  	v1 =	vcvt.s32.f32 v1;
	v6 =	vpop (erf);
	[tilespmem:v13+s17+$0x0] =	vst.idx.add.f32.msk $0xffff, v8;
	v13 =	vcvt.s32.f32 v27  }
0x85: {  	v30 =	vmul.f32 $1.442695020e+00, v9;
	v61 =	vmul.f32 v57, v9;
	v8 =	vld [tilespmem:s22+$0xFFFFFFF0];
	v4 =	vadd.f32 v4, v6  }
0x86: {  	v59 =	vimm.f32 $0.0e+00;
	v14 =	vmul.f32 v1, v24;
	v31 =	vmul.f32 v13, v17;
	v17 =	vld [tilespmem:s22+$0xFFFFFFE0]  }
0x87: {  	v11 =	vadd.f32 v11, v59;
	v6 =	vcvt.s32.f32 v26;
	v9 =	vmul.f32 $2.048000000e+03, v10;
	v10 =	vpop (erf);
	[tilespmem:v12+s16+$0x0] =	vst.idx.add.f32.msk $0xffff, v4  }
0x88: {  	v16 =	vcvt.f32.s32 v16;
	v12 =	vld [tilespmem:s22+$0xFFFFFFD0];
	v10 =	vadd.f32 v15, v10;
	v32 =	vpop (erf);
	(erf) = vpow2.f32 v30  }
0x89: {  	v20 =	vtrunc.f32 v20;
	[tilespmem:v22+s17+$0x0] =	vst.idx.add.f32.msk $0xffff, v4;
	v4 =	vadd.f32 v14, v11;
	v11 =	vmul.f32 v6, v21  }
0x8a: {  	v13 =	vmul.f32 $8.192000000e+03, v13;
	v15 =	vtrunc.f32 v9;
	[tilespmem:v56+s16+$0x0] =	vst.idx.add.f32.msk $0xffff, v10  }
0x8b: {  	v14 =	vmul.f32 $8.192000000e+03, v57;
	v11 =	vadd.f32 v11, v4;
	[tilespmem:v19+s17+$0x0] =	vst.idx.add.f32.msk $0xffff, v10;
	v10 =	vmul.f32 $8.192000000e+03, v18  }
0x8c: {  	v9 =	vpop (erf);
	v4 =	vmul.f32 v18, v7;
	v7 =	vtrunc.f32 v62;
	v18 =	vld [tilespmem:s22+$0x20]  }
0x8d: {  	(erf) = vpow2.f32 v55;
	v19 =	vld [tilespmem:s21+$0xFFFFFFE0];
	v9 =	vadd.f32 v13, v9;
	v63 =	vadd.f32 v61, v11  }
0x8e: {  	v13 =	vld [tilespmem:s21+$0xFFFFFFD0];
	(erf) = vpow2.f32 v28;
	v11 =	vcvt.f32.s32 v7  }
0x8f: {  	s24 =	simm.s32 $0x20C0;
	s23 =	simm.s32 $0xC0;
	s22 =	simm.s32 $0x0;
	v10 =	vadd.f32 v10, v32;
	[tilespmem:v16+s16+$0x0] =	vst.idx.add.f32.msk $0xffff, v9;
	v16 =	vcvt.f32.s32 v20;
	v7 =	vadd.f32 v31, v63  }
.LBB2_4:
0x90: {  	v20 =	vld [tilespmem:s24+$0x30];
	s22 =	sadd.s32 $0x8, s22;
	v17 =	vmul.f32 $2.048000000e+03, v17;
	v8 =	vmul.f32 $2.048000000e+03, v8;
	s21 =	sadd.s32 $0x80, s21;
	s20 =	sadd.s32 $0x80, s20  }
0x91: {  	v12 =	vmul.f32 $2.048000000e+03, v12;
	v21 =	vld [tilespmem:s21+$0x20];
	p0 =	slt.u32 s22, $0xF8;
	v5 =	vadd.f32 v5, v7;
	v7 =	vpop (erf)  }
0x92: {  	v22 =	vld [tilespmem:s23+$0xFFFFFFC0];
	v7 =	vadd.f32 v14, v7;
	v8 =	vtrunc.f32 v8;
	v14 =	vcvt.f32.s32 v15  }
0x93: {  	v24 =	vmul.f32 v3, v2;
	v12 =	vtrunc.f32 v12;
	v15 =	vld [tilespmem:s24+$0xFFFFFFC0];
	v4 =	vadd.f32 v4, v5  }
0x94: {  	v18 =	vmul.f32 $2.048000000e+03, v18;
	v5 =	vld [tilespmem:s21+$0x0];
	v3 =	vmul.f32 $2.048000000e+03, v19  }
0x95: {  	v6 =	vmul.f32 $8.192000000e+03, v6;
	v17 =	vtrunc.f32 v17;
	v19 =	vld [tilespmem:s24+$0x10];
	v4 =	vadd.f32 v24, v4  }
0x96: {  	v1 =	vmul.f32 $8.192000000e+03, v1;
	v18 =	vtrunc.f32 v18;
	v23 =	vld [tilespmem:s20+$0x10];
	v2 =	vpop (erf)  }
0x97: {  	v13 =	vmul.f32 $2.048000000e+03, v13;
	v3 =	vtrunc.f32 v3;
	v24 =	vld [tilespmem:s21+$0x30];
	v25 =	vpop (erf)  }
0x98: {  	v8 =	vcvt.f32.s32 v8;
	v1 =	vadd.f32 v1, v2;
	v26 =	vld [tilespmem:s20+$0x30];
	v6 =	vadd.f32 v6, v25  }
0x99: {  	v13 =	vtrunc.f32 v13;
	v25 =	vcvt.f32.s32 v3;
	[tilespmem:v14+s17+$0x0] =	vst.idx.add.f32.msk $0xffff, v9  }
0x9a: {  	v9 =	vcvt.f32.s32 v13;
	v13 =	vcvt.f32.s32 v17;
	v2 =	vld [tilespmem:s23+$0x30]  }
0x9b: {  	v14 =	vcvt.f32.s32 v18;
	[tilespmem:v16+s16+$0x0] =	vst.idx.add.f32.msk $0xffff, v10  }
0x9c: {  	v12 =	vcvt.f32.s32 v12;
	v16 =	vld [tilespmem:s21+$0xFFFFFFC0]  }
0x9d: {  	[tilespmem:v11+s16+$0x0] =	vst.idx.add.f32.msk $0xffff, v7  }
0x9e: {  	v3 =	vcvt.s32.f32 v26;
	[tilespmem:v8+s17+$0x0] =	vst.idx.add.f32.msk $0xffff, v7  }
0x9f: {  	v8 =	vmul.f32 $2.048000000e+03, v20;
	v7 =	vmul.f32 $1.442695020e+00, v2;
	[tilespmem:v25+s16+$0x0] =	vst.idx.add.f32.msk $0xffff, v6  }
0xa0: {  	v17 =	vmul.f32 $2.048000000e+03, v24;
	v11 =	vmul.f32 $8.192000000e+03, v3;
	[tilespmem:v13+s17+$0x0] =	vst.idx.add.f32.msk $0xffff, v6  }
0xa1: {  	v6 =	vtrunc.f32 v8;
	(erf) = vpow2.f32 v7;
	[tilespmem:v14+s17+$0x0] =	vst.idx.add.f32.msk $0xffff, v10  }
0xa2: {  	v8 =	vtrunc.f32 v17;
	v7 =	vcvt.s32.f32 v23;
	[tilespmem:v9+s16+$0x0] =	vst.idx.add.f32.msk $0xffff, v1  }
0xa3: {  	v6 =	vcvt.f32.s32 v6;
	v9 =	vmul.f32 $2.048000000e+03, v19;
	[tilespmem:v12+s17+$0x0] =	vst.idx.add.f32.msk $0xffff, v1  }
0xa4: {  	v1 =	vmul.f32 $2.048000000e+03, v5;
	v5 =	vcvt.f32.s32 v8;
	v10 =	vld [tilespmem:s23+$0x20]  }
0xa5: {  	v8 =	vmul.f32 $2.048000000e+03, v15;
	v9 =	vtrunc.f32 v9;
	v12 =	vld [tilespmem:s21+$0x10]  }
0xa6: {  	v13 =	vmul.f32 $1.442695020e+00, v22;
	v14 =	vtrunc.f32 v1;
	v18 =	vld [tilespmem:s23+$0x10]  }
0xa7: {  	v20 =	vmul.f32 $2.048000000e+03, v21;
	v19 =	vcvt.f32.s32 v9;
	v15 =	vld [tilespmem:s23+$0x0]  }
0xa8: {  	v1 =	vtrunc.f32 v8;
	v9 =	vld [tilespmem:s23+$0xFFFFFFF0];
	(erf) = vpow2.f32 v13  }
0xa9: {  	v13 =	vmul.f32 $8.192000000e+03, v7;
	v8 =	vld [tilespmem:s20+$0xFFFFFFC0];
	v17 =	vmul.f32 $1.442695020e+00, v10  }
0xaa: {  	v16 =	vmul.f32 $2.048000000e+03, v16;
	v21 =	vld [tilespmem:s23+$0xFFFFFFE0];
	v12 =	vmul.f32 $2.048000000e+03, v12;
	v23 =	vpop (erf)  }
0xab: {  	v24 =	vcvt.f32.s32 v1;
	v1 =	vld [tilespmem:s20+$0xFFFFFFD0];
	v25 =	vmul.f32 $1.442695020e+00, v18  }
0xac: {  	v16 =	vtrunc.f32 v16;
	v26 =	vld [tilespmem:s23+$0xFFFFFFD0];
	v27 =	vmul.f32 $1.442695020e+00, v15  }
0xad: {  	v12 =	vtrunc.f32 v12;
	v28 =	vld [tilespmem:s20+$0xFFFFFFE0];
	(erf) = vpow2.f32 v25  }
0xae: {  	v8 =	vcvt.s32.f32 v8;
	v25 =	vld [tilespmem:s20+$0x0];
	(erf) = vpow2.f32 v17  }
0xaf: {  	v11 =	vadd.f32 v11, v23;
	v30 =	vmul.f32 $1.442695020e+00, v9;
	v29 =	vmul.f32 $1.442695020e+00, v21;
	v17 =	vld [tilespmem:s20+$0xFFFFFFF0]  }
0xb0: {  	v22 =	vmul.f32 v8, v22;
	v23 =	vld [tilespmem:s24+$0x0];
	(erf) = vpow2.f32 v27  }
0xb1: {  	v16 =	vcvt.f32.s32 v16;
	v27 =	vmul.f32 $1.442695020e+00, v26;
	[tilespmem:v5+s16+$0x0] =	vst.idx.add.f32.msk $0xffff, v11;
	v5 =	vpop (erf)  }
0xb2: {  	v31 =	vmul.f32 $8.192000000e+03, v8;
	v1 =	vcvt.s32.f32 v1;
	v4 =	vadd.f32 v22, v4;
	[tilespmem:v6+s17+$0x0] =	vst.idx.add.f32.msk $0xffff, v11  }
0xb3: {  	v22 =	vcvt.f32.s32 v12;
	v8 =	vld [tilespmem:s24+$0xFFFFFFF0];
	v11 =	vcvt.s32.f32 v25  }
0xb4: {  	v5 =	vadd.f32 v31, v5;
	v25 =	vmul.f32 v1, v26;
	v12 =	vld [tilespmem:s24+$0xFFFFFFD0];
	v17 =	vcvt.s32.f32 v17  }
0xb5: {  	v6 =	vcvt.s32.f32 v28;
	v26 =	vcvt.f32.s32 v14;
	v28 =	vld [tilespmem:s20+$0x20]  }
0xb6: {  	v4 =	vadd.f32 v25, v4;
	v25 =	vld [tilespmem:s21+$0xFFFFFFF0];
	v31 =	vmul.f32 v17, v9;
	v9 =	vmul.f32 $2.048000000e+03, v23;
	v14 =	vpop (erf)  }
0xb7: {  	v23 =	vmul.f32 v11, v15;
	[tilespmem:v16+s16+$0x0] =	vst.idx.add.f32.msk $0xffff, v5;
	v16 =	vmul.f32 $8.192000000e+03, v11;
	v11 =	vadd.f32 v13, v14;
	v32 =	vpop (erf)  }
0xb8: {  	[tilespmem:v24+s17+$0x0] =	vst.idx.add.f32.msk $0xffff, v5;
	v15 =	vtrunc.f32 v9;
	(erf) = vpow2.f32 v30  }
0xb9: {  	v21 =	vmul.f32 v6, v21;
	v14 =	vmul.f32 $8.192000000e+03, v17;
	[tilespmem:v22+s16+$0x0] =	vst.idx.add.f32.msk $0xffff, v11;
	v5 =	vpop (erf)  }
0xba: {  	v17 =	vld [tilespmem:s24+$0xFFFFFFE0];
	v9 =	vadd.f32 v16, v5;
	v5 =	vmul.f32 v7, v18;
	v7 =	vcvt.s32.f32 v28  }
.Ltmp1:
0xbb: {  	v20 =	vtrunc.f32 v20;
	v16 =	vadd.f32 v21, v4;
	v13 =	vld [tilespmem:s21+$0xFFFFFFD0];
	v18 =	vmul.f32 $2.048000000e+03, v25;
	(pc) =	sbr.rel @p0 .LBB2_4-.Ltmp1, $4  }
0xbc: {  	[tilespmem:v19+s17+$0x0] =	vst.idx.add.f32.msk $0xffff, v11;
	v21 =	vmul.f32 $8.192000000e+03, v7;
	v4 =	vmul.f32 v7, v10  }
0xbd: {  	v10 =	vadd.f32 v31, v16;
	v7 =	vtrunc.f32 v18;
	[tilespmem:v26+s16+$0x0] =	vst.idx.add.f32.msk $0xffff, v9;
	(erf) = vpow2.f32 v27  }
0xbe: {  	v11 =	vcvt.f32.s32 v7;
	v18 =	vld [tilespmem:s24+$0x20];
	(erf) = vpow2.f32 v29  }
0xbf: {  	s23 =	sadd.s32 $0x80, s23;
	v16 =	vcvt.f32.s32 v20;
	v7 =	vadd.f32 v23, v10;
	v10 =	vadd.f32 v21, v32;
	s24 =	sadd.s32 $0x80, s24;
	v19 =	vld [tilespmem:s21+$0xFFFFFFE0]  }
0xc0: {  	v8 =	vmul.f32 $2.048000000e+03, v8  }
0xc1: {  	v17 =	vmul.f32 $2.048000000e+03, v17;
	v12 =	vmul.f32 $2.048000000e+03, v12  }
0xc2: {  	v15 =	vcvt.f32.s32 v15;
	v13 =	vmul.f32 $2.048000000e+03, v13  }
0xc3: {  	v1 =	vmul.f32 $8.192000000e+03, v1;
	v8 =	vtrunc.f32 v8  }
0xc4: {  	v13 =	vtrunc.f32 v13;
	v12 =	vtrunc.f32 v12  }
0xc5: {  	v18 =	vmul.f32 $2.048000000e+03, v18;
	v8 =	vcvt.f32.s32 v8  }
0xc6: {  	v13 =	vcvt.f32.s32 v13;
	v19 =	vmul.f32 $2.048000000e+03, v19  }
0xc7: {  	v20 =	vpop (erf);
	v12 =	vcvt.f32.s32 v12;
	v18 =	vtrunc.f32 v18  }
0xc8: {  	v14 =	vadd.f32 v14, v20;
	v19 =	vtrunc.f32 v19;
	[tilespmem:v15+s17+$0x0] =	vst.idx.add.f32.msk $0xffff, v9;
	v9 =	vcvt.f32.s32 v18  }
0xc9: {  	[tilespmem:v16+s16+$0x0] =	vst.idx.add.f32.msk $0xffff, v10;
	v17 =	vtrunc.f32 v17;
	v20 =	vpop (erf);
	v19 =	vcvt.f32.s32 v19  }
0xca: {  	v17 =	vcvt.f32.s32 v17;
	[tilespmem:v11+s16+$0x0] =	vst.idx.add.f32.msk $0xffff, v14;
	v1 =	vadd.f32 v1, v20  }
0xcb: {  	v6 =	vmul.f32 $8.192000000e+03, v6;
	[tilespmem:v8+s17+$0x0] =	vst.idx.add.f32.msk $0xffff, v14  }
0xcc: {  	v15 =	vpop (erf);
	[tilespmem:v13+s16+$0x0] =	vst.idx.add.f32.msk $0xffff, v1  }
0xcd: {  	v6 =	vadd.f32 v6, v15;
	[tilespmem:v12+s17+$0x0] =	vst.idx.add.f32.msk $0xffff, v1  }
0xce: {  	[tilespmem:v9+s17+$0x0] =	vst.idx.add.f32.msk $0xffff, v10  }
0xcf: {  	[tilespmem:v19+s16+$0x0] =	vst.idx.add.f32.msk $0xffff, v6  }
0xd0: {  	[tilespmem:v17+s17+$0x0] =	vst.idx.add.f32.msk $0xffff, v6  }
0xd1: {  	_ =	swait.ge [sflag:s11], $0x1000  }
0xd2: {  	[sflag:s11] =	ssyncset.done $0x0  }
0xd3: {  	[sflag:s11] =	ssyncadd.s32 $0xFFFFF000  }
0xd4: {  	_ =	swait.ge [sflag:s11], $0x1000  }
0xd5: {  	[sflag:s11] =	ssyncset.done $0x0  }
0xd6: {  	[sflag:s11] =	ssyncadd.s32 $0xFFFFF000  }
0xd7: {  	_ =	swait.ge [sflag:s11], $0x1000  }
0xd8: {  	[sflag:s11] =	ssyncset.done $0x0  }
0xd9: {  	[sflag:s11] =	ssyncadd.s32 $0xFFFFF000  }
0xda: {  	_ =	swait.ge [sflag:s11], $0x1000  }
0xdb: {  	[sflag:s11] =	ssyncset.done $0x0  }
0xdc: {  	s20 =	rddreg [dreg:$0xa];
	[sflag:s11] =	ssyncadd.s32 $0xFFFFF000  }
0xdd: {  	[tilespmem:s1], [sflag:$0x1] =	stream.linear.gather [hbm4b:s20+s1], $0x1000, $0x38;
	[tilespmem:$0x9080] =	vst v63  }
0xde: {  	s22 =	rddreg [dreg:$0xb]  }
0xdf: {  	[tilespmem:s8], [sflag:$0x1] =	stream.linear.gather [hbm4b:s22+s1], $0x1000, $0x38;
	[tilespmem:$0x9080] =	vst v63  }
0xe0: {  	s23 =	rddreg [dreg:$0xc]  }
0xe1: {  	[tilespmem:s9], [sflag:$0x1] =	stream.linear.gather [hbm4b:s23+s1], $0x1000, $0x38;
	[tilespmem:$0x9080] =	vst v63  }
0xe2: {  	s24 =	rddreg [dreg:$0xd];
	s22 =	simm.s32 $0x6040  }
0xe3: {  	[tilespmem:s10], [sflag:$0x1] =	stream.linear.gather [hbm4b:s24+s1], $0x1000, $0x38;
	[tilespmem:$0x9080] =	vst v63  }
0xe4: {  	s20 =	simm.s32 $0x7040;
	v6 =	vld [tilespmem:s22+$0x30]  }
0xe5: {  	s23 =	simm.s32 $0x4040;
	v8 =	vld [tilespmem:s20+$0x30]  }
0xe6: {  	s21 =	simm.s32 $0x5040;
	v1 =	vld [tilespmem:s23+$0x30]  }
0xe7: {  	v9 =	vld [tilespmem:s21+$0x30]  }
0xe8: {  	v10 =	vld [tilespmem:s20+$0x10]  }
0xe9: {  	v11 =	vmul.f32 v3, v2;
	v2 =	vld [tilespmem:s22+$0x10]  }
0xea: {  	v13 =	vld [tilespmem:s22+$0xFFFFFFC0]  }
0xeb: {  	v15 =	vld [tilespmem:s23+$0xFFFFFFC0]  }
0xec: {  	v16 =	vld [tilespmem:s21+$0xFFFFFFC0]  }
0xed: {  	v18 =	vld [tilespmem:s23+$0x20]  }
0xee: {  	v17 =	vld [tilespmem:s21+$0x10]  }
0xef: {  	v20 =	vld [tilespmem:s23+$0x10]  }
0xf0: {  	v21 =	vld [tilespmem:s23+$0x0];
	v3 =	vcvt.s32.f32 v8  }
0xf1: {  	v25 =	vld [tilespmem:s23+$0xFFFFFFE0];
	v12 =	vmul.f32 $1.442695020e+00, v1;
	v6 =	vmul.f32 $2.048000000e+03, v6  }
0xf2: {  	v28 =	vld [tilespmem:s23+$0xFFFFFFD0];
	v9 =	vmul.f32 $2.048000000e+03, v9;
	v10 =	vcvt.s32.f32 v10  }
0xf3: {  	v31 =	vld [tilespmem:s20+$0xFFFFFFF0];
	v2 =	vmul.f32 $2.048000000e+03, v2;
	v13 =	vmul.f32 $2.048000000e+03, v13  }
0xf4: {  	v19 =	vmul.f32 $1.442695020e+00, v15;
	v24 =	vmul.f32 $1.442695020e+00, v18  }
0xf5: {  	v16 =	vmul.f32 $2.048000000e+03, v16;
	v17 =	vmul.f32 $2.048000000e+03, v17  }
0xf6: {  	v27 =	vmul.f32 $1.442695020e+00, v20;
	v29 =	vmul.f32 $1.442695020e+00, v21  }
0xf7: {  	v56 =	vmul.f32 $1.442695020e+00, v25;
	v32 =	vmul.f32 $1.442695020e+00, v28  }
0xf8: {  	v58 =	vcvt.s32.f32 v31;
	v14 =	vmul.f32 $8.192000000e+03, v3  }
0xf9: {  	v6 =	vtrunc.f32 v6;
	(erf) = vpow2.f32 v12  }
0xfa: {  	v9 =	vtrunc.f32 v9;
	v2 =	vtrunc.f32 v2  }
0xfb: {  	v12 =	vld [tilespmem:s21+$0x20];
	v16 =	vtrunc.f32 v16;
	v17 =	vtrunc.f32 v17  }
0xfc: {  	v8 =	vld [tilespmem:s21+$0x0];
	v6 =	vcvt.f32.s32 v6;
	v9 =	vcvt.f32.s32 v9  }
0xfd: {  	v22 =	vcvt.f32.s32 v2;
	v2 =	vtrunc.f32 v13;
	v13 =	vld [tilespmem:s20+$0xFFFFFFC0]  }
0xfe: {  	v30 =	vld [tilespmem:s20+$0xFFFFFFE0];
	(erf) = vpow2.f32 v19;
	v19 =	vmul.f32 $8.192000000e+03, v10  }
0xff: {  	v5 =	vadd.f32 v5, v7;
	v26 =	vcvt.f32.s32 v2;
	v2 =	vld [tilespmem:s20+$0xFFFFFFD0];
	(erf) = vpow2.f32 v27  }
0x100: {  	(erf) = vpow2.f32 v24;
	v23 =	vmul.f32 $2.048000000e+03, v12;
	v12 =	vld [tilespmem:s23+$0xFFFFFFF0]  }
0x101: {  	v4 =	vadd.f32 v4, v5;
	v57 =	vld [tilespmem:s22+$0x0];
	v16 =	vcvt.f32.s32 v16;
	v8 =	vmul.f32 $2.048000000e+03, v8  }
0x102: {  	v55 =	vld [tilespmem:s20+$0x0];
	v13 =	vcvt.s32.f32 v13;
	v7 =	vpop (erf);
	(erf) = vpow2.f32 v29  }
0x103: {  	v4 =	vadd.f32 v11, v4;
	v59 =	vld [tilespmem:s20+$0x20];
	v11 =	vcvt.f32.s32 v17;
	v8 =	vtrunc.f32 v8  }
0x104: {  	v61 =	vld [tilespmem:s21+$0xFFFFFFF0];
	v2 =	vcvt.s32.f32 v2;
	v5 =	vmul.f32 v13, v15;
	v7 =	vadd.f32 v14, v7  }
0x105: {  	v14 =	vmul.f32 $1.442695020e+00, v12;
	v33 =	vmul.f32 v58, v12;
	v12 =	vld [tilespmem:s22+$0xFFFFFFD0]  }
0x106: {  	v13 =	vmul.f32 $8.192000000e+03, v13;
	v4 =	vadd.f32 v5, v4;
	v5 =	vmul.f32 $2.048000000e+03, v57;
	[tilespmem:v9+s16+$0x0] =	vst.idx.add.f32.msk $0xffff, v7  }
0x107: {  	v60 =	vcvt.f32.s32 v8;
	v17 =	vmul.f32 v2, v28;
	[tilespmem:v6+s17+$0x0] =	vst.idx.add.f32.msk $0xffff, v7;
	v6 =	vpop (erf)  }
0x108: {  	v9 =	vld [tilespmem:s22+$0xFFFFFFF0];
	v15 =	vtrunc.f32 v5;
	v7 =	vcvt.s32.f32 v55;
	v13 =	vadd.f32 v13, v6;
	v8 =	vpop (erf)  }
0x109: {  	v4 =	vadd.f32 v17, v4;
	v17 =	vld [tilespmem:s22+$0xFFFFFFE0];
	v6 =	vcvt.s32.f32 v30;
	v62 =	vpop (erf);
	(erf) = vpow2.f32 v14  }
0x10a: {  	v19 =	vadd.f32 v19, v8;
	[tilespmem:v16+s16+$0x0] =	vst.idx.add.f32.msk $0xffff, v13;
	v16 =	vmul.f32 v7, v21;
	v7 =	vmul.f32 $8.192000000e+03, v7  }
0x10b: {  	v14 =	vmul.f32 $8.192000000e+03, v58;
	v25 =	vmul.f32 v6, v25;
	[tilespmem:v26+s17+$0x0] =	vst.idx.add.f32.msk $0xffff, v13;
	v5 =	vpop (erf)  }
0x10c: {  	(erf) = vpow2.f32 v32;
	[tilespmem:v11+s16+$0x0] =	vst.idx.add.f32.msk $0xffff, v19;
	v8 =	vadd.f32 v7, v5;
	v7 =	vcvt.s32.f32 v59  }
0x10d: {  	v13 =	vld [tilespmem:s21+$0xFFFFFFD0];
	v11 =	vmul.f32 $2.048000000e+03, v61;
	v5 =	vmul.f32 v10, v20;
	v10 =	vadd.f32 v25, v4  }
0x10e: {  	(erf) = vpow2.f32 v56;
	[tilespmem:v22+s17+$0x0] =	vst.idx.add.f32.msk $0xffff, v19;
	v63 =	vmul.f32 $8.192000000e+03, v7  }
0x10f: {  	v19 =	vld [tilespmem:s21+$0xFFFFFFE0];
	v4 =	vmul.f32 v7, v18;
	v7 =	vtrunc.f32 v11;
	v10 =	vadd.f32 v33, v10  }
0x110: {  	v20 =	vtrunc.f32 v23;
	[tilespmem:v60+s16+$0x0] =	vst.idx.add.f32.msk $0xffff, v8;
	v11 =	vcvt.f32.s32 v7  }
0x111: {  	s24 =	simm.s32 $0x60C0;
	s23 =	simm.s32 $0x40C0;
	v18 =	vld [tilespmem:s22+$0x20];
	s22 =	simm.s32 $0x0;
	v7 =	vadd.f32 v16, v10;
	v10 =	vadd.f32 v63, v62;
	v16 =	vcvt.f32.s32 v20  }
.LBB2_6:
0x112: {  	v20 =	vld [tilespmem:s24+$0x30];
	s22 =	sadd.s32 $0x8, s22;
	v17 =	vmul.f32 $2.048000000e+03, v17;
	v9 =	vmul.f32 $2.048000000e+03, v9;
	s21 =	sadd.s32 $0x80, s21;
	s20 =	sadd.s32 $0x80, s20  }
0x113: {  	v12 =	vmul.f32 $2.048000000e+03, v12;
	v21 =	vld [tilespmem:s21+$0x20];
	p0 =	slt.u32 s22, $0xF8;
	v5 =	vadd.f32 v5, v7;
	v7 =	vpop (erf)  }
0x114: {  	v22 =	vld [tilespmem:s23+$0xFFFFFFC0];
	v7 =	vadd.f32 v14, v7;
	v9 =	vtrunc.f32 v9;
	v14 =	vcvt.f32.s32 v15  }
0x115: {  	v1 =	vmul.f32 v3, v1;
	v12 =	vtrunc.f32 v12;
	v15 =	vld [tilespmem:s24+$0xFFFFFFC0];
	v4 =	vadd.f32 v4, v5  }
0x116: {  	v24 =	vmul.f32 $2.048000000e+03, v18;
	v5 =	vld [tilespmem:s21+$0x0];
	v3 =	vmul.f32 $2.048000000e+03, v19  }
0x117: {  	v6 =	vmul.f32 $8.192000000e+03, v6;
	v17 =	vtrunc.f32 v17;
	v19 =	vld [tilespmem:s24+$0x10];
	v4 =	vadd.f32 v1, v4  }
0x118: {  	v1 =	vmul.f32 $8.192000000e+03, v2;
	v2 =	vtrunc.f32 v24;
	v23 =	vld [tilespmem:s20+$0x10];
	v18 =	vpop (erf)  }
0x119: {  	v13 =	vmul.f32 $2.048000000e+03, v13;
	v3 =	vtrunc.f32 v3;
	v24 =	vld [tilespmem:s21+$0x30];
	v25 =	vpop (erf)  }
0x11a: {  	v9 =	vcvt.f32.s32 v9;
	v18 =	vadd.f32 v1, v18;
	v26 =	vld [tilespmem:s20+$0x30];
	v6 =	vadd.f32 v6, v25  }
0x11b: {  	v13 =	vtrunc.f32 v13;
	v25 =	vcvt.f32.s32 v3;
	[tilespmem:v14+s17+$0x0] =	vst.idx.add.f32.msk $0xffff, v8  }
0x11c: {  	v8 =	vcvt.f32.s32 v13;
	v13 =	vcvt.f32.s32 v17;
	v1 =	vld [tilespmem:s23+$0x30]  }
0x11d: {  	v2 =	vcvt.f32.s32 v2;
	[tilespmem:v16+s16+$0x0] =	vst.idx.add.f32.msk $0xffff, v10  }
0x11e: {  	v12 =	vcvt.f32.s32 v12;
	v14 =	vld [tilespmem:s21+$0xFFFFFFC0]  }
0x11f: {  	[tilespmem:v11+s16+$0x0] =	vst.idx.add.f32.msk $0xffff, v7  }
0x120: {  	v3 =	vcvt.s32.f32 v26;
	[tilespmem:v9+s17+$0x0] =	vst.idx.add.f32.msk $0xffff, v7  }
0x121: {  	v9 =	vmul.f32 $2.048000000e+03, v20;
	v7 =	vmul.f32 $1.442695020e+00, v1;
	[tilespmem:v25+s16+$0x0] =	vst.idx.add.f32.msk $0xffff, v6  }
0x122: {  	v16 =	vmul.f32 $2.048000000e+03, v24;
	v11 =	vmul.f32 $8.192000000e+03, v3;
	[tilespmem:v13+s17+$0x0] =	vst.idx.add.f32.msk $0xffff, v6  }
0x123: {  	v6 =	vtrunc.f32 v9;
	(erf) = vpow2.f32 v7;
	[tilespmem:v2+s17+$0x0] =	vst.idx.add.f32.msk $0xffff, v10  }
0x124: {  	v7 =	vcvt.s32.f32 v23;
	v2 =	vtrunc.f32 v16;
	[tilespmem:v8+s16+$0x0] =	vst.idx.add.f32.msk $0xffff, v18  }
0x125: {  	v6 =	vcvt.f32.s32 v6;
	v8 =	vmul.f32 $2.048000000e+03, v19;
	[tilespmem:v12+s17+$0x0] =	vst.idx.add.f32.msk $0xffff, v18  }
0x126: {  	v5 =	vmul.f32 $2.048000000e+03, v5;
	v2 =	vcvt.f32.s32 v2;
	v10 =	vld [tilespmem:s23+$0x20]  }
0x127: {  	v9 =	vmul.f32 $2.048000000e+03, v15;
	v8 =	vtrunc.f32 v8;
	v12 =	vld [tilespmem:s21+$0x10]  }
0x128: {  	v5 =	vtrunc.f32 v5;
	v13 =	vmul.f32 $1.442695020e+00, v22;
	v16 =	vld [tilespmem:s23+$0x10]  }
0x129: {  	v19 =	vmul.f32 $2.048000000e+03, v21;
	v18 =	vcvt.f32.s32 v8;
	v15 =	vld [tilespmem:s23+$0x0]  }
0x12a: {  	v8 =	vtrunc.f32 v9;
	v17 =	vld [tilespmem:s23+$0xFFFFFFF0];
	(erf) = vpow2.f32 v13  }
0x12b: {  	v13 =	vmul.f32 $8.192000000e+03, v7;
	v9 =	vld [tilespmem:s20+$0xFFFFFFC0];
	v20 =	vmul.f32 $1.442695020e+00, v10  }
0x12c: {  	v14 =	vmul.f32 $2.048000000e+03, v14;
	v21 =	vld [tilespmem:s23+$0xFFFFFFE0];
	v12 =	vmul.f32 $2.048000000e+03, v12;
	v23 =	vpop (erf)  }
0x12d: {  	v8 =	vcvt.f32.s32 v8;
	v24 =	vld [tilespmem:s20+$0xFFFFFFD0];
	v25 =	vmul.f32 $1.442695020e+00, v16  }
0x12e: {  	v14 =	vtrunc.f32 v14;
	v26 =	vld [tilespmem:s23+$0xFFFFFFD0];
	v27 =	vmul.f32 $1.442695020e+00, v15  }
0x12f: {  	v12 =	vtrunc.f32 v12;
	v28 =	vld [tilespmem:s20+$0xFFFFFFE0];
	(erf) = vpow2.f32 v25  }
0x130: {  	v9 =	vcvt.s32.f32 v9;
	v25 =	vld [tilespmem:s20+$0x0];
	(erf) = vpow2.f32 v20  }
0x131: {  	v11 =	vadd.f32 v11, v23;
	v30 =	vmul.f32 $1.442695020e+00, v17;
	v20 =	vmul.f32 $1.442695020e+00, v21;
	v29 =	vld [tilespmem:s20+$0xFFFFFFF0]  }
0x132: {  	v22 =	vmul.f32 v9, v22;
	v23 =	vld [tilespmem:s24+$0x0];
	(erf) = vpow2.f32 v27  }
0x133: {  	v14 =	vcvt.f32.s32 v14;
	v27 =	vmul.f32 $1.442695020e+00, v26;
	[tilespmem:v2+s16+$0x0] =	vst.idx.add.f32.msk $0xffff, v11;
	v31 =	vpop (erf)  }
0x134: {  	v32 =	vmul.f32 $8.192000000e+03, v9;
	v2 =	vcvt.s32.f32 v24;
	v4 =	vadd.f32 v22, v4;
	[tilespmem:v6+s17+$0x0] =	vst.idx.add.f32.msk $0xffff, v11  }
0x135: {  	v22 =	vcvt.f32.s32 v12;
	v9 =	vld [tilespmem:s24+$0xFFFFFFF0];
	v11 =	vcvt.s32.f32 v25  }
0x136: {  	v24 =	vadd.f32 v32, v31;
	v25 =	vmul.f32 v2, v26;
	v12 =	vld [tilespmem:s24+$0xFFFFFFD0];
	v26 =	vcvt.s32.f32 v29  }
0x137: {  	v6 =	vcvt.s32.f32 v28;
	v28 =	vcvt.f32.s32 v5;
	v29 =	vld [tilespmem:s20+$0x20]  }
0x138: {  	v4 =	vadd.f32 v25, v4;
	v34 =	vmul.f32 $2.048000000e+03, v23;
	v25 =	vld [tilespmem:s21+$0xFFFFFFF0];
	v31 =	vmul.f32 v26, v17;
	v17 =	vpop (erf)  }
0x139: {  	v23 =	vmul.f32 $8.192000000e+03, v11;
	v32 =	vmul.f32 v11, v15;
	[tilespmem:v14+s16+$0x0] =	vst.idx.add.f32.msk $0xffff, v24;
	v11 =	vadd.f32 v13, v17;
	v33 =	vpop (erf)  }
0x13a: {  	v15 =	vtrunc.f32 v34;
	[tilespmem:v8+s17+$0x0] =	vst.idx.add.f32.msk $0xffff, v24;
	(erf) = vpow2.f32 v30  }
0x13b: {  	v21 =	vmul.f32 v6, v21;
	v14 =	vmul.f32 $8.192000000e+03, v26;
	[tilespmem:v22+s16+$0x0] =	vst.idx.add.f32.msk $0xffff, v11;
	v5 =	vpop (erf)  }
0x13c: {  	v17 =	vld [tilespmem:s24+$0xFFFFFFE0];
	v8 =	vadd.f32 v23, v5;
	v5 =	vmul.f32 v7, v16;
	v7 =	vcvt.s32.f32 v29  }
.Ltmp2:
0x13d: {  	v22 =	vtrunc.f32 v19;
	v16 =	vadd.f32 v21, v4;
	v13 =	vld [tilespmem:s21+$0xFFFFFFD0];
	v21 =	vmul.f32 $2.048000000e+03, v25;
	(pc) =	sbr.rel @p0 .LBB2_6-.Ltmp2, $4  }
0x13e: {  	[tilespmem:v18+s17+$0x0] =	vst.idx.add.f32.msk $0xffff, v11;
	v23 =	vmul.f32 $8.192000000e+03, v7;
	v4 =	vmul.f32 v7, v10  }
0x13f: {  	v10 =	vadd.f32 v31, v16;
	v7 =	vtrunc.f32 v21;
	[tilespmem:v28+s16+$0x0] =	vst.idx.add.f32.msk $0xffff, v8;
	(erf) = vpow2.f32 v27  }
0x140: {  	v11 =	vcvt.f32.s32 v7;
	v18 =	vld [tilespmem:s24+$0x20];
	(erf) = vpow2.f32 v20  }
0x141: {  	s23 =	sadd.s32 $0x80, s23;
	v16 =	vcvt.f32.s32 v22;
	v7 =	vadd.f32 v32, v10;
	v10 =	vadd.f32 v23, v33;
	s24 =	sadd.s32 $0x80, s24;
	v19 =	vld [tilespmem:s21+$0xFFFFFFE0]  }
0x142: {  	v9 =	vmul.f32 $2.048000000e+03, v9  }
0x143: {  	v17 =	vmul.f32 $2.048000000e+03, v17;
	v12 =	vmul.f32 $2.048000000e+03, v12  }
0x144: {  	v15 =	vcvt.f32.s32 v15;
	v13 =	vmul.f32 $2.048000000e+03, v13  }
0x145: {  	v2 =	vmul.f32 $8.192000000e+03, v2;
	v9 =	vtrunc.f32 v9  }
0x146: {  	v13 =	vtrunc.f32 v13;
	v12 =	vtrunc.f32 v12  }
0x147: {  	v18 =	vmul.f32 $2.048000000e+03, v18;
	v9 =	vcvt.f32.s32 v9  }
0x148: {  	v13 =	vcvt.f32.s32 v13;
	v19 =	vmul.f32 $2.048000000e+03, v19  }
0x149: {  	v20 =	vpop (erf);
	v12 =	vcvt.f32.s32 v12;
	v18 =	vtrunc.f32 v18  }
0x14a: {  	v14 =	vadd.f32 v14, v20;
	v19 =	vtrunc.f32 v19;
	[tilespmem:v15+s17+$0x0] =	vst.idx.add.f32.msk $0xffff, v8;
	v8 =	vcvt.f32.s32 v18  }
0x14b: {  	[tilespmem:v16+s16+$0x0] =	vst.idx.add.f32.msk $0xffff, v10;
	v17 =	vtrunc.f32 v17;
	v20 =	vpop (erf);
	v19 =	vcvt.f32.s32 v19  }
0x14c: {  	v17 =	vcvt.f32.s32 v17;
	[tilespmem:v11+s16+$0x0] =	vst.idx.add.f32.msk $0xffff, v14;
	v2 =	vadd.f32 v2, v20  }
0x14d: {  	v6 =	vmul.f32 $8.192000000e+03, v6;
	[tilespmem:v9+s17+$0x0] =	vst.idx.add.f32.msk $0xffff, v14  }
0x14e: {  	v15 =	vpop (erf);
	[tilespmem:v13+s16+$0x0] =	vst.idx.add.f32.msk $0xffff, v2  }
0x14f: {  	v6 =	vadd.f32 v6, v15;
	[tilespmem:v12+s17+$0x0] =	vst.idx.add.f32.msk $0xffff, v2  }
0x150: {  	[tilespmem:v8+s17+$0x0] =	vst.idx.add.f32.msk $0xffff, v10  }
0x151: {  	[tilespmem:v19+s16+$0x0] =	vst.idx.add.f32.msk $0xffff, v6  }
0x152: {  	[tilespmem:v17+s17+$0x0] =	vst.idx.add.f32.msk $0xffff, v6  }
0x153: {  	_ =	swait.ge [sflag:s11], $0x1000  }
0x154: {  	[sflag:s11] =	ssyncset.done $0x0  }
0x155: {  	[sflag:s11] =	ssyncadd.s32 $0xFFFFF000  }
0x156: {  	_ =	swait.ge [sflag:s11], $0x1000  }
0x157: {  	[sflag:s11] =	ssyncset.done $0x0  }
0x158: {  	[sflag:s11] =	ssyncadd.s32 $0xFFFFF000  }
0x159: {  	_ =	swait.ge [sflag:s11], $0x1000  }
0x15a: {  	[sflag:s11] =	ssyncset.done $0x0  }
0x15b: {  	[sflag:s11] =	ssyncadd.s32 $0xFFFFF000  }
0x15c: {  	_ =	swait.ge [sflag:s11], $0x1000  }
0x15d: {  	[sflag:s11] =	ssyncset.done $0x0  }
0x15e: {  	s20 =	rddreg [dreg:$0xe];
	[sflag:s11] =	ssyncadd.s32 $0xFFFFF000  }
0x15f: {  	[tilespmem:s12], [sflag:$0x1] =	stream.linear.gather [hbm4b:s20+s1], $0x1000, $0x38;
	[tilespmem:$0x9080] =	vst v63  }
0x160: {  	s22 =	rddreg [dreg:$0xf]  }
0x161: {  	[tilespmem:s13], [sflag:$0x1] =	stream.linear.gather [hbm4b:s22+s1], $0x1000, $0x38;
	[tilespmem:$0x9080] =	vst v63  }
0x162: {  	s23 =	rddreg [dreg:$0x10]  }
0x163: {  	[tilespmem:s14], [sflag:$0x1] =	stream.linear.gather [hbm4b:s23+s1], $0x1000, $0x38;
	[tilespmem:$0x9080] =	vst v63  }
0x164: {  	s24 =	rddreg [dreg:$0x11];
	s22 =	simm.s32 $0x2040  }
0x165: {  	[tilespmem:s15], [sflag:$0x1] =	stream.linear.gather [hbm4b:s24+s1], $0x1000, $0x38;
	[tilespmem:$0x9080] =	vst v63  }
0x166: {  	s20 =	simm.s32 $0x3040;
	v6 =	vld [tilespmem:s22+$0x30]  }
0x167: {  	s23 =	simm.s32 $0x40;
	v8 =	vld [tilespmem:s20+$0x30]  }
0x168: {  	s21 =	simm.s32 $0x1040;
	v2 =	vld [tilespmem:s23+$0x30]  }
0x169: {  	v9 =	vld [tilespmem:s21+$0x30]  }
0x16a: {  	v10 =	vld [tilespmem:s20+$0x10]  }
0x16b: {  	v11 =	vmul.f32 v3, v1;
	v1 =	vld [tilespmem:s22+$0x10]  }
0x16c: {  	v13 =	vld [tilespmem:s22+$0xFFFFFFC0]  }
0x16d: {  	v15 =	vld [tilespmem:s23+$0xFFFFFFC0]  }
0x16e: {  	v16 =	vld [tilespmem:s21+$0xFFFFFFC0]  }
0x16f: {  	v18 =	vld [tilespmem:s23+$0x20]  }
0x170: {  	v17 =	vld [tilespmem:s21+$0x10]  }
0x171: {  	v20 =	vld [tilespmem:s23+$0x10]  }
0x172: {  	v21 =	vld [tilespmem:s23+$0x0];
	v3 =	vcvt.s32.f32 v8  }
0x173: {  	v25 =	vld [tilespmem:s23+$0xFFFFFFE0];
	v12 =	vmul.f32 $1.442695020e+00, v2;
	v6 =	vmul.f32 $2.048000000e+03, v6  }
0x174: {  	v28 =	vld [tilespmem:s23+$0xFFFFFFD0];
	v9 =	vmul.f32 $2.048000000e+03, v9;
	v10 =	vcvt.s32.f32 v10  }
0x175: {  	v31 =	vld [tilespmem:s20+$0xFFFFFFF0];
	v1 =	vmul.f32 $2.048000000e+03, v1;
	v13 =	vmul.f32 $2.048000000e+03, v13  }
0x176: {  	v19 =	vmul.f32 $1.442695020e+00, v15;
	v24 =	vmul.f32 $1.442695020e+00, v18  }
0x177: {  	v16 =	vmul.f32 $2.048000000e+03, v16;
	v17 =	vmul.f32 $2.048000000e+03, v17  }
0x178: {  	v27 =	vmul.f32 $1.442695020e+00, v20;
	v29 =	vmul.f32 $1.442695020e+00, v21  }
0x179: {  	v56 =	vmul.f32 $1.442695020e+00, v25;
	v32 =	vmul.f32 $1.442695020e+00, v28  }
0x17a: {  	v58 =	vcvt.s32.f32 v31;
	v14 =	vmul.f32 $8.192000000e+03, v3  }
0x17b: {  	v6 =	vtrunc.f32 v6;
	(erf) = vpow2.f32 v12  }
0x17c: {  	v9 =	vtrunc.f32 v9;
	v1 =	vtrunc.f32 v1  }
0x17d: {  	v12 =	vld [tilespmem:s21+$0x20];
	v16 =	vtrunc.f32 v16;
	v17 =	vtrunc.f32 v17  }
0x17e: {  	v8 =	vld [tilespmem:s21+$0x0];
	v6 =	vcvt.f32.s32 v6;
	v9 =	vcvt.f32.s32 v9  }
0x17f: {  	v22 =	vcvt.f32.s32 v1;
	v1 =	vtrunc.f32 v13;
	v13 =	vld [tilespmem:s20+$0xFFFFFFC0]  }
0x180: {  	v30 =	vld [tilespmem:s20+$0xFFFFFFE0];
	(erf) = vpow2.f32 v19;
	v19 =	vmul.f32 $8.192000000e+03, v10  }
0x181: {  	v5 =	vadd.f32 v5, v7;
	v26 =	vcvt.f32.s32 v1;
	v1 =	vld [tilespmem:s20+$0xFFFFFFD0];
	(erf) = vpow2.f32 v27  }
0x182: {  	(erf) = vpow2.f32 v24;
	v23 =	vmul.f32 $2.048000000e+03, v12;
	v12 =	vld [tilespmem:s23+$0xFFFFFFF0]  }
0x183: {  	v4 =	vadd.f32 v4, v5;
	v57 =	vld [tilespmem:s22+$0x0];
	v16 =	vcvt.f32.s32 v16;
	v8 =	vmul.f32 $2.048000000e+03, v8  }
0x184: {  	v55 =	vld [tilespmem:s20+$0x0];
	v13 =	vcvt.s32.f32 v13;
	v7 =	vpop (erf);
	(erf) = vpow2.f32 v29  }
0x185: {  	v4 =	vadd.f32 v11, v4;
	v59 =	vld [tilespmem:s20+$0x20];
	v11 =	vcvt.f32.s32 v17;
	v8 =	vtrunc.f32 v8  }
0x186: {  	v61 =	vld [tilespmem:s21+$0xFFFFFFF0];
	v1 =	vcvt.s32.f32 v1;
	v5 =	vmul.f32 v13, v15;
	v7 =	vadd.f32 v14, v7  }
0x187: {  	v14 =	vmul.f32 $1.442695020e+00, v12;
	v33 =	vmul.f32 v58, v12;
	v12 =	vld [tilespmem:s22+$0xFFFFFFD0]  }
0x188: {  	v13 =	vmul.f32 $8.192000000e+03, v13;
	v4 =	vadd.f32 v5, v4;
	v5 =	vmul.f32 $2.048000000e+03, v57;
	[tilespmem:v9+s16+$0x0] =	vst.idx.add.f32.msk $0xffff, v7  }
0x189: {  	v60 =	vcvt.f32.s32 v8;
	v17 =	vmul.f32 v1, v28;
	[tilespmem:v6+s17+$0x0] =	vst.idx.add.f32.msk $0xffff, v7;
	v6 =	vpop (erf)  }
0x18a: {  	v9 =	vld [tilespmem:s22+$0xFFFFFFF0];
	v15 =	vtrunc.f32 v5;
	v7 =	vcvt.s32.f32 v55;
	v13 =	vadd.f32 v13, v6;
	v8 =	vpop (erf)  }
0x18b: {  	v4 =	vadd.f32 v17, v4;
	v17 =	vld [tilespmem:s22+$0xFFFFFFE0];
	v6 =	vcvt.s32.f32 v30;
	v62 =	vpop (erf);
	(erf) = vpow2.f32 v14  }
0x18c: {  	v19 =	vadd.f32 v19, v8;
	[tilespmem:v16+s16+$0x0] =	vst.idx.add.f32.msk $0xffff, v13;
	v16 =	vmul.f32 v7, v21;
	v7 =	vmul.f32 $8.192000000e+03, v7  }
0x18d: {  	v14 =	vmul.f32 $8.192000000e+03, v58;
	v25 =	vmul.f32 v6, v25;
	[tilespmem:v26+s17+$0x0] =	vst.idx.add.f32.msk $0xffff, v13;
	v5 =	vpop (erf)  }
0x18e: {  	(erf) = vpow2.f32 v32;
	[tilespmem:v11+s16+$0x0] =	vst.idx.add.f32.msk $0xffff, v19;
	v8 =	vadd.f32 v7, v5;
	v7 =	vcvt.s32.f32 v59  }
0x18f: {  	v13 =	vld [tilespmem:s21+$0xFFFFFFD0];
	v11 =	vmul.f32 $2.048000000e+03, v61;
	v5 =	vmul.f32 v10, v20;
	v10 =	vadd.f32 v25, v4  }
0x190: {  	(erf) = vpow2.f32 v56;
	[tilespmem:v22+s17+$0x0] =	vst.idx.add.f32.msk $0xffff, v19;
	v63 =	vmul.f32 $8.192000000e+03, v7  }
0x191: {  	v19 =	vld [tilespmem:s21+$0xFFFFFFE0];
	v4 =	vmul.f32 v7, v18;
	v7 =	vtrunc.f32 v11;
	v10 =	vadd.f32 v33, v10  }
0x192: {  	v20 =	vtrunc.f32 v23;
	[tilespmem:v60+s16+$0x0] =	vst.idx.add.f32.msk $0xffff, v8;
	v11 =	vcvt.f32.s32 v7  }
0x193: {  	s24 =	simm.s32 $0x20C0;
	s23 =	simm.s32 $0xC0;
	v18 =	vld [tilespmem:s22+$0x20];
	s22 =	simm.s32 $0x0;
	v7 =	vadd.f32 v16, v10;
	v10 =	vadd.f32 v63, v62;
	v16 =	vcvt.f32.s32 v20  }
.LBB2_8:
0x194: {  	v20 =	vld [tilespmem:s24+$0x30];
	s22 =	sadd.s32 $0x8, s22;
	v17 =	vmul.f32 $2.048000000e+03, v17;
	v9 =	vmul.f32 $2.048000000e+03, v9;
	s21 =	sadd.s32 $0x80, s21;
	s20 =	sadd.s32 $0x80, s20  }
0x195: {  	v12 =	vmul.f32 $2.048000000e+03, v12;
	v21 =	vld [tilespmem:s21+$0x20];
	p0 =	slt.u32 s22, $0xF8;
	v5 =	vadd.f32 v5, v7;
	v7 =	vpop (erf)  }
0x196: {  	v22 =	vld [tilespmem:s23+$0xFFFFFFC0];
	v7 =	vadd.f32 v14, v7;
	v9 =	vtrunc.f32 v9;
	v14 =	vcvt.f32.s32 v15  }
0x197: {  	v24 =	vmul.f32 v3, v2;
	v12 =	vtrunc.f32 v12;
	v15 =	vld [tilespmem:s24+$0xFFFFFFC0];
	v4 =	vadd.f32 v4, v5  }
0x198: {  	v18 =	vmul.f32 $2.048000000e+03, v18;
	v5 =	vld [tilespmem:s21+$0x0];
	v3 =	vmul.f32 $2.048000000e+03, v19  }
0x199: {  	v6 =	vmul.f32 $8.192000000e+03, v6;
	v17 =	vtrunc.f32 v17;
	v19 =	vld [tilespmem:s24+$0x10];
	v4 =	vadd.f32 v24, v4  }
0x19a: {  	v1 =	vmul.f32 $8.192000000e+03, v1;
	v18 =	vtrunc.f32 v18;
	v23 =	vld [tilespmem:s20+$0x10];
	v2 =	vpop (erf)  }
0x19b: {  	v13 =	vmul.f32 $2.048000000e+03, v13;
	v3 =	vtrunc.f32 v3;
	v24 =	vld [tilespmem:s21+$0x30];
	v25 =	vpop (erf)  }
0x19c: {  	v9 =	vcvt.f32.s32 v9;
	v1 =	vadd.f32 v1, v2;
	v26 =	vld [tilespmem:s20+$0x30];
	v6 =	vadd.f32 v6, v25  }
0x19d: {  	v13 =	vtrunc.f32 v13;
	v25 =	vcvt.f32.s32 v3;
	[tilespmem:v14+s17+$0x0] =	vst.idx.add.f32.msk $0xffff, v8  }
0x19e: {  	v8 =	vcvt.f32.s32 v13;
	v13 =	vcvt.f32.s32 v17;
	v2 =	vld [tilespmem:s23+$0x30]  }
0x19f: {  	v14 =	vcvt.f32.s32 v18;
	[tilespmem:v16+s16+$0x0] =	vst.idx.add.f32.msk $0xffff, v10  }
0x1a0: {  	v12 =	vcvt.f32.s32 v12;
	v16 =	vld [tilespmem:s21+$0xFFFFFFC0]  }
0x1a1: {  	[tilespmem:v11+s16+$0x0] =	vst.idx.add.f32.msk $0xffff, v7  }
0x1a2: {  	v3 =	vcvt.s32.f32 v26;
	[tilespmem:v9+s17+$0x0] =	vst.idx.add.f32.msk $0xffff, v7  }
0x1a3: {  	v9 =	vmul.f32 $2.048000000e+03, v20;
	v7 =	vmul.f32 $1.442695020e+00, v2;
	[tilespmem:v25+s16+$0x0] =	vst.idx.add.f32.msk $0xffff, v6  }
0x1a4: {  	v17 =	vmul.f32 $2.048000000e+03, v24;
	v11 =	vmul.f32 $8.192000000e+03, v3;
	[tilespmem:v13+s17+$0x0] =	vst.idx.add.f32.msk $0xffff, v6  }
0x1a5: {  	v6 =	vtrunc.f32 v9;
	(erf) = vpow2.f32 v7;
	[tilespmem:v14+s17+$0x0] =	vst.idx.add.f32.msk $0xffff, v10  }
0x1a6: {  	v9 =	vtrunc.f32 v17;
	v7 =	vcvt.s32.f32 v23;
	[tilespmem:v8+s16+$0x0] =	vst.idx.add.f32.msk $0xffff, v1  }
0x1a7: {  	v6 =	vcvt.f32.s32 v6;
	v8 =	vmul.f32 $2.048000000e+03, v19;
	[tilespmem:v12+s17+$0x0] =	vst.idx.add.f32.msk $0xffff, v1  }
0x1a8: {  	v1 =	vmul.f32 $2.048000000e+03, v5;
	v5 =	vcvt.f32.s32 v9;
	v10 =	vld [tilespmem:s23+$0x20]  }
0x1a9: {  	v9 =	vmul.f32 $2.048000000e+03, v15;
	v8 =	vtrunc.f32 v8;
	v12 =	vld [tilespmem:s21+$0x10]  }
0x1aa: {  	v13 =	vmul.f32 $1.442695020e+00, v22;
	v14 =	vtrunc.f32 v1;
	v18 =	vld [tilespmem:s23+$0x10]  }
0x1ab: {  	v20 =	vmul.f32 $2.048000000e+03, v21;
	v19 =	vcvt.f32.s32 v8;
	v15 =	vld [tilespmem:s23+$0x0]  }
0x1ac: {  	v1 =	vtrunc.f32 v9;
	v8 =	vld [tilespmem:s23+$0xFFFFFFF0];
	(erf) = vpow2.f32 v13  }
0x1ad: {  	v13 =	vmul.f32 $8.192000000e+03, v7;
	v9 =	vld [tilespmem:s20+$0xFFFFFFC0];
	v17 =	vmul.f32 $1.442695020e+00, v10  }
0x1ae: {  	v16 =	vmul.f32 $2.048000000e+03, v16;
	v21 =	vld [tilespmem:s23+$0xFFFFFFE0];
	v12 =	vmul.f32 $2.048000000e+03, v12;
	v23 =	vpop (erf)  }
0x1af: {  	v24 =	vcvt.f32.s32 v1;
	v1 =	vld [tilespmem:s20+$0xFFFFFFD0];
	v25 =	vmul.f32 $1.442695020e+00, v18  }
0x1b0: {  	v16 =	vtrunc.f32 v16;
	v26 =	vld [tilespmem:s23+$0xFFFFFFD0];
	v27 =	vmul.f32 $1.442695020e+00, v15  }
0x1b1: {  	v12 =	vtrunc.f32 v12;
	v28 =	vld [tilespmem:s20+$0xFFFFFFE0];
	(erf) = vpow2.f32 v25  }
0x1b2: {  	v9 =	vcvt.s32.f32 v9;
	v25 =	vld [tilespmem:s20+$0x0];
	(erf) = vpow2.f32 v17  }
0x1b3: {  	v11 =	vadd.f32 v11, v23;
	v30 =	vmul.f32 $1.442695020e+00, v8;
	v29 =	vmul.f32 $1.442695020e+00, v21;
	v17 =	vld [tilespmem:s20+$0xFFFFFFF0]  }
0x1b4: {  	v22 =	vmul.f32 v9, v22;
	v23 =	vld [tilespmem:s24+$0x0];
	(erf) = vpow2.f32 v27  }
0x1b5: {  	v16 =	vcvt.f32.s32 v16;
	v27 =	vmul.f32 $1.442695020e+00, v26;
	[tilespmem:v5+s16+$0x0] =	vst.idx.add.f32.msk $0xffff, v11;
	v5 =	vpop (erf)  }
0x1b6: {  	v31 =	vmul.f32 $8.192000000e+03, v9;
	v1 =	vcvt.s32.f32 v1;
	v4 =	vadd.f32 v22, v4;
	[tilespmem:v6+s17+$0x0] =	vst.idx.add.f32.msk $0xffff, v11  }
0x1b7: {  	v22 =	vcvt.f32.s32 v12;
	v9 =	vld [tilespmem:s24+$0xFFFFFFF0];
	v11 =	vcvt.s32.f32 v25  }
0x1b8: {  	v5 =	vadd.f32 v31, v5;
	v25 =	vmul.f32 v1, v26;
	v12 =	vld [tilespmem:s24+$0xFFFFFFD0];
	v17 =	vcvt.s32.f32 v17  }
0x1b9: {  	v6 =	vcvt.s32.f32 v28;
	v26 =	vcvt.f32.s32 v14;
	v28 =	vld [tilespmem:s20+$0x20]  }
0x1ba: {  	v4 =	vadd.f32 v25, v4;
	v25 =	vld [tilespmem:s21+$0xFFFFFFF0];
	v31 =	vmul.f32 v17, v8;
	v8 =	vmul.f32 $2.048000000e+03, v23;
	v14 =	vpop (erf)  }
0x1bb: {  	v23 =	vmul.f32 v11, v15;
	[tilespmem:v16+s16+$0x0] =	vst.idx.add.f32.msk $0xffff, v5;
	v16 =	vmul.f32 $8.192000000e+03, v11;
	v11 =	vadd.f32 v13, v14;
	v32 =	vpop (erf)  }
0x1bc: {  	[tilespmem:v24+s17+$0x0] =	vst.idx.add.f32.msk $0xffff, v5;
	v15 =	vtrunc.f32 v8;
	(erf) = vpow2.f32 v30  }
0x1bd: {  	v21 =	vmul.f32 v6, v21;
	v14 =	vmul.f32 $8.192000000e+03, v17;
	[tilespmem:v22+s16+$0x0] =	vst.idx.add.f32.msk $0xffff, v11;
	v5 =	vpop (erf)  }
0x1be: {  	v17 =	vld [tilespmem:s24+$0xFFFFFFE0];
	v8 =	vadd.f32 v16, v5;
	v5 =	vmul.f32 v7, v18;
	v7 =	vcvt.s32.f32 v28  }
.Ltmp3:
0x1bf: {  	v20 =	vtrunc.f32 v20;
	v16 =	vadd.f32 v21, v4;
	v13 =	vld [tilespmem:s21+$0xFFFFFFD0];
	v18 =	vmul.f32 $2.048000000e+03, v25;
	(pc) =	sbr.rel @p0 .LBB2_8-.Ltmp3, $4  }
0x1c0: {  	[tilespmem:v19+s17+$0x0] =	vst.idx.add.f32.msk $0xffff, v11;
	v21 =	vmul.f32 $8.192000000e+03, v7;
	v4 =	vmul.f32 v7, v10  }
0x1c1: {  	v10 =	vadd.f32 v31, v16;
	v7 =	vtrunc.f32 v18;
	[tilespmem:v26+s16+$0x0] =	vst.idx.add.f32.msk $0xffff, v8;
	(erf) = vpow2.f32 v27  }
0x1c2: {  	v11 =	vcvt.f32.s32 v7;
	v18 =	vld [tilespmem:s24+$0x20];
	(erf) = vpow2.f32 v29  }
0x1c3: {  	s23 =	sadd.s32 $0x80, s23;
	v16 =	vcvt.f32.s32 v20;
	v7 =	vadd.f32 v23, v10;
	v10 =	vadd.f32 v21, v32;
	s24 =	sadd.s32 $0x80, s24;
	v19 =	vld [tilespmem:s21+$0xFFFFFFE0]  }
0x1c4: {  	v9 =	vmul.f32 $2.048000000e+03, v9  }
0x1c5: {  	v17 =	vmul.f32 $2.048000000e+03, v17;
	v12 =	vmul.f32 $2.048000000e+03, v12  }
0x1c6: {  	v15 =	vcvt.f32.s32 v15;
	v13 =	vmul.f32 $2.048000000e+03, v13  }
0x1c7: {  	v1 =	vmul.f32 $8.192000000e+03, v1;
	v9 =	vtrunc.f32 v9  }
0x1c8: {  	v13 =	vtrunc.f32 v13;
	v12 =	vtrunc.f32 v12  }
0x1c9: {  	v18 =	vmul.f32 $2.048000000e+03, v18;
	v9 =	vcvt.f32.s32 v9  }
0x1ca: {  	v13 =	vcvt.f32.s32 v13;
	v19 =	vmul.f32 $2.048000000e+03, v19  }
0x1cb: {  	v20 =	vpop (erf);
	v12 =	vcvt.f32.s32 v12;
	v18 =	vtrunc.f32 v18  }
0x1cc: {  	v14 =	vadd.f32 v14, v20;
	v19 =	vtrunc.f32 v19;
	[tilespmem:v15+s17+$0x0] =	vst.idx.add.f32.msk $0xffff, v8;
	v8 =	vcvt.f32.s32 v18  }
0x1cd: {  	[tilespmem:v16+s16+$0x0] =	vst.idx.add.f32.msk $0xffff, v10;
	v17 =	vtrunc.f32 v17;
	v20 =	vpop (erf);
	v19 =	vcvt.f32.s32 v19  }
0x1ce: {  	v17 =	vcvt.f32.s32 v17;
	[tilespmem:v11+s16+$0x0] =	vst.idx.add.f32.msk $0xffff, v14;
	v1 =	vadd.f32 v1, v20  }
0x1cf: {  	v6 =	vmul.f32 $8.192000000e+03, v6;
	[tilespmem:v9+s17+$0x0] =	vst.idx.add.f32.msk $0xffff, v14  }
0x1d0: {  	v15 =	vpop (erf);
	[tilespmem:v13+s16+$0x0] =	vst.idx.add.f32.msk $0xffff, v1  }
0x1d1: {  	v6 =	vadd.f32 v6, v15;
	[tilespmem:v12+s17+$0x0] =	vst.idx.add.f32.msk $0xffff, v1  }
0x1d2: {  	[tilespmem:v8+s17+$0x0] =	vst.idx.add.f32.msk $0xffff, v10  }
0x1d3: {  	[tilespmem:v19+s16+$0x0] =	vst.idx.add.f32.msk $0xffff, v6  }
0x1d4: {  	[tilespmem:v17+s17+$0x0] =	vst.idx.add.f32.msk $0xffff, v6  }
0x1d5: {  	_ =	swait.ge [sflag:s11], $0x1000  }
0x1d6: {  	[sflag:s11] =	ssyncset.done $0x0  }
0x1d7: {  	[sflag:s11] =	ssyncadd.s32 $0xFFFFF000  }
0x1d8: {  	_ =	swait.ge [sflag:s11], $0x1000  }
0x1d9: {  	[sflag:s11] =	ssyncset.done $0x0  }
0x1da: {  	[sflag:s11] =	ssyncadd.s32 $0xFFFFF000  }
0x1db: {  	_ =	swait.ge [sflag:s11], $0x1000  }
0x1dc: {  	[sflag:s11] =	ssyncset.done $0x0  }
0x1dd: {  	[sflag:s11] =	ssyncadd.s32 $0xFFFFF000  }
0x1de: {  	_ =	swait.ge [sflag:s11], $0x1000  }
0x1df: {  	[sflag:s11] =	ssyncset.done $0x0  }
0x1e0: {  	s20 =	rddreg [dreg:$0x12];
	[sflag:s11] =	ssyncadd.s32 $0xFFFFF000  }
0x1e1: {  	[tilespmem:s1], [sflag:$0x1] =	stream.linear.gather [hbm4b:s20+s1], $0x1000, $0x38;
	[tilespmem:$0x9080] =	vst v63  }
0x1e2: {  	s22 =	rddreg [dreg:$0x13]  }
0x1e3: {  	[tilespmem:s8], [sflag:$0x1] =	stream.linear.gather [hbm4b:s22+s1], $0x1000, $0x38;
	[tilespmem:$0x9080] =	vst v63  }
0x1e4: {  	s23 =	rddreg [dreg:$0x14]  }
0x1e5: {  	[tilespmem:s9], [sflag:$0x1] =	stream.linear.gather [hbm4b:s23+s1], $0x1000, $0x38;
	[tilespmem:$0x9080] =	vst v63  }
0x1e6: {  	s24 =	rddreg [dreg:$0x15];
	s22 =	simm.s32 $0x6040  }
0x1e7: {  	[tilespmem:s10], [sflag:$0x1] =	stream.linear.gather [hbm4b:s24+s1], $0x1000, $0x38;
	[tilespmem:$0x9080] =	vst v63  }
0x1e8: {  	s20 =	simm.s32 $0x7040;
	v6 =	vld [tilespmem:s22+$0x30]  }
0x1e9: {  	s23 =	simm.s32 $0x4040;
	v8 =	vld [tilespmem:s20+$0x30]  }
0x1ea: {  	s21 =	simm.s32 $0x5040;
	v1 =	vld [tilespmem:s23+$0x30]  }
0x1eb: {  	v9 =	vld [tilespmem:s21+$0x30]  }
0x1ec: {  	v10 =	vld [tilespmem:s20+$0x10]  }
0x1ed: {  	v11 =	vmul.f32 v3, v2;
	v2 =	vld [tilespmem:s22+$0x10]  }
0x1ee: {  	v13 =	vld [tilespmem:s22+$0xFFFFFFC0]  }
0x1ef: {  	v15 =	vld [tilespmem:s23+$0xFFFFFFC0]  }
0x1f0: {  	v16 =	vld [tilespmem:s21+$0xFFFFFFC0]  }
0x1f1: {  	v18 =	vld [tilespmem:s23+$0x20]  }
0x1f2: {  	v17 =	vld [tilespmem:s21+$0x10]  }
0x1f3: {  	v20 =	vld [tilespmem:s23+$0x10]  }
0x1f4: {  	v21 =	vld [tilespmem:s23+$0x0];
	v3 =	vcvt.s32.f32 v8  }
0x1f5: {  	v25 =	vld [tilespmem:s23+$0xFFFFFFE0];
	v12 =	vmul.f32 $1.442695020e+00, v1;
	v6 =	vmul.f32 $2.048000000e+03, v6  }
0x1f6: {  	v28 =	vld [tilespmem:s23+$0xFFFFFFD0];
	v9 =	vmul.f32 $2.048000000e+03, v9;
	v10 =	vcvt.s32.f32 v10  }
0x1f7: {  	v31 =	vld [tilespmem:s20+$0xFFFFFFF0];
	v2 =	vmul.f32 $2.048000000e+03, v2;
	v13 =	vmul.f32 $2.048000000e+03, v13  }
0x1f8: {  	v19 =	vmul.f32 $1.442695020e+00, v15;
	v24 =	vmul.f32 $1.442695020e+00, v18  }
0x1f9: {  	v16 =	vmul.f32 $2.048000000e+03, v16;
	v17 =	vmul.f32 $2.048000000e+03, v17  }
0x1fa: {  	v27 =	vmul.f32 $1.442695020e+00, v20;
	v29 =	vmul.f32 $1.442695020e+00, v21  }
0x1fb: {  	v56 =	vmul.f32 $1.442695020e+00, v25;
	v32 =	vmul.f32 $1.442695020e+00, v28  }
0x1fc: {  	v58 =	vcvt.s32.f32 v31;
	v14 =	vmul.f32 $8.192000000e+03, v3  }
0x1fd: {  	v6 =	vtrunc.f32 v6;
	(erf) = vpow2.f32 v12  }
0x1fe: {  	v9 =	vtrunc.f32 v9;
	v2 =	vtrunc.f32 v2  }
0x1ff: {  	v12 =	vld [tilespmem:s21+$0x20];
	v16 =	vtrunc.f32 v16;
	v17 =	vtrunc.f32 v17  }
0x200: {  	v8 =	vld [tilespmem:s21+$0x0];
	v6 =	vcvt.f32.s32 v6;
	v9 =	vcvt.f32.s32 v9  }
0x201: {  	v22 =	vcvt.f32.s32 v2;
	v2 =	vtrunc.f32 v13;
	v13 =	vld [tilespmem:s20+$0xFFFFFFC0]  }
0x202: {  	v30 =	vld [tilespmem:s20+$0xFFFFFFE0];
	(erf) = vpow2.f32 v19;
	v19 =	vmul.f32 $8.192000000e+03, v10  }
0x203: {  	v5 =	vadd.f32 v5, v7;
	v26 =	vcvt.f32.s32 v2;
	v2 =	vld [tilespmem:s20+$0xFFFFFFD0];
	(erf) = vpow2.f32 v27  }
0x204: {  	(erf) = vpow2.f32 v24;
	v23 =	vmul.f32 $2.048000000e+03, v12;
	v12 =	vld [tilespmem:s23+$0xFFFFFFF0]  }
0x205: {  	v4 =	vadd.f32 v4, v5;
	v57 =	vld [tilespmem:s22+$0x0];
	v16 =	vcvt.f32.s32 v16;
	v8 =	vmul.f32 $2.048000000e+03, v8  }
0x206: {  	v55 =	vld [tilespmem:s20+$0x0];
	v13 =	vcvt.s32.f32 v13;
	v7 =	vpop (erf);
	(erf) = vpow2.f32 v29  }
0x207: {  	v4 =	vadd.f32 v11, v4;
	v59 =	vld [tilespmem:s20+$0x20];
	v11 =	vcvt.f32.s32 v17;
	v8 =	vtrunc.f32 v8  }
0x208: {  	v61 =	vld [tilespmem:s21+$0xFFFFFFF0];
	v2 =	vcvt.s32.f32 v2;
	v5 =	vmul.f32 v13, v15;
	v7 =	vadd.f32 v14, v7  }
0x209: {  	v14 =	vmul.f32 $1.442695020e+00, v12;
	v33 =	vmul.f32 v58, v12;
	v12 =	vld [tilespmem:s22+$0xFFFFFFD0]  }
0x20a: {  	v13 =	vmul.f32 $8.192000000e+03, v13;
	v4 =	vadd.f32 v5, v4;
	v5 =	vmul.f32 $2.048000000e+03, v57;
	[tilespmem:v9+s16+$0x0] =	vst.idx.add.f32.msk $0xffff, v7  }
0x20b: {  	v60 =	vcvt.f32.s32 v8;
	v17 =	vmul.f32 v2, v28;
	[tilespmem:v6+s17+$0x0] =	vst.idx.add.f32.msk $0xffff, v7;
	v6 =	vpop (erf)  }
0x20c: {  	v9 =	vld [tilespmem:s22+$0xFFFFFFF0];
	v15 =	vtrunc.f32 v5;
	v7 =	vcvt.s32.f32 v55;
	v13 =	vadd.f32 v13, v6;
	v8 =	vpop (erf)  }
0x20d: {  	v4 =	vadd.f32 v17, v4;
	v17 =	vld [tilespmem:s22+$0xFFFFFFE0];
	v6 =	vcvt.s32.f32 v30;
	v62 =	vpop (erf);
	(erf) = vpow2.f32 v14  }
0x20e: {  	v19 =	vadd.f32 v19, v8;
	[tilespmem:v16+s16+$0x0] =	vst.idx.add.f32.msk $0xffff, v13;
	v16 =	vmul.f32 v7, v21;
	v7 =	vmul.f32 $8.192000000e+03, v7  }
0x20f: {  	v14 =	vmul.f32 $8.192000000e+03, v58;
	v25 =	vmul.f32 v6, v25;
	[tilespmem:v26+s17+$0x0] =	vst.idx.add.f32.msk $0xffff, v13;
	v5 =	vpop (erf)  }
0x210: {  	(erf) = vpow2.f32 v32;
	[tilespmem:v11+s16+$0x0] =	vst.idx.add.f32.msk $0xffff, v19;
	v8 =	vadd.f32 v7, v5;
	v7 =	vcvt.s32.f32 v59  }
0x211: {  	v13 =	vld [tilespmem:s21+$0xFFFFFFD0];
	v11 =	vmul.f32 $2.048000000e+03, v61;
	v5 =	vmul.f32 v10, v20;
	v10 =	vadd.f32 v25, v4  }
0x212: {  	(erf) = vpow2.f32 v56;
	[tilespmem:v22+s17+$0x0] =	vst.idx.add.f32.msk $0xffff, v19;
	v63 =	vmul.f32 $8.192000000e+03, v7  }
0x213: {  	v19 =	vld [tilespmem:s21+$0xFFFFFFE0];
	v4 =	vmul.f32 v7, v18;
	v7 =	vtrunc.f32 v11;
	v10 =	vadd.f32 v33, v10  }
0x214: {  	v20 =	vtrunc.f32 v23;
	[tilespmem:v60+s16+$0x0] =	vst.idx.add.f32.msk $0xffff, v8;
	v11 =	vcvt.f32.s32 v7  }
0x215: {  	s24 =	simm.s32 $0x60C0;
	s23 =	simm.s32 $0x40C0;
	v18 =	vld [tilespmem:s22+$0x20];
	s22 =	simm.s32 $0x0;
	v7 =	vadd.f32 v16, v10;
	v10 =	vadd.f32 v63, v62;
	v16 =	vcvt.f32.s32 v20  }
.LBB2_10:
0x216: {  	v20 =	vld [tilespmem:s24+$0x30];
	s22 =	sadd.s32 $0x8, s22;
	v17 =	vmul.f32 $2.048000000e+03, v17;
	v9 =	vmul.f32 $2.048000000e+03, v9;
	s21 =	sadd.s32 $0x80, s21;
	s20 =	sadd.s32 $0x80, s20  }
0x217: {  	v12 =	vmul.f32 $2.048000000e+03, v12;
	v21 =	vld [tilespmem:s21+$0x20];
	p0 =	slt.u32 s22, $0xF8;
	v5 =	vadd.f32 v5, v7;
	v7 =	vpop (erf)  }
0x218: {  	v22 =	vld [tilespmem:s23+$0xFFFFFFC0];
	v7 =	vadd.f32 v14, v7;
	v9 =	vtrunc.f32 v9;
	v14 =	vcvt.f32.s32 v15  }
0x219: {  	v1 =	vmul.f32 v3, v1;
	v12 =	vtrunc.f32 v12;
	v15 =	vld [tilespmem:s24+$0xFFFFFFC0];
	v4 =	vadd.f32 v4, v5  }
0x21a: {  	v24 =	vmul.f32 $2.048000000e+03, v18;
	v5 =	vld [tilespmem:s21+$0x0];
	v3 =	vmul.f32 $2.048000000e+03, v19  }
0x21b: {  	v6 =	vmul.f32 $8.192000000e+03, v6;
	v17 =	vtrunc.f32 v17;
	v19 =	vld [tilespmem:s24+$0x10];
	v4 =	vadd.f32 v1, v4  }
0x21c: {  	v1 =	vmul.f32 $8.192000000e+03, v2;
	v2 =	vtrunc.f32 v24;
	v23 =	vld [tilespmem:s20+$0x10];
	v18 =	vpop (erf)  }
0x21d: {  	v13 =	vmul.f32 $2.048000000e+03, v13;
	v3 =	vtrunc.f32 v3;
	v24 =	vld [tilespmem:s21+$0x30];
	v25 =	vpop (erf)  }
0x21e: {  	v9 =	vcvt.f32.s32 v9;
	v18 =	vadd.f32 v1, v18;
	v26 =	vld [tilespmem:s20+$0x30];
	v6 =	vadd.f32 v6, v25  }
0x21f: {  	v13 =	vtrunc.f32 v13;
	v25 =	vcvt.f32.s32 v3;
	[tilespmem:v14+s17+$0x0] =	vst.idx.add.f32.msk $0xffff, v8  }
0x220: {  	v8 =	vcvt.f32.s32 v13;
	v13 =	vcvt.f32.s32 v17;
	v1 =	vld [tilespmem:s23+$0x30]  }
0x221: {  	v2 =	vcvt.f32.s32 v2;
	[tilespmem:v16+s16+$0x0] =	vst.idx.add.f32.msk $0xffff, v10  }
0x222: {  	v12 =	vcvt.f32.s32 v12;
	v14 =	vld [tilespmem:s21+$0xFFFFFFC0]  }
0x223: {  	[tilespmem:v11+s16+$0x0] =	vst.idx.add.f32.msk $0xffff, v7  }
0x224: {  	v3 =	vcvt.s32.f32 v26;
	[tilespmem:v9+s17+$0x0] =	vst.idx.add.f32.msk $0xffff, v7  }
0x225: {  	v9 =	vmul.f32 $2.048000000e+03, v20;
	v7 =	vmul.f32 $1.442695020e+00, v1;
	[tilespmem:v25+s16+$0x0] =	vst.idx.add.f32.msk $0xffff, v6  }
0x226: {  	v16 =	vmul.f32 $2.048000000e+03, v24;
	v11 =	vmul.f32 $8.192000000e+03, v3;
	[tilespmem:v13+s17+$0x0] =	vst.idx.add.f32.msk $0xffff, v6  }
0x227: {  	v6 =	vtrunc.f32 v9;
	(erf) = vpow2.f32 v7;
	[tilespmem:v2+s17+$0x0] =	vst.idx.add.f32.msk $0xffff, v10  }
0x228: {  	v7 =	vcvt.s32.f32 v23;
	v2 =	vtrunc.f32 v16;
	[tilespmem:v8+s16+$0x0] =	vst.idx.add.f32.msk $0xffff, v18  }
0x229: {  	v6 =	vcvt.f32.s32 v6;
	v8 =	vmul.f32 $2.048000000e+03, v19;
	[tilespmem:v12+s17+$0x0] =	vst.idx.add.f32.msk $0xffff, v18  }
0x22a: {  	v5 =	vmul.f32 $2.048000000e+03, v5;
	v2 =	vcvt.f32.s32 v2;
	v10 =	vld [tilespmem:s23+$0x20]  }
0x22b: {  	v9 =	vmul.f32 $2.048000000e+03, v15;
	v8 =	vtrunc.f32 v8;
	v12 =	vld [tilespmem:s21+$0x10]  }
0x22c: {  	v5 =	vtrunc.f32 v5;
	v13 =	vmul.f32 $1.442695020e+00, v22;
	v16 =	vld [tilespmem:s23+$0x10]  }
0x22d: {  	v19 =	vmul.f32 $2.048000000e+03, v21;
	v18 =	vcvt.f32.s32 v8;
	v15 =	vld [tilespmem:s23+$0x0]  }
0x22e: {  	v8 =	vtrunc.f32 v9;
	v17 =	vld [tilespmem:s23+$0xFFFFFFF0];
	(erf) = vpow2.f32 v13  }
0x22f: {  	v13 =	vmul.f32 $8.192000000e+03, v7;
	v9 =	vld [tilespmem:s20+$0xFFFFFFC0];
	v20 =	vmul.f32 $1.442695020e+00, v10  }
0x230: {  	v14 =	vmul.f32 $2.048000000e+03, v14;
	v21 =	vld [tilespmem:s23+$0xFFFFFFE0];
	v12 =	vmul.f32 $2.048000000e+03, v12;
	v23 =	vpop (erf)  }
0x231: {  	v8 =	vcvt.f32.s32 v8;
	v24 =	vld [tilespmem:s20+$0xFFFFFFD0];
	v25 =	vmul.f32 $1.442695020e+00, v16  }
0x232: {  	v14 =	vtrunc.f32 v14;
	v26 =	vld [tilespmem:s23+$0xFFFFFFD0];
	v27 =	vmul.f32 $1.442695020e+00, v15  }
0x233: {  	v12 =	vtrunc.f32 v12;
	v28 =	vld [tilespmem:s20+$0xFFFFFFE0];
	(erf) = vpow2.f32 v25  }
0x234: {  	v9 =	vcvt.s32.f32 v9;
	v25 =	vld [tilespmem:s20+$0x0];
	(erf) = vpow2.f32 v20  }
0x235: {  	v11 =	vadd.f32 v11, v23;
	v30 =	vmul.f32 $1.442695020e+00, v17;
	v20 =	vmul.f32 $1.442695020e+00, v21;
	v29 =	vld [tilespmem:s20+$0xFFFFFFF0]  }
0x236: {  	v22 =	vmul.f32 v9, v22;
	v23 =	vld [tilespmem:s24+$0x0];
	(erf) = vpow2.f32 v27  }
0x237: {  	v14 =	vcvt.f32.s32 v14;
	v27 =	vmul.f32 $1.442695020e+00, v26;
	[tilespmem:v2+s16+$0x0] =	vst.idx.add.f32.msk $0xffff, v11;
	v31 =	vpop (erf)  }
0x238: {  	v32 =	vmul.f32 $8.192000000e+03, v9;
	v2 =	vcvt.s32.f32 v24;
	v4 =	vadd.f32 v22, v4;
	[tilespmem:v6+s17+$0x0] =	vst.idx.add.f32.msk $0xffff, v11  }
0x239: {  	v22 =	vcvt.f32.s32 v12;
	v9 =	vld [tilespmem:s24+$0xFFFFFFF0];
	v11 =	vcvt.s32.f32 v25  }
0x23a: {  	v24 =	vadd.f32 v32, v31;
	v25 =	vmul.f32 v2, v26;
	v12 =	vld [tilespmem:s24+$0xFFFFFFD0];
	v26 =	vcvt.s32.f32 v29  }
0x23b: {  	v6 =	vcvt.s32.f32 v28;
	v28 =	vcvt.f32.s32 v5;
	v29 =	vld [tilespmem:s20+$0x20]  }
0x23c: {  	v4 =	vadd.f32 v25, v4;
	v34 =	vmul.f32 $2.048000000e+03, v23;
	v25 =	vld [tilespmem:s21+$0xFFFFFFF0];
	v31 =	vmul.f32 v26, v17;
	v17 =	vpop (erf)  }
0x23d: {  	v23 =	vmul.f32 $8.192000000e+03, v11;
	v32 =	vmul.f32 v11, v15;
	[tilespmem:v14+s16+$0x0] =	vst.idx.add.f32.msk $0xffff, v24;
	v11 =	vadd.f32 v13, v17;
	v33 =	vpop (erf)  }
0x23e: {  	v15 =	vtrunc.f32 v34;
	[tilespmem:v8+s17+$0x0] =	vst.idx.add.f32.msk $0xffff, v24;
	(erf) = vpow2.f32 v30  }
0x23f: {  	v21 =	vmul.f32 v6, v21;
	v14 =	vmul.f32 $8.192000000e+03, v26;
	[tilespmem:v22+s16+$0x0] =	vst.idx.add.f32.msk $0xffff, v11;
	v5 =	vpop (erf)  }
0x240: {  	v17 =	vld [tilespmem:s24+$0xFFFFFFE0];
	v8 =	vadd.f32 v23, v5;
	v5 =	vmul.f32 v7, v16;
	v7 =	vcvt.s32.f32 v29  }
.Ltmp4:
0x241: {  	v22 =	vtrunc.f32 v19;
	v16 =	vadd.f32 v21, v4;
	v13 =	vld [tilespmem:s21+$0xFFFFFFD0];
	v21 =	vmul.f32 $2.048000000e+03, v25;
	(pc) =	sbr.rel @p0 .LBB2_10-.Ltmp4, $4  }
0x242: {  	[tilespmem:v18+s17+$0x0] =	vst.idx.add.f32.msk $0xffff, v11;
	v23 =	vmul.f32 $8.192000000e+03, v7;
	v4 =	vmul.f32 v7, v10  }
0x243: {  	v10 =	vadd.f32 v31, v16;
	v7 =	vtrunc.f32 v21;
	[tilespmem:v28+s16+$0x0] =	vst.idx.add.f32.msk $0xffff, v8;
	(erf) = vpow2.f32 v27  }
0x244: {  	v11 =	vcvt.f32.s32 v7;
	v18 =	vld [tilespmem:s24+$0x20];
	(erf) = vpow2.f32 v20  }
0x245: {  	s23 =	sadd.s32 $0x80, s23;
	v16 =	vcvt.f32.s32 v22;
	v7 =	vadd.f32 v32, v10;
	v10 =	vadd.f32 v23, v33;
	s24 =	sadd.s32 $0x80, s24;
	v19 =	vld [tilespmem:s21+$0xFFFFFFE0]  }
0x246: {  	v9 =	vmul.f32 $2.048000000e+03, v9  }
0x247: {  	v17 =	vmul.f32 $2.048000000e+03, v17;
	v12 =	vmul.f32 $2.048000000e+03, v12  }
0x248: {  	v15 =	vcvt.f32.s32 v15;
	v13 =	vmul.f32 $2.048000000e+03, v13  }
0x249: {  	v2 =	vmul.f32 $8.192000000e+03, v2;
	v9 =	vtrunc.f32 v9  }
0x24a: {  	v13 =	vtrunc.f32 v13;
	v12 =	vtrunc.f32 v12  }
0x24b: {  	v18 =	vmul.f32 $2.048000000e+03, v18;
	v9 =	vcvt.f32.s32 v9  }
0x24c: {  	v13 =	vcvt.f32.s32 v13;
	v19 =	vmul.f32 $2.048000000e+03, v19  }
0x24d: {  	v20 =	vpop (erf);
	v12 =	vcvt.f32.s32 v12;
	v18 =	vtrunc.f32 v18  }
0x24e: {  	v14 =	vadd.f32 v14, v20;
	v19 =	vtrunc.f32 v19;
	[tilespmem:v15+s17+$0x0] =	vst.idx.add.f32.msk $0xffff, v8;
	v8 =	vcvt.f32.s32 v18  }
0x24f: {  	[tilespmem:v16+s16+$0x0] =	vst.idx.add.f32.msk $0xffff, v10;
	v17 =	vtrunc.f32 v17;
	v20 =	vpop (erf);
	v19 =	vcvt.f32.s32 v19  }
0x250: {  	v17 =	vcvt.f32.s32 v17;
	[tilespmem:v11+s16+$0x0] =	vst.idx.add.f32.msk $0xffff, v14;
	v2 =	vadd.f32 v2, v20  }
0x251: {  	v6 =	vmul.f32 $8.192000000e+03, v6;
	[tilespmem:v9+s17+$0x0] =	vst.idx.add.f32.msk $0xffff, v14  }
0x252: {  	v15 =	vpop (erf);
	[tilespmem:v13+s16+$0x0] =	vst.idx.add.f32.msk $0xffff, v2  }
0x253: {  	v6 =	vadd.f32 v6, v15;
	[tilespmem:v12+s17+$0x0] =	vst.idx.add.f32.msk $0xffff, v2  }
0x254: {  	[tilespmem:v8+s17+$0x0] =	vst.idx.add.f32.msk $0xffff, v10  }
0x255: {  	[tilespmem:v19+s16+$0x0] =	vst.idx.add.f32.msk $0xffff, v6  }
0x256: {  	[tilespmem:v17+s17+$0x0] =	vst.idx.add.f32.msk $0xffff, v6  }
0x257: {  	_ =	swait.ge [sflag:s11], $0x1000  }
0x258: {  	[sflag:s11] =	ssyncset.done $0x0  }
0x259: {  	[sflag:s11] =	ssyncadd.s32 $0xFFFFF000  }
0x25a: {  	_ =	swait.ge [sflag:s11], $0x1000  }
0x25b: {  	[sflag:s11] =	ssyncset.done $0x0  }
0x25c: {  	[sflag:s11] =	ssyncadd.s32 $0xFFFFF000  }
0x25d: {  	_ =	swait.ge [sflag:s11], $0x1000  }
0x25e: {  	[sflag:s11] =	ssyncset.done $0x0  }
0x25f: {  	[sflag:s11] =	ssyncadd.s32 $0xFFFFF000  }
0x260: {  	_ =	swait.ge [sflag:s11], $0x1000  }
0x261: {  	[sflag:s11] =	ssyncset.done $0x0  }
0x262: {  	s20 =	rddreg [dreg:$0x16];
	[sflag:s11] =	ssyncadd.s32 $0xFFFFF000  }
0x263: {  	[tilespmem:s12], [sflag:$0x1] =	stream.linear.gather [hbm4b:s20+s1], $0x1000, $0x38;
	[tilespmem:$0x9080] =	vst v63  }
0x264: {  	s22 =	rddreg [dreg:$0x17]  }
0x265: {  	[tilespmem:s13], [sflag:$0x1] =	stream.linear.gather [hbm4b:s22+s1], $0x1000, $0x38;
	[tilespmem:$0x9080] =	vst v63  }
0x266: {  	s23 =	rddreg [dreg:$0x18]  }
0x267: {  	[tilespmem:s14], [sflag:$0x1] =	stream.linear.gather [hbm4b:s23+s1], $0x1000, $0x38;
	[tilespmem:$0x9080] =	vst v63  }
0x268: {  	s24 =	rddreg [dreg:$0x19];
	s22 =	simm.s32 $0x2040  }
0x269: {  	[tilespmem:s15], [sflag:$0x1] =	stream.linear.gather [hbm4b:s24+s1], $0x1000, $0x38;
	[tilespmem:$0x9080] =	vst v63  }
0x26a: {  	s20 =	simm.s32 $0x3040;
	v6 =	vld [tilespmem:s22+$0x30]  }
0x26b: {  	s23 =	simm.s32 $0x40;
	v8 =	vld [tilespmem:s20+$0x30]  }
0x26c: {  	s21 =	simm.s32 $0x1040;
	v2 =	vld [tilespmem:s23+$0x30]  }
0x26d: {  	v9 =	vld [tilespmem:s21+$0x30]  }
0x26e: {  	v10 =	vld [tilespmem:s20+$0x10]  }
0x26f: {  	v11 =	vmul.f32 v3, v1;
	v1 =	vld [tilespmem:s22+$0x10]  }
0x270: {  	v13 =	vld [tilespmem:s22+$0xFFFFFFC0]  }
0x271: {  	v15 =	vld [tilespmem:s23+$0xFFFFFFC0]  }
0x272: {  	v16 =	vld [tilespmem:s21+$0xFFFFFFC0]  }
0x273: {  	v18 =	vld [tilespmem:s23+$0x20]  }
0x274: {  	v17 =	vld [tilespmem:s21+$0x10]  }
0x275: {  	v20 =	vld [tilespmem:s23+$0x10]  }
0x276: {  	v21 =	vld [tilespmem:s23+$0x0];
	v3 =	vcvt.s32.f32 v8  }
0x277: {  	v25 =	vld [tilespmem:s23+$0xFFFFFFE0];
	v12 =	vmul.f32 $1.442695020e+00, v2;
	v6 =	vmul.f32 $2.048000000e+03, v6  }
0x278: {  	v28 =	vld [tilespmem:s23+$0xFFFFFFD0];
	v9 =	vmul.f32 $2.048000000e+03, v9;
	v10 =	vcvt.s32.f32 v10  }
0x279: {  	v31 =	vld [tilespmem:s20+$0xFFFFFFF0];
	v1 =	vmul.f32 $2.048000000e+03, v1;
	v13 =	vmul.f32 $2.048000000e+03, v13  }
0x27a: {  	v19 =	vmul.f32 $1.442695020e+00, v15;
	v24 =	vmul.f32 $1.442695020e+00, v18  }
0x27b: {  	v16 =	vmul.f32 $2.048000000e+03, v16;
	v17 =	vmul.f32 $2.048000000e+03, v17  }
0x27c: {  	v27 =	vmul.f32 $1.442695020e+00, v20;
	v29 =	vmul.f32 $1.442695020e+00, v21  }
0x27d: {  	v56 =	vmul.f32 $1.442695020e+00, v25;
	v32 =	vmul.f32 $1.442695020e+00, v28  }
0x27e: {  	v58 =	vcvt.s32.f32 v31;
	v14 =	vmul.f32 $8.192000000e+03, v3  }
0x27f: {  	v6 =	vtrunc.f32 v6;
	(erf) = vpow2.f32 v12  }
0x280: {  	v9 =	vtrunc.f32 v9;
	v1 =	vtrunc.f32 v1  }
0x281: {  	v12 =	vld [tilespmem:s21+$0x20];
	v16 =	vtrunc.f32 v16;
	v17 =	vtrunc.f32 v17  }
0x282: {  	v8 =	vld [tilespmem:s21+$0x0];
	v6 =	vcvt.f32.s32 v6;
	v9 =	vcvt.f32.s32 v9  }
0x283: {  	v22 =	vcvt.f32.s32 v1;
	v1 =	vtrunc.f32 v13;
	v13 =	vld [tilespmem:s20+$0xFFFFFFC0]  }
0x284: {  	v30 =	vld [tilespmem:s20+$0xFFFFFFE0];
	(erf) = vpow2.f32 v19;
	v19 =	vmul.f32 $8.192000000e+03, v10  }
0x285: {  	v5 =	vadd.f32 v5, v7;
	v26 =	vcvt.f32.s32 v1;
	v1 =	vld [tilespmem:s20+$0xFFFFFFD0];
	(erf) = vpow2.f32 v27  }
0x286: {  	(erf) = vpow2.f32 v24;
	v23 =	vmul.f32 $2.048000000e+03, v12;
	v12 =	vld [tilespmem:s23+$0xFFFFFFF0]  }
0x287: {  	v4 =	vadd.f32 v4, v5;
	v57 =	vld [tilespmem:s22+$0x0];
	v16 =	vcvt.f32.s32 v16;
	v8 =	vmul.f32 $2.048000000e+03, v8  }
0x288: {  	v55 =	vld [tilespmem:s20+$0x0];
	v13 =	vcvt.s32.f32 v13;
	v7 =	vpop (erf);
	(erf) = vpow2.f32 v29  }
0x289: {  	v4 =	vadd.f32 v11, v4;
	v59 =	vld [tilespmem:s20+$0x20];
	v11 =	vcvt.f32.s32 v17;
	v8 =	vtrunc.f32 v8  }
0x28a: {  	v61 =	vld [tilespmem:s21+$0xFFFFFFF0];
	v1 =	vcvt.s32.f32 v1;
	v5 =	vmul.f32 v13, v15;
	v7 =	vadd.f32 v14, v7  }
0x28b: {  	v14 =	vmul.f32 $1.442695020e+00, v12;
	v33 =	vmul.f32 v58, v12;
	v12 =	vld [tilespmem:s22+$0xFFFFFFD0]  }
0x28c: {  	v13 =	vmul.f32 $8.192000000e+03, v13;
	v4 =	vadd.f32 v5, v4;
	v5 =	vmul.f32 $2.048000000e+03, v57;
	[tilespmem:v9+s16+$0x0] =	vst.idx.add.f32.msk $0xffff, v7  }
0x28d: {  	v60 =	vcvt.f32.s32 v8;
	v17 =	vmul.f32 v1, v28;
	[tilespmem:v6+s17+$0x0] =	vst.idx.add.f32.msk $0xffff, v7;
	v6 =	vpop (erf)  }
0x28e: {  	v9 =	vld [tilespmem:s22+$0xFFFFFFF0];
	v15 =	vtrunc.f32 v5;
	v7 =	vcvt.s32.f32 v55;
	v13 =	vadd.f32 v13, v6;
	v8 =	vpop (erf)  }
0x28f: {  	v4 =	vadd.f32 v17, v4;
	v17 =	vld [tilespmem:s22+$0xFFFFFFE0];
	v6 =	vcvt.s32.f32 v30;
	v62 =	vpop (erf);
	(erf) = vpow2.f32 v14  }
0x290: {  	v19 =	vadd.f32 v19, v8;
	[tilespmem:v16+s16+$0x0] =	vst.idx.add.f32.msk $0xffff, v13;
	v16 =	vmul.f32 v7, v21;
	v7 =	vmul.f32 $8.192000000e+03, v7  }
0x291: {  	v14 =	vmul.f32 $8.192000000e+03, v58;
	v25 =	vmul.f32 v6, v25;
	[tilespmem:v26+s17+$0x0] =	vst.idx.add.f32.msk $0xffff, v13;
	v5 =	vpop (erf)  }
0x292: {  	(erf) = vpow2.f32 v32;
	[tilespmem:v11+s16+$0x0] =	vst.idx.add.f32.msk $0xffff, v19;
	v8 =	vadd.f32 v7, v5;
	v7 =	vcvt.s32.f32 v59  }
0x293: {  	v13 =	vld [tilespmem:s21+$0xFFFFFFD0];
	v11 =	vmul.f32 $2.048000000e+03, v61;
	v5 =	vmul.f32 v10, v20;
	v10 =	vadd.f32 v25, v4  }
0x294: {  	(erf) = vpow2.f32 v56;
	[tilespmem:v22+s17+$0x0] =	vst.idx.add.f32.msk $0xffff, v19;
	v63 =	vmul.f32 $8.192000000e+03, v7  }
0x295: {  	v19 =	vld [tilespmem:s21+$0xFFFFFFE0];
	v4 =	vmul.f32 v7, v18;
	v7 =	vtrunc.f32 v11;
	v10 =	vadd.f32 v33, v10  }
0x296: {  	v20 =	vtrunc.f32 v23;
	[tilespmem:v60+s16+$0x0] =	vst.idx.add.f32.msk $0xffff, v8;
	v11 =	vcvt.f32.s32 v7  }
0x297: {  	s24 =	simm.s32 $0x20C0;
	s23 =	simm.s32 $0xC0;
	v18 =	vld [tilespmem:s22+$0x20];
	s22 =	simm.s32 $0x0;
	v7 =	vadd.f32 v16, v10;
	v10 =	vadd.f32 v63, v62;
	v16 =	vcvt.f32.s32 v20  }
.LBB2_12:
0x298: {  	v20 =	vld [tilespmem:s24+$0x30];
	s22 =	sadd.s32 $0x8, s22;
	v17 =	vmul.f32 $2.048000000e+03, v17;
	v9 =	vmul.f32 $2.048000000e+03, v9;
	s21 =	sadd.s32 $0x80, s21;
	s20 =	sadd.s32 $0x80, s20  }
0x299: {  	v12 =	vmul.f32 $2.048000000e+03, v12;
	v21 =	vld [tilespmem:s21+$0x20];
	p0 =	slt.u32 s22, $0xF8;
	v5 =	vadd.f32 v5, v7;
	v7 =	vpop (erf)  }
0x29a: {  	v22 =	vld [tilespmem:s23+$0xFFFFFFC0];
	v7 =	vadd.f32 v14, v7;
	v9 =	vtrunc.f32 v9;
	v14 =	vcvt.f32.s32 v15  }
0x29b: {  	v24 =	vmul.f32 v3, v2;
	v12 =	vtrunc.f32 v12;
	v15 =	vld [tilespmem:s24+$0xFFFFFFC0];
	v4 =	vadd.f32 v4, v5  }
0x29c: {  	v18 =	vmul.f32 $2.048000000e+03, v18;
	v5 =	vld [tilespmem:s21+$0x0];
	v3 =	vmul.f32 $2.048000000e+03, v19  }
0x29d: {  	v6 =	vmul.f32 $8.192000000e+03, v6;
	v17 =	vtrunc.f32 v17;
	v19 =	vld [tilespmem:s24+$0x10];
	v4 =	vadd.f32 v24, v4  }
0x29e: {  	v1 =	vmul.f32 $8.192000000e+03, v1;
	v18 =	vtrunc.f32 v18;
	v23 =	vld [tilespmem:s20+$0x10];
	v2 =	vpop (erf)  }
0x29f: {  	v13 =	vmul.f32 $2.048000000e+03, v13;
	v3 =	vtrunc.f32 v3;
	v24 =	vld [tilespmem:s21+$0x30];
	v25 =	vpop (erf)  }
0x2a0: {  	v9 =	vcvt.f32.s32 v9;
	v1 =	vadd.f32 v1, v2;
	v26 =	vld [tilespmem:s20+$0x30];
	v6 =	vadd.f32 v6, v25  }
0x2a1: {  	v13 =	vtrunc.f32 v13;
	v25 =	vcvt.f32.s32 v3;
	[tilespmem:v14+s17+$0x0] =	vst.idx.add.f32.msk $0xffff, v8  }
0x2a2: {  	v8 =	vcvt.f32.s32 v13;
	v13 =	vcvt.f32.s32 v17;
	v2 =	vld [tilespmem:s23+$0x30]  }
0x2a3: {  	v14 =	vcvt.f32.s32 v18;
	[tilespmem:v16+s16+$0x0] =	vst.idx.add.f32.msk $0xffff, v10  }
0x2a4: {  	v12 =	vcvt.f32.s32 v12;
	v16 =	vld [tilespmem:s21+$0xFFFFFFC0]  }
0x2a5: {  	[tilespmem:v11+s16+$0x0] =	vst.idx.add.f32.msk $0xffff, v7  }
0x2a6: {  	v3 =	vcvt.s32.f32 v26;
	[tilespmem:v9+s17+$0x0] =	vst.idx.add.f32.msk $0xffff, v7  }
0x2a7: {  	v9 =	vmul.f32 $2.048000000e+03, v20;
	v7 =	vmul.f32 $1.442695020e+00, v2;
	[tilespmem:v25+s16+$0x0] =	vst.idx.add.f32.msk $0xffff, v6  }
0x2a8: {  	v17 =	vmul.f32 $2.048000000e+03, v24;
	v11 =	vmul.f32 $8.192000000e+03, v3;
	[tilespmem:v13+s17+$0x0] =	vst.idx.add.f32.msk $0xffff, v6  }
0x2a9: {  	v6 =	vtrunc.f32 v9;
	(erf) = vpow2.f32 v7;
	[tilespmem:v14+s17+$0x0] =	vst.idx.add.f32.msk $0xffff, v10  }
0x2aa: {  	v9 =	vtrunc.f32 v17;
	v7 =	vcvt.s32.f32 v23;
	[tilespmem:v8+s16+$0x0] =	vst.idx.add.f32.msk $0xffff, v1  }
0x2ab: {  	v6 =	vcvt.f32.s32 v6;
	v8 =	vmul.f32 $2.048000000e+03, v19;
	[tilespmem:v12+s17+$0x0] =	vst.idx.add.f32.msk $0xffff, v1  }
0x2ac: {  	v1 =	vmul.f32 $2.048000000e+03, v5;
	v5 =	vcvt.f32.s32 v9;
	v10 =	vld [tilespmem:s23+$0x20]  }
0x2ad: {  	v9 =	vmul.f32 $2.048000000e+03, v15;
	v8 =	vtrunc.f32 v8;
	v12 =	vld [tilespmem:s21+$0x10]  }
0x2ae: {  	v13 =	vmul.f32 $1.442695020e+00, v22;
	v14 =	vtrunc.f32 v1;
	v18 =	vld [tilespmem:s23+$0x10]  }
0x2af: {  	v20 =	vmul.f32 $2.048000000e+03, v21;
	v19 =	vcvt.f32.s32 v8;
	v15 =	vld [tilespmem:s23+$0x0]  }
0x2b0: {  	v1 =	vtrunc.f32 v9;
	v8 =	vld [tilespmem:s23+$0xFFFFFFF0];
	(erf) = vpow2.f32 v13  }
0x2b1: {  	v13 =	vmul.f32 $8.192000000e+03, v7;
	v9 =	vld [tilespmem:s20+$0xFFFFFFC0];
	v17 =	vmul.f32 $1.442695020e+00, v10  }
0x2b2: {  	v16 =	vmul.f32 $2.048000000e+03, v16;
	v21 =	vld [tilespmem:s23+$0xFFFFFFE0];
	v12 =	vmul.f32 $2.048000000e+03, v12;
	v23 =	vpop (erf)  }
0x2b3: {  	v24 =	vcvt.f32.s32 v1;
	v1 =	vld [tilespmem:s20+$0xFFFFFFD0];
	v25 =	vmul.f32 $1.442695020e+00, v18  }
0x2b4: {  	v16 =	vtrunc.f32 v16;
	v26 =	vld [tilespmem:s23+$0xFFFFFFD0];
	v27 =	vmul.f32 $1.442695020e+00, v15  }
0x2b5: {  	v12 =	vtrunc.f32 v12;
	v28 =	vld [tilespmem:s20+$0xFFFFFFE0];
	(erf) = vpow2.f32 v25  }
0x2b6: {  	v9 =	vcvt.s32.f32 v9;
	v25 =	vld [tilespmem:s20+$0x0];
	(erf) = vpow2.f32 v17  }
0x2b7: {  	v11 =	vadd.f32 v11, v23;
	v30 =	vmul.f32 $1.442695020e+00, v8;
	v29 =	vmul.f32 $1.442695020e+00, v21;
	v17 =	vld [tilespmem:s20+$0xFFFFFFF0]  }
0x2b8: {  	v22 =	vmul.f32 v9, v22;
	v23 =	vld [tilespmem:s24+$0x0];
	(erf) = vpow2.f32 v27  }
0x2b9: {  	v16 =	vcvt.f32.s32 v16;
	v27 =	vmul.f32 $1.442695020e+00, v26;
	[tilespmem:v5+s16+$0x0] =	vst.idx.add.f32.msk $0xffff, v11;
	v5 =	vpop (erf)  }
0x2ba: {  	v31 =	vmul.f32 $8.192000000e+03, v9;
	v1 =	vcvt.s32.f32 v1;
	v4 =	vadd.f32 v22, v4;
	[tilespmem:v6+s17+$0x0] =	vst.idx.add.f32.msk $0xffff, v11  }
0x2bb: {  	v22 =	vcvt.f32.s32 v12;
	v9 =	vld [tilespmem:s24+$0xFFFFFFF0];
	v11 =	vcvt.s32.f32 v25  }
0x2bc: {  	v5 =	vadd.f32 v31, v5;
	v25 =	vmul.f32 v1, v26;
	v12 =	vld [tilespmem:s24+$0xFFFFFFD0];
	v17 =	vcvt.s32.f32 v17  }
0x2bd: {  	v6 =	vcvt.s32.f32 v28;
	v26 =	vcvt.f32.s32 v14;
	v28 =	vld [tilespmem:s20+$0x20]  }
0x2be: {  	v4 =	vadd.f32 v25, v4;
	v25 =	vld [tilespmem:s21+$0xFFFFFFF0];
	v31 =	vmul.f32 v17, v8;
	v8 =	vmul.f32 $2.048000000e+03, v23;
	v14 =	vpop (erf)  }
0x2bf: {  	v23 =	vmul.f32 v11, v15;
	[tilespmem:v16+s16+$0x0] =	vst.idx.add.f32.msk $0xffff, v5;
	v16 =	vmul.f32 $8.192000000e+03, v11;
	v11 =	vadd.f32 v13, v14;
	v32 =	vpop (erf)  }
0x2c0: {  	[tilespmem:v24+s17+$0x0] =	vst.idx.add.f32.msk $0xffff, v5;
	v15 =	vtrunc.f32 v8;
	(erf) = vpow2.f32 v30  }
0x2c1: {  	v21 =	vmul.f32 v6, v21;
	v14 =	vmul.f32 $8.192000000e+03, v17;
	[tilespmem:v22+s16+$0x0] =	vst.idx.add.f32.msk $0xffff, v11;
	v5 =	vpop (erf)  }
0x2c2: {  	v17 =	vld [tilespmem:s24+$0xFFFFFFE0];
	v8 =	vadd.f32 v16, v5;
	v5 =	vmul.f32 v7, v18;
	v7 =	vcvt.s32.f32 v28  }
.Ltmp5:
0x2c3: {  	v20 =	vtrunc.f32 v20;
	v16 =	vadd.f32 v21, v4;
	v13 =	vld [tilespmem:s21+$0xFFFFFFD0];
	v18 =	vmul.f32 $2.048000000e+03, v25;
	(pc) =	sbr.rel @p0 .LBB2_12-.Ltmp5, $4  }
0x2c4: {  	[tilespmem:v19+s17+$0x0] =	vst.idx.add.f32.msk $0xffff, v11;
	v21 =	vmul.f32 $8.192000000e+03, v7;
	v4 =	vmul.f32 v7, v10  }
0x2c5: {  	v10 =	vadd.f32 v31, v16;
	v7 =	vtrunc.f32 v18;
	[tilespmem:v26+s16+$0x0] =	vst.idx.add.f32.msk $0xffff, v8;
	(erf) = vpow2.f32 v27  }
0x2c6: {  	v11 =	vcvt.f32.s32 v7;
	v18 =	vld [tilespmem:s24+$0x20];
	(erf) = vpow2.f32 v29  }
0x2c7: {  	s23 =	sadd.s32 $0x80, s23;
	v16 =	vcvt.f32.s32 v20;
	v7 =	vadd.f32 v23, v10;
	v10 =	vadd.f32 v21, v32;
	s24 =	sadd.s32 $0x80, s24;
	v19 =	vld [tilespmem:s21+$0xFFFFFFE0]  }
0x2c8: {  	v9 =	vmul.f32 $2.048000000e+03, v9  }
0x2c9: {  	v17 =	vmul.f32 $2.048000000e+03, v17;
	v12 =	vmul.f32 $2.048000000e+03, v12  }
0x2ca: {  	v15 =	vcvt.f32.s32 v15;
	v13 =	vmul.f32 $2.048000000e+03, v13  }
0x2cb: {  	v1 =	vmul.f32 $8.192000000e+03, v1;
	v9 =	vtrunc.f32 v9  }
0x2cc: {  	v13 =	vtrunc.f32 v13;
	v12 =	vtrunc.f32 v12  }
0x2cd: {  	v18 =	vmul.f32 $2.048000000e+03, v18;
	v9 =	vcvt.f32.s32 v9  }
0x2ce: {  	v13 =	vcvt.f32.s32 v13;
	v19 =	vmul.f32 $2.048000000e+03, v19  }
0x2cf: {  	v20 =	vpop (erf);
	v12 =	vcvt.f32.s32 v12;
	v18 =	vtrunc.f32 v18  }
0x2d0: {  	v14 =	vadd.f32 v14, v20;
	v19 =	vtrunc.f32 v19;
	[tilespmem:v15+s17+$0x0] =	vst.idx.add.f32.msk $0xffff, v8;
	v8 =	vcvt.f32.s32 v18  }
0x2d1: {  	[tilespmem:v16+s16+$0x0] =	vst.idx.add.f32.msk $0xffff, v10;
	v17 =	vtrunc.f32 v17;
	v20 =	vpop (erf);
	v19 =	vcvt.f32.s32 v19  }
0x2d2: {  	v17 =	vcvt.f32.s32 v17;
	[tilespmem:v11+s16+$0x0] =	vst.idx.add.f32.msk $0xffff, v14;
	v1 =	vadd.f32 v1, v20  }
0x2d3: {  	v6 =	vmul.f32 $8.192000000e+03, v6;
	[tilespmem:v9+s17+$0x0] =	vst.idx.add.f32.msk $0xffff, v14  }
0x2d4: {  	v15 =	vpop (erf);
	[tilespmem:v13+s16+$0x0] =	vst.idx.add.f32.msk $0xffff, v1  }
0x2d5: {  	v6 =	vadd.f32 v6, v15;
	[tilespmem:v12+s17+$0x0] =	vst.idx.add.f32.msk $0xffff, v1  }
0x2d6: {  	[tilespmem:v8+s17+$0x0] =	vst.idx.add.f32.msk $0xffff, v10  }
0x2d7: {  	[tilespmem:v19+s16+$0x0] =	vst.idx.add.f32.msk $0xffff, v6  }
0x2d8: {  	[tilespmem:v17+s17+$0x0] =	vst.idx.add.f32.msk $0xffff, v6  }
0x2d9: {  	_ =	swait.ge [sflag:s11], $0x1000  }
0x2da: {  	[sflag:s11] =	ssyncset.done $0x0  }
0x2db: {  	[sflag:s11] =	ssyncadd.s32 $0xFFFFF000  }
0x2dc: {  	_ =	swait.ge [sflag:s11], $0x1000  }
0x2dd: {  	[sflag:s11] =	ssyncset.done $0x0  }
0x2de: {  	[sflag:s11] =	ssyncadd.s32 $0xFFFFF000  }
0x2df: {  	_ =	swait.ge [sflag:s11], $0x1000  }
0x2e0: {  	[sflag:s11] =	ssyncset.done $0x0  }
0x2e1: {  	[sflag:s11] =	ssyncadd.s32 $0xFFFFF000  }
0x2e2: {  	_ =	swait.ge [sflag:s11], $0x1000  }
0x2e3: {  	[sflag:s11] =	ssyncset.done $0x0  }
0x2e4: {  	[sflag:s11] =	ssyncadd.s32 $0xFFFFF000  }
0x2e5: {  	[tilespmem:s1], [sflag:$0x1] =	stream.linear.gather [hbm4b:s26+s1], $0x1000, $0x38;
	[tilespmem:$0x9080] =	vst v63  }
0x2e6: {  	_ = 	snop  }
0x2e7: {  	[tilespmem:s8], [sflag:$0x1] =	stream.linear.gather [hbm4b:s29+s1], $0x1000, $0x38;
	[tilespmem:$0x9080] =	vst v63  }
0x2e8: {  	_ = 	snop  }
0x2e9: {  	[tilespmem:s9], [sflag:$0x1] =	stream.linear.gather [hbm4b:s30+s1], $0x1000, $0x38;
	[tilespmem:$0x9080] =	vst v63  }
0x2ea: {  	s22 =	simm.s32 $0x6040  }
0x2eb: {  	[tilespmem:s10], [sflag:$0x1] =	stream.linear.gather [hbm4b:s31+s1], $0x1000, $0x38;
	[tilespmem:$0x9080] =	vst v63  }
0x2ec: {  	s20 =	simm.s32 $0x7040;
	v6 =	vld [tilespmem:s22+$0x30]  }
0x2ed: {  	s23 =	simm.s32 $0x4040;
	v8 =	vld [tilespmem:s20+$0x30]  }
0x2ee: {  	s21 =	simm.s32 $0x5040;
	v1 =	vld [tilespmem:s23+$0x30]  }
0x2ef: {  	v9 =	vld [tilespmem:s21+$0x30]  }
0x2f0: {  	v10 =	vld [tilespmem:s20+$0x10]  }
0x2f1: {  	v11 =	vmul.f32 v3, v2;
	v2 =	vld [tilespmem:s22+$0x10]  }
0x2f2: {  	v13 =	vld [tilespmem:s22+$0xFFFFFFC0]  }
0x2f3: {  	v15 =	vld [tilespmem:s23+$0xFFFFFFC0]  }
0x2f4: {  	v16 =	vld [tilespmem:s21+$0xFFFFFFC0]  }
0x2f5: {  	v18 =	vld [tilespmem:s23+$0x20]  }
0x2f6: {  	v17 =	vld [tilespmem:s21+$0x10]  }
0x2f7: {  	v20 =	vld [tilespmem:s23+$0x10]  }
0x2f8: {  	v21 =	vld [tilespmem:s23+$0x0];
	v3 =	vcvt.s32.f32 v8  }
0x2f9: {  	v25 =	vld [tilespmem:s23+$0xFFFFFFE0];
	v12 =	vmul.f32 $1.442695020e+00, v1;
	v6 =	vmul.f32 $2.048000000e+03, v6  }
0x2fa: {  	v28 =	vld [tilespmem:s23+$0xFFFFFFD0];
	v9 =	vmul.f32 $2.048000000e+03, v9;
	v10 =	vcvt.s32.f32 v10  }
0x2fb: {  	v31 =	vld [tilespmem:s20+$0xFFFFFFF0];
	v2 =	vmul.f32 $2.048000000e+03, v2;
	v13 =	vmul.f32 $2.048000000e+03, v13  }
0x2fc: {  	v19 =	vmul.f32 $1.442695020e+00, v15;
	v24 =	vmul.f32 $1.442695020e+00, v18  }
0x2fd: {  	v16 =	vmul.f32 $2.048000000e+03, v16;
	v17 =	vmul.f32 $2.048000000e+03, v17  }
0x2fe: {  	v27 =	vmul.f32 $1.442695020e+00, v20;
	v29 =	vmul.f32 $1.442695020e+00, v21  }
0x2ff: {  	v56 =	vmul.f32 $1.442695020e+00, v25;
	v32 =	vmul.f32 $1.442695020e+00, v28  }
0x300: {  	v58 =	vcvt.s32.f32 v31;
	v14 =	vmul.f32 $8.192000000e+03, v3  }
0x301: {  	v6 =	vtrunc.f32 v6;
	(erf) = vpow2.f32 v12  }
0x302: {  	v9 =	vtrunc.f32 v9;
	v2 =	vtrunc.f32 v2  }
0x303: {  	v12 =	vld [tilespmem:s21+$0x20];
	v16 =	vtrunc.f32 v16;
	v17 =	vtrunc.f32 v17  }
0x304: {  	v8 =	vld [tilespmem:s21+$0x0];
	v6 =	vcvt.f32.s32 v6;
	v9 =	vcvt.f32.s32 v9  }
0x305: {  	v22 =	vcvt.f32.s32 v2;
	v2 =	vtrunc.f32 v13;
	v13 =	vld [tilespmem:s20+$0xFFFFFFC0]  }
0x306: {  	v30 =	vld [tilespmem:s20+$0xFFFFFFE0];
	(erf) = vpow2.f32 v19;
	v19 =	vmul.f32 $8.192000000e+03, v10  }
0x307: {  	v5 =	vadd.f32 v5, v7;
	v26 =	vcvt.f32.s32 v2;
	v2 =	vld [tilespmem:s20+$0xFFFFFFD0];
	(erf) = vpow2.f32 v27  }
0x308: {  	(erf) = vpow2.f32 v24;
	v23 =	vmul.f32 $2.048000000e+03, v12;
	v12 =	vld [tilespmem:s23+$0xFFFFFFF0]  }
0x309: {  	v4 =	vadd.f32 v4, v5;
	v57 =	vld [tilespmem:s22+$0x0];
	v16 =	vcvt.f32.s32 v16;
	v8 =	vmul.f32 $2.048000000e+03, v8  }
0x30a: {  	v55 =	vld [tilespmem:s20+$0x0];
	v13 =	vcvt.s32.f32 v13;
	v7 =	vpop (erf);
	(erf) = vpow2.f32 v29  }
0x30b: {  	v4 =	vadd.f32 v11, v4;
	v59 =	vld [tilespmem:s20+$0x20];
	v11 =	vcvt.f32.s32 v17;
	v8 =	vtrunc.f32 v8  }
0x30c: {  	v61 =	vld [tilespmem:s21+$0xFFFFFFF0];
	v2 =	vcvt.s32.f32 v2;
	v5 =	vmul.f32 v13, v15;
	v7 =	vadd.f32 v14, v7  }
0x30d: {  	v14 =	vmul.f32 $1.442695020e+00, v12;
	v33 =	vmul.f32 v58, v12;
	v12 =	vld [tilespmem:s22+$0xFFFFFFD0]  }
0x30e: {  	v13 =	vmul.f32 $8.192000000e+03, v13;
	v4 =	vadd.f32 v5, v4;
	v5 =	vmul.f32 $2.048000000e+03, v57;
	[tilespmem:v9+s16+$0x0] =	vst.idx.add.f32.msk $0xffff, v7  }
0x30f: {  	v60 =	vcvt.f32.s32 v8;
	v17 =	vmul.f32 v2, v28;
	[tilespmem:v6+s17+$0x0] =	vst.idx.add.f32.msk $0xffff, v7;
	v6 =	vpop (erf)  }
0x310: {  	v9 =	vld [tilespmem:s22+$0xFFFFFFF0];
	v15 =	vtrunc.f32 v5;
	v7 =	vcvt.s32.f32 v55;
	v13 =	vadd.f32 v13, v6;
	v8 =	vpop (erf)  }
0x311: {  	v4 =	vadd.f32 v17, v4;
	v17 =	vld [tilespmem:s22+$0xFFFFFFE0];
	v6 =	vcvt.s32.f32 v30;
	v62 =	vpop (erf);
	(erf) = vpow2.f32 v14  }
0x312: {  	v19 =	vadd.f32 v19, v8;
	[tilespmem:v16+s16+$0x0] =	vst.idx.add.f32.msk $0xffff, v13;
	v16 =	vmul.f32 v7, v21;
	v7 =	vmul.f32 $8.192000000e+03, v7  }
0x313: {  	v14 =	vmul.f32 $8.192000000e+03, v58;
	v25 =	vmul.f32 v6, v25;
	[tilespmem:v26+s17+$0x0] =	vst.idx.add.f32.msk $0xffff, v13;
	v5 =	vpop (erf)  }
0x314: {  	(erf) = vpow2.f32 v32;
	[tilespmem:v11+s16+$0x0] =	vst.idx.add.f32.msk $0xffff, v19;
	v8 =	vadd.f32 v7, v5;
	v7 =	vcvt.s32.f32 v59  }
0x315: {  	v13 =	vld [tilespmem:s21+$0xFFFFFFD0];
	v11 =	vmul.f32 $2.048000000e+03, v61;
	v5 =	vmul.f32 v10, v20;
	v10 =	vadd.f32 v25, v4  }
0x316: {  	(erf) = vpow2.f32 v56;
	[tilespmem:v22+s17+$0x0] =	vst.idx.add.f32.msk $0xffff, v19;
	v63 =	vmul.f32 $8.192000000e+03, v7  }
0x317: {  	v19 =	vld [tilespmem:s21+$0xFFFFFFE0];
	v4 =	vmul.f32 v7, v18;
	v7 =	vtrunc.f32 v11;
	v10 =	vadd.f32 v33, v10  }
0x318: {  	v20 =	vtrunc.f32 v23;
	[tilespmem:v60+s16+$0x0] =	vst.idx.add.f32.msk $0xffff, v8;
	v11 =	vcvt.f32.s32 v7  }
0x319: {  	s24 =	simm.s32 $0x60C0;
	s23 =	simm.s32 $0x40C0;
	v18 =	vld [tilespmem:s22+$0x20];
	s22 =	simm.s32 $0x0;
	v7 =	vadd.f32 v16, v10;
	v10 =	vadd.f32 v63, v62;
	v16 =	vcvt.f32.s32 v20  }
.LBB2_14:
0x31a: {  	v20 =	vld [tilespmem:s24+$0x30];
	s22 =	sadd.s32 $0x8, s22;
	v17 =	vmul.f32 $2.048000000e+03, v17;
	v9 =	vmul.f32 $2.048000000e+03, v9;
	s21 =	sadd.s32 $0x80, s21;
	s20 =	sadd.s32 $0x80, s20  }
0x31b: {  	v12 =	vmul.f32 $2.048000000e+03, v12;
	v21 =	vld [tilespmem:s21+$0x20];
	p0 =	slt.u32 s22, $0xF8;
	v5 =	vadd.f32 v5, v7;
	v7 =	vpop (erf)  }
0x31c: {  	v22 =	vld [tilespmem:s23+$0xFFFFFFC0];
	v7 =	vadd.f32 v14, v7;
	v9 =	vtrunc.f32 v9;
	v14 =	vcvt.f32.s32 v15  }
0x31d: {  	v1 =	vmul.f32 v3, v1;
	v12 =	vtrunc.f32 v12;
	v15 =	vld [tilespmem:s24+$0xFFFFFFC0];
	v4 =	vadd.f32 v4, v5  }
0x31e: {  	v24 =	vmul.f32 $2.048000000e+03, v18;
	v5 =	vld [tilespmem:s21+$0x0];
	v3 =	vmul.f32 $2.048000000e+03, v19  }
0x31f: {  	v6 =	vmul.f32 $8.192000000e+03, v6;
	v17 =	vtrunc.f32 v17;
	v19 =	vld [tilespmem:s24+$0x10];
	v4 =	vadd.f32 v1, v4  }
0x320: {  	v1 =	vmul.f32 $8.192000000e+03, v2;
	v2 =	vtrunc.f32 v24;
	v23 =	vld [tilespmem:s20+$0x10];
	v18 =	vpop (erf)  }
0x321: {  	v13 =	vmul.f32 $2.048000000e+03, v13;
	v3 =	vtrunc.f32 v3;
	v24 =	vld [tilespmem:s21+$0x30];
	v25 =	vpop (erf)  }
0x322: {  	v9 =	vcvt.f32.s32 v9;
	v18 =	vadd.f32 v1, v18;
	v26 =	vld [tilespmem:s20+$0x30];
	v6 =	vadd.f32 v6, v25  }
0x323: {  	v13 =	vtrunc.f32 v13;
	v25 =	vcvt.f32.s32 v3;
	[tilespmem:v14+s17+$0x0] =	vst.idx.add.f32.msk $0xffff, v8  }
0x324: {  	v8 =	vcvt.f32.s32 v13;
	v13 =	vcvt.f32.s32 v17;
	v1 =	vld [tilespmem:s23+$0x30]  }
0x325: {  	v2 =	vcvt.f32.s32 v2;
	[tilespmem:v16+s16+$0x0] =	vst.idx.add.f32.msk $0xffff, v10  }
0x326: {  	v12 =	vcvt.f32.s32 v12;
	v14 =	vld [tilespmem:s21+$0xFFFFFFC0]  }
0x327: {  	[tilespmem:v11+s16+$0x0] =	vst.idx.add.f32.msk $0xffff, v7  }
0x328: {  	v3 =	vcvt.s32.f32 v26;
	[tilespmem:v9+s17+$0x0] =	vst.idx.add.f32.msk $0xffff, v7  }
0x329: {  	v9 =	vmul.f32 $2.048000000e+03, v20;
	v7 =	vmul.f32 $1.442695020e+00, v1;
	[tilespmem:v25+s16+$0x0] =	vst.idx.add.f32.msk $0xffff, v6  }
0x32a: {  	v16 =	vmul.f32 $2.048000000e+03, v24;
	v11 =	vmul.f32 $8.192000000e+03, v3;
	[tilespmem:v13+s17+$0x0] =	vst.idx.add.f32.msk $0xffff, v6  }
0x32b: {  	v6 =	vtrunc.f32 v9;
	(erf) = vpow2.f32 v7;
	[tilespmem:v2+s17+$0x0] =	vst.idx.add.f32.msk $0xffff, v10  }
0x32c: {  	v7 =	vcvt.s32.f32 v23;
	v2 =	vtrunc.f32 v16;
	[tilespmem:v8+s16+$0x0] =	vst.idx.add.f32.msk $0xffff, v18  }
0x32d: {  	v6 =	vcvt.f32.s32 v6;
	v8 =	vmul.f32 $2.048000000e+03, v19;
	[tilespmem:v12+s17+$0x0] =	vst.idx.add.f32.msk $0xffff, v18  }
0x32e: {  	v5 =	vmul.f32 $2.048000000e+03, v5;
	v2 =	vcvt.f32.s32 v2;
	v10 =	vld [tilespmem:s23+$0x20]  }
0x32f: {  	v9 =	vmul.f32 $2.048000000e+03, v15;
	v8 =	vtrunc.f32 v8;
	v12 =	vld [tilespmem:s21+$0x10]  }
0x330: {  	v5 =	vtrunc.f32 v5;
	v13 =	vmul.f32 $1.442695020e+00, v22;
	v16 =	vld [tilespmem:s23+$0x10]  }
0x331: {  	v19 =	vmul.f32 $2.048000000e+03, v21;
	v18 =	vcvt.f32.s32 v8;
	v15 =	vld [tilespmem:s23+$0x0]  }
0x332: {  	v8 =	vtrunc.f32 v9;
	v17 =	vld [tilespmem:s23+$0xFFFFFFF0];
	(erf) = vpow2.f32 v13  }
0x333: {  	v13 =	vmul.f32 $8.192000000e+03, v7;
	v9 =	vld [tilespmem:s20+$0xFFFFFFC0];
	v20 =	vmul.f32 $1.442695020e+00, v10  }
0x334: {  	v14 =	vmul.f32 $2.048000000e+03, v14;
	v21 =	vld [tilespmem:s23+$0xFFFFFFE0];
	v12 =	vmul.f32 $2.048000000e+03, v12;
	v23 =	vpop (erf)  }
0x335: {  	v8 =	vcvt.f32.s32 v8;
	v24 =	vld [tilespmem:s20+$0xFFFFFFD0];
	v25 =	vmul.f32 $1.442695020e+00, v16  }
0x336: {  	v14 =	vtrunc.f32 v14;
	v26 =	vld [tilespmem:s23+$0xFFFFFFD0];
	v27 =	vmul.f32 $1.442695020e+00, v15  }
0x337: {  	v12 =	vtrunc.f32 v12;
	v28 =	vld [tilespmem:s20+$0xFFFFFFE0];
	(erf) = vpow2.f32 v25  }
0x338: {  	v9 =	vcvt.s32.f32 v9;
	v25 =	vld [tilespmem:s20+$0x0];
	(erf) = vpow2.f32 v20  }
0x339: {  	v11 =	vadd.f32 v11, v23;
	v30 =	vmul.f32 $1.442695020e+00, v17;
	v20 =	vmul.f32 $1.442695020e+00, v21;
	v29 =	vld [tilespmem:s20+$0xFFFFFFF0]  }
0x33a: {  	v22 =	vmul.f32 v9, v22;
	v23 =	vld [tilespmem:s24+$0x0];
	(erf) = vpow2.f32 v27  }
0x33b: {  	v14 =	vcvt.f32.s32 v14;
	v27 =	vmul.f32 $1.442695020e+00, v26;
	[tilespmem:v2+s16+$0x0] =	vst.idx.add.f32.msk $0xffff, v11;
	v31 =	vpop (erf)  }
0x33c: {  	v32 =	vmul.f32 $8.192000000e+03, v9;
	v2 =	vcvt.s32.f32 v24;
	v4 =	vadd.f32 v22, v4;
	[tilespmem:v6+s17+$0x0] =	vst.idx.add.f32.msk $0xffff, v11  }
0x33d: {  	v22 =	vcvt.f32.s32 v12;
	v9 =	vld [tilespmem:s24+$0xFFFFFFF0];
	v11 =	vcvt.s32.f32 v25  }
0x33e: {  	v24 =	vadd.f32 v32, v31;
	v25 =	vmul.f32 v2, v26;
	v12 =	vld [tilespmem:s24+$0xFFFFFFD0];
	v26 =	vcvt.s32.f32 v29  }
0x33f: {  	v6 =	vcvt.s32.f32 v28;
	v28 =	vcvt.f32.s32 v5;
	v29 =	vld [tilespmem:s20+$0x20]  }
0x340: {  	v4 =	vadd.f32 v25, v4;
	v34 =	vmul.f32 $2.048000000e+03, v23;
	v25 =	vld [tilespmem:s21+$0xFFFFFFF0];
	v31 =	vmul.f32 v26, v17;
	v17 =	vpop (erf)  }
0x341: {  	v23 =	vmul.f32 $8.192000000e+03, v11;
	v32 =	vmul.f32 v11, v15;
	[tilespmem:v14+s16+$0x0] =	vst.idx.add.f32.msk $0xffff, v24;
	v11 =	vadd.f32 v13, v17;
	v33 =	vpop (erf)  }
0x342: {  	v15 =	vtrunc.f32 v34;
	[tilespmem:v8+s17+$0x0] =	vst.idx.add.f32.msk $0xffff, v24;
	(erf) = vpow2.f32 v30  }
0x343: {  	v21 =	vmul.f32 v6, v21;
	v14 =	vmul.f32 $8.192000000e+03, v26;
	[tilespmem:v22+s16+$0x0] =	vst.idx.add.f32.msk $0xffff, v11;
	v5 =	vpop (erf)  }
0x344: {  	v17 =	vld [tilespmem:s24+$0xFFFFFFE0];
	v8 =	vadd.f32 v23, v5;
	v5 =	vmul.f32 v7, v16;
	v7 =	vcvt.s32.f32 v29  }
.Ltmp6:
0x345: {  	v22 =	vtrunc.f32 v19;
	v16 =	vadd.f32 v21, v4;
	v13 =	vld [tilespmem:s21+$0xFFFFFFD0];
	v21 =	vmul.f32 $2.048000000e+03, v25;
	(pc) =	sbr.rel @p0 .LBB2_14-.Ltmp6, $4  }
0x346: {  	[tilespmem:v18+s17+$0x0] =	vst.idx.add.f32.msk $0xffff, v11;
	v23 =	vmul.f32 $8.192000000e+03, v7;
	v4 =	vmul.f32 v7, v10  }
0x347: {  	v10 =	vadd.f32 v31, v16;
	v7 =	vtrunc.f32 v21;
	[tilespmem:v28+s16+$0x0] =	vst.idx.add.f32.msk $0xffff, v8;
	(erf) = vpow2.f32 v27  }
0x348: {  	v11 =	vcvt.f32.s32 v7;
	v18 =	vld [tilespmem:s24+$0x20];
	(erf) = vpow2.f32 v20  }
0x349: {  	s23 =	sadd.s32 $0x80, s23;
	v16 =	vcvt.f32.s32 v22;
	v7 =	vadd.f32 v32, v10;
	v10 =	vadd.f32 v23, v33;
	s24 =	sadd.s32 $0x80, s24;
	v19 =	vld [tilespmem:s21+$0xFFFFFFE0]  }
0x34a: {  	v9 =	vmul.f32 $2.048000000e+03, v9  }
0x34b: {  	v17 =	vmul.f32 $2.048000000e+03, v17;
	v12 =	vmul.f32 $2.048000000e+03, v12  }
0x34c: {  	v15 =	vcvt.f32.s32 v15;
	v13 =	vmul.f32 $2.048000000e+03, v13  }
0x34d: {  	v2 =	vmul.f32 $8.192000000e+03, v2;
	v9 =	vtrunc.f32 v9  }
0x34e: {  	v13 =	vtrunc.f32 v13;
	v12 =	vtrunc.f32 v12  }
0x34f: {  	v18 =	vmul.f32 $2.048000000e+03, v18;
	v9 =	vcvt.f32.s32 v9  }
0x350: {  	v13 =	vcvt.f32.s32 v13;
	v19 =	vmul.f32 $2.048000000e+03, v19  }
0x351: {  	v20 =	vpop (erf);
	v12 =	vcvt.f32.s32 v12;
	v18 =	vtrunc.f32 v18  }
0x352: {  	v14 =	vadd.f32 v14, v20;
	v19 =	vtrunc.f32 v19;
	[tilespmem:v15+s17+$0x0] =	vst.idx.add.f32.msk $0xffff, v8;
	v8 =	vcvt.f32.s32 v18  }
0x353: {  	[tilespmem:v16+s16+$0x0] =	vst.idx.add.f32.msk $0xffff, v10;
	v17 =	vtrunc.f32 v17;
	v20 =	vpop (erf);
	v19 =	vcvt.f32.s32 v19  }
0x354: {  	v17 =	vcvt.f32.s32 v17;
	[tilespmem:v11+s16+$0x0] =	vst.idx.add.f32.msk $0xffff, v14;
	v2 =	vadd.f32 v2, v20  }
0x355: {  	v6 =	vmul.f32 $8.192000000e+03, v6;
	[tilespmem:v9+s17+$0x0] =	vst.idx.add.f32.msk $0xffff, v14  }
0x356: {  	v15 =	vpop (erf);
	[tilespmem:v13+s16+$0x0] =	vst.idx.add.f32.msk $0xffff, v2  }
0x357: {  	v6 =	vadd.f32 v6, v15;
	[tilespmem:v12+s17+$0x0] =	vst.idx.add.f32.msk $0xffff, v2  }
0x358: {  	[tilespmem:v8+s17+$0x0] =	vst.idx.add.f32.msk $0xffff, v10  }
0x359: {  	[tilespmem:v19+s16+$0x0] =	vst.idx.add.f32.msk $0xffff, v6  }
0x35a: {  	[tilespmem:v17+s17+$0x0] =	vst.idx.add.f32.msk $0xffff, v6  }
0x35b: {  	_ =	swait.ge [sflag:s11], $0x1000  }
0x35c: {  	[sflag:s11] =	ssyncset.done $0x0  }
0x35d: {  	[sflag:s11] =	ssyncadd.s32 $0xFFFFF000  }
0x35e: {  	_ =	swait.ge [sflag:s11], $0x1000  }
0x35f: {  	[sflag:s11] =	ssyncset.done $0x0  }
0x360: {  	[sflag:s11] =	ssyncadd.s32 $0xFFFFF000  }
0x361: {  	_ =	swait.ge [sflag:s11], $0x1000  }
0x362: {  	[sflag:s11] =	ssyncset.done $0x0  }
0x363: {  	[sflag:s11] =	ssyncadd.s32 $0xFFFFF000  }
0x364: {  	_ =	swait.ge [sflag:s11], $0x1000  }
0x365: {  	[sflag:s11] =	ssyncset.done $0x0  }
0x366: {  	[sflag:s11] =	ssyncadd.s32 $0xFFFFF000  }
0x367: {  	[tilespmem:s12], [sflag:$0x1] =	stream.linear.gather [hbm4b:s28+s1], $0x1000, $0x38;
	[tilespmem:$0x9080] =	vst v63  }
0x368: {  	_ = 	snop  }
0x369: {  	[tilespmem:s13], [sflag:$0x1] =	stream.linear.gather [hbm4b:s0+s1], $0x1000, $0x38;
	[tilespmem:$0x9080] =	vst v63  }
0x36a: {  	_ = 	snop  }
0x36b: {  	[tilespmem:s14], [sflag:$0x1] =	stream.linear.gather [hbm4b:s2+s1], $0x1000, $0x38;
	[tilespmem:$0x9080] =	vst v63  }
0x36c: {  	s22 =	simm.s32 $0x2040  }
0x36d: {  	[tilespmem:s15], [sflag:$0x1] =	stream.linear.gather [hbm4b:s3+s1], $0x1000, $0x38;
	[tilespmem:$0x9080] =	vst v63  }
0x36e: {  	s20 =	simm.s32 $0x3040;
	v6 =	vld [tilespmem:s22+$0x30]  }
0x36f: {  	s23 =	simm.s32 $0x40;
	v8 =	vld [tilespmem:s20+$0x30]  }
0x370: {  	s21 =	simm.s32 $0x1040;
	v2 =	vld [tilespmem:s23+$0x30]  }
0x371: {  	v9 =	vld [tilespmem:s21+$0x30]  }
0x372: {  	v10 =	vld [tilespmem:s20+$0x10]  }
0x373: {  	v11 =	vmul.f32 v3, v1;
	v3 =	vld [tilespmem:s22+$0x10]  }
0x374: {  	v13 =	vld [tilespmem:s22+$0xFFFFFFC0]  }
0x375: {  	v15 =	vld [tilespmem:s23+$0xFFFFFFC0]  }
0x376: {  	v16 =	vld [tilespmem:s21+$0xFFFFFFC0]  }
0x377: {  	v18 =	vld [tilespmem:s23+$0x20]  }
0x378: {  	v17 =	vld [tilespmem:s21+$0x10]  }
0x379: {  	v20 =	vld [tilespmem:s23+$0x10]  }
0x37a: {  	v21 =	vld [tilespmem:s23+$0x0];
	v1 =	vcvt.s32.f32 v8  }
0x37b: {  	v25 =	vld [tilespmem:s23+$0xFFFFFFE0];
	v12 =	vmul.f32 $1.442695020e+00, v2;
	v6 =	vmul.f32 $2.048000000e+03, v6  }
0x37c: {  	v28 =	vld [tilespmem:s23+$0xFFFFFFD0];
	v9 =	vmul.f32 $2.048000000e+03, v9;
	v10 =	vcvt.s32.f32 v10  }
0x37d: {  	v31 =	vld [tilespmem:s20+$0xFFFFFFF0];
	v3 =	vmul.f32 $2.048000000e+03, v3;
	v13 =	vmul.f32 $2.048000000e+03, v13  }
0x37e: {  	v19 =	vmul.f32 $1.442695020e+00, v15;
	v24 =	vmul.f32 $1.442695020e+00, v18  }
0x37f: {  	v16 =	vmul.f32 $2.048000000e+03, v16;
	v17 =	vmul.f32 $2.048000000e+03, v17  }
0x380: {  	v27 =	vmul.f32 $1.442695020e+00, v20;
	v29 =	vmul.f32 $1.442695020e+00, v21  }
0x381: {  	v56 =	vmul.f32 $1.442695020e+00, v25;
	v32 =	vmul.f32 $1.442695020e+00, v28  }
0x382: {  	v58 =	vcvt.s32.f32 v31;
	v14 =	vmul.f32 $8.192000000e+03, v1  }
0x383: {  	v6 =	vtrunc.f32 v6;
	(erf) = vpow2.f32 v12  }
0x384: {  	v9 =	vtrunc.f32 v9;
	v3 =	vtrunc.f32 v3  }
0x385: {  	v12 =	vld [tilespmem:s21+$0x20];
	v16 =	vtrunc.f32 v16;
	v17 =	vtrunc.f32 v17  }
0x386: {  	v8 =	vld [tilespmem:s21+$0x0];
	v6 =	vcvt.f32.s32 v6;
	v9 =	vcvt.f32.s32 v9  }
0x387: {  	v22 =	vcvt.f32.s32 v3;
	v3 =	vtrunc.f32 v13;
	v13 =	vld [tilespmem:s20+$0xFFFFFFC0]  }
0x388: {  	v30 =	vld [tilespmem:s20+$0xFFFFFFE0];
	(erf) = vpow2.f32 v19;
	v19 =	vmul.f32 $8.192000000e+03, v10  }
0x389: {  	v5 =	vadd.f32 v5, v7;
	v26 =	vcvt.f32.s32 v3;
	v3 =	vld [tilespmem:s20+$0xFFFFFFD0];
	(erf) = vpow2.f32 v27  }
0x38a: {  	(erf) = vpow2.f32 v24;
	v23 =	vmul.f32 $2.048000000e+03, v12;
	v12 =	vld [tilespmem:s23+$0xFFFFFFF0]  }
0x38b: {  	v4 =	vadd.f32 v4, v5;
	v57 =	vld [tilespmem:s22+$0x0];
	v16 =	vcvt.f32.s32 v16;
	v8 =	vmul.f32 $2.048000000e+03, v8  }
0x38c: {  	v55 =	vld [tilespmem:s20+$0x0];
	v13 =	vcvt.s32.f32 v13;
	v7 =	vpop (erf);
	(erf) = vpow2.f32 v29  }
0x38d: {  	v4 =	vadd.f32 v11, v4;
	v59 =	vld [tilespmem:s20+$0x20];
	v11 =	vcvt.f32.s32 v17;
	v8 =	vtrunc.f32 v8  }
0x38e: {  	v61 =	vld [tilespmem:s21+$0xFFFFFFF0];
	v3 =	vcvt.s32.f32 v3;
	v5 =	vmul.f32 v13, v15;
	v7 =	vadd.f32 v14, v7  }
0x38f: {  	v14 =	vmul.f32 $1.442695020e+00, v12;
	v33 =	vmul.f32 v58, v12;
	v12 =	vld [tilespmem:s22+$0xFFFFFFD0]  }
0x390: {  	v13 =	vmul.f32 $8.192000000e+03, v13;
	v4 =	vadd.f32 v5, v4;
	v5 =	vmul.f32 $2.048000000e+03, v57;
	[tilespmem:v9+s16+$0x0] =	vst.idx.add.f32.msk $0xffff, v7  }
0x391: {  	v60 =	vcvt.f32.s32 v8;
	v17 =	vmul.f32 v3, v28;
	[tilespmem:v6+s17+$0x0] =	vst.idx.add.f32.msk $0xffff, v7;
	v6 =	vpop (erf)  }
0x392: {  	v9 =	vld [tilespmem:s22+$0xFFFFFFF0];
	v15 =	vtrunc.f32 v5;
	v7 =	vcvt.s32.f32 v55;
	v13 =	vadd.f32 v13, v6;
	v8 =	vpop (erf)  }
0x393: {  	v4 =	vadd.f32 v17, v4;
	v17 =	vld [tilespmem:s22+$0xFFFFFFE0];
	v6 =	vcvt.s32.f32 v30;
	v62 =	vpop (erf);
	(erf) = vpow2.f32 v14  }
0x394: {  	v19 =	vadd.f32 v19, v8;
	[tilespmem:v16+s16+$0x0] =	vst.idx.add.f32.msk $0xffff, v13;
	v16 =	vmul.f32 v7, v21;
	v7 =	vmul.f32 $8.192000000e+03, v7  }
0x395: {  	v14 =	vmul.f32 $8.192000000e+03, v58;
	v25 =	vmul.f32 v6, v25;
	[tilespmem:v26+s17+$0x0] =	vst.idx.add.f32.msk $0xffff, v13;
	v5 =	vpop (erf)  }
0x396: {  	(erf) = vpow2.f32 v32;
	[tilespmem:v11+s16+$0x0] =	vst.idx.add.f32.msk $0xffff, v19;
	v8 =	vadd.f32 v7, v5;
	v7 =	vcvt.s32.f32 v59  }
0x397: {  	v13 =	vld [tilespmem:s21+$0xFFFFFFD0];
	v11 =	vmul.f32 $2.048000000e+03, v61;
	v5 =	vmul.f32 v10, v20;
	v10 =	vadd.f32 v25, v4  }
0x398: {  	(erf) = vpow2.f32 v56;
	[tilespmem:v22+s17+$0x0] =	vst.idx.add.f32.msk $0xffff, v19;
	v63 =	vmul.f32 $8.192000000e+03, v7  }
0x399: {  	v19 =	vld [tilespmem:s21+$0xFFFFFFE0];
	v4 =	vmul.f32 v7, v18;
	v7 =	vtrunc.f32 v11;
	v10 =	vadd.f32 v33, v10  }
0x39a: {  	v20 =	vtrunc.f32 v23;
	[tilespmem:v60+s16+$0x0] =	vst.idx.add.f32.msk $0xffff, v8;
	v11 =	vcvt.f32.s32 v7  }
0x39b: {  	s24 =	simm.s32 $0x20C0;
	s23 =	simm.s32 $0xC0;
	v18 =	vld [tilespmem:s22+$0x20];
	s22 =	simm.s32 $0x0;
	v7 =	vadd.f32 v16, v10;
	v10 =	vadd.f32 v63, v62;
	v16 =	vcvt.f32.s32 v20  }
.LBB2_16:
0x39c: {  	v20 =	vld [tilespmem:s24+$0x30];
	s22 =	sadd.s32 $0x8, s22;
	v17 =	vmul.f32 $2.048000000e+03, v17;
	v9 =	vmul.f32 $2.048000000e+03, v9;
	s21 =	sadd.s32 $0x80, s21;
	s20 =	sadd.s32 $0x80, s20  }
0x39d: {  	v12 =	vmul.f32 $2.048000000e+03, v12;
	v21 =	vld [tilespmem:s21+$0x20];
	p0 =	slt.u32 s22, $0xF8;
	v5 =	vadd.f32 v5, v7;
	v7 =	vpop (erf)  }
0x39e: {  	v22 =	vld [tilespmem:s23+$0xFFFFFFC0];
	v7 =	vadd.f32 v14, v7;
	v9 =	vtrunc.f32 v9;
	v14 =	vcvt.f32.s32 v15  }
0x39f: {  	v1 =	vmul.f32 v1, v2;
	v12 =	vtrunc.f32 v12;
	v15 =	vld [tilespmem:s24+$0xFFFFFFC0];
	v4 =	vadd.f32 v4, v5  }
0x3a0: {  	v24 =	vmul.f32 $2.048000000e+03, v18;
	v5 =	vld [tilespmem:s21+$0x0];
	v2 =	vmul.f32 $2.048000000e+03, v19  }
0x3a1: {  	v6 =	vmul.f32 $8.192000000e+03, v6;
	v17 =	vtrunc.f32 v17;
	v19 =	vld [tilespmem:s24+$0x10];
	v4 =	vadd.f32 v1, v4  }
0x3a2: {  	v1 =	vmul.f32 $8.192000000e+03, v3;
	v3 =	vtrunc.f32 v24;
	v23 =	vld [tilespmem:s20+$0x10];
	v18 =	vpop (erf)  }
0x3a3: {  	v13 =	vmul.f32 $2.048000000e+03, v13;
	v2 =	vtrunc.f32 v2;
	v24 =	vld [tilespmem:s21+$0x30];
	v25 =	vpop (erf)  }
0x3a4: {  	v9 =	vcvt.f32.s32 v9;
	v18 =	vadd.f32 v1, v18;
	v26 =	vld [tilespmem:s20+$0x30];
	v6 =	vadd.f32 v6, v25  }
0x3a5: {  	v1 =	vtrunc.f32 v13;
	v13 =	vcvt.f32.s32 v2;
	[tilespmem:v14+s17+$0x0] =	vst.idx.add.f32.msk $0xffff, v8  }
0x3a6: {  	v8 =	vcvt.f32.s32 v1;
	v14 =	vcvt.f32.s32 v17;
	v2 =	vld [tilespmem:s23+$0x30]  }
0x3a7: {  	v3 =	vcvt.f32.s32 v3;
	[tilespmem:v16+s16+$0x0] =	vst.idx.add.f32.msk $0xffff, v10  }
0x3a8: {  	v12 =	vcvt.f32.s32 v12;
	v16 =	vld [tilespmem:s21+$0xFFFFFFC0]  }
0x3a9: {  	[tilespmem:v11+s16+$0x0] =	vst.idx.add.f32.msk $0xffff, v7  }
0x3aa: {  	v1 =	vcvt.s32.f32 v26;
	[tilespmem:v9+s17+$0x0] =	vst.idx.add.f32.msk $0xffff, v7  }
0x3ab: {  	v9 =	vmul.f32 $2.048000000e+03, v20;
	v7 =	vmul.f32 $1.442695020e+00, v2;
	[tilespmem:v13+s16+$0x0] =	vst.idx.add.f32.msk $0xffff, v6  }
0x3ac: {  	v11 =	vmul.f32 $8.192000000e+03, v1;
	v13 =	vmul.f32 $2.048000000e+03, v24;
	[tilespmem:v14+s17+$0x0] =	vst.idx.add.f32.msk $0xffff, v6  }
0x3ad: {  	v6 =	vtrunc.f32 v9;
	(erf) = vpow2.f32 v7;
	[tilespmem:v3+s17+$0x0] =	vst.idx.add.f32.msk $0xffff, v10  }
0x3ae: {  	v7 =	vcvt.s32.f32 v23;
	v3 =	vtrunc.f32 v13;
	[tilespmem:v8+s16+$0x0] =	vst.idx.add.f32.msk $0xffff, v18  }
0x3af: {  	v6 =	vcvt.f32.s32 v6;
	v8 =	vmul.f32 $2.048000000e+03, v19;
	[tilespmem:v12+s17+$0x0] =	vst.idx.add.f32.msk $0xffff, v18  }
0x3b0: {  	v5 =	vmul.f32 $2.048000000e+03, v5;
	v3 =	vcvt.f32.s32 v3;
	v10 =	vld [tilespmem:s23+$0x20]  }
0x3b1: {  	v9 =	vmul.f32 $2.048000000e+03, v15;
	v8 =	vtrunc.f32 v8;
	v12 =	vld [tilespmem:s21+$0x10]  }
0x3b2: {  	v5 =	vtrunc.f32 v5;
	v13 =	vmul.f32 $1.442695020e+00, v22;
	v18 =	vld [tilespmem:s23+$0x10]  }
0x3b3: {  	v20 =	vmul.f32 $2.048000000e+03, v21;
	v19 =	vcvt.f32.s32 v8;
	v14 =	vld [tilespmem:s23+$0x0]  }
0x3b4: {  	v8 =	vtrunc.f32 v9;
	v15 =	vld [tilespmem:s23+$0xFFFFFFF0];
	(erf) = vpow2.f32 v13  }
0x3b5: {  	v13 =	vmul.f32 $8.192000000e+03, v7;
	v9 =	vld [tilespmem:s20+$0xFFFFFFC0];
	v17 =	vmul.f32 $1.442695020e+00, v10  }
0x3b6: {  	v16 =	vmul.f32 $2.048000000e+03, v16;
	v21 =	vld [tilespmem:s23+$0xFFFFFFE0];
	v12 =	vmul.f32 $2.048000000e+03, v12;
	v23 =	vpop (erf)  }
0x3b7: {  	v8 =	vcvt.f32.s32 v8;
	v24 =	vld [tilespmem:s20+$0xFFFFFFD0];
	v25 =	vmul.f32 $1.442695020e+00, v18  }
0x3b8: {  	v16 =	vtrunc.f32 v16;
	v26 =	vld [tilespmem:s23+$0xFFFFFFD0];
	v27 =	vmul.f32 $1.442695020e+00, v14  }
0x3b9: {  	v12 =	vtrunc.f32 v12;
	v28 =	vld [tilespmem:s20+$0xFFFFFFE0];
	(erf) = vpow2.f32 v25  }
0x3ba: {  	v9 =	vcvt.s32.f32 v9;
	v25 =	vld [tilespmem:s20+$0x0];
	(erf) = vpow2.f32 v17  }
0x3bb: {  	v11 =	vadd.f32 v11, v23;
	v30 =	vmul.f32 $1.442695020e+00, v15;
	v29 =	vmul.f32 $1.442695020e+00, v21;
	v17 =	vld [tilespmem:s20+$0xFFFFFFF0]  }
0x3bc: {  	v22 =	vmul.f32 v9, v22;
	v23 =	vld [tilespmem:s24+$0x0];
	(erf) = vpow2.f32 v27  }
0x3bd: {  	v16 =	vcvt.f32.s32 v16;
	v27 =	vmul.f32 $1.442695020e+00, v26;
	[tilespmem:v3+s16+$0x0] =	vst.idx.add.f32.msk $0xffff, v11;
	v31 =	vpop (erf)  }
0x3be: {  	v32 =	vmul.f32 $8.192000000e+03, v9;
	v3 =	vcvt.s32.f32 v24;
	v4 =	vadd.f32 v22, v4;
	[tilespmem:v6+s17+$0x0] =	vst.idx.add.f32.msk $0xffff, v11  }
0x3bf: {  	v22 =	vcvt.f32.s32 v12;
	v9 =	vld [tilespmem:s24+$0xFFFFFFF0];
	v11 =	vcvt.s32.f32 v25  }
0x3c0: {  	v24 =	vadd.f32 v32, v31;
	v25 =	vmul.f32 v3, v26;
	v12 =	vld [tilespmem:s24+$0xFFFFFFD0];
	v17 =	vcvt.s32.f32 v17  }
0x3c1: {  	v6 =	vcvt.s32.f32 v28;
	v26 =	vcvt.f32.s32 v5;
	v28 =	vld [tilespmem:s20+$0x20]  }
0x3c2: {  	v4 =	vadd.f32 v25, v4;
	v33 =	vmul.f32 $2.048000000e+03, v23;
	v25 =	vld [tilespmem:s21+$0xFFFFFFF0];
	v31 =	vmul.f32 v17, v15;
	v15 =	vpop (erf)  }
0x3c3: {  	v23 =	vmul.f32 v11, v14;
	[tilespmem:v16+s16+$0x0] =	vst.idx.add.f32.msk $0xffff, v24;
	v16 =	vmul.f32 $8.192000000e+03, v11;
	v11 =	vadd.f32 v13, v15;
	v32 =	vpop (erf)  }
0x3c4: {  	v15 =	vtrunc.f32 v33;
	[tilespmem:v8+s17+$0x0] =	vst.idx.add.f32.msk $0xffff, v24;
	(erf) = vpow2.f32 v30  }
0x3c5: {  	v21 =	vmul.f32 v6, v21;
	v14 =	vmul.f32 $8.192000000e+03, v17;
	[tilespmem:v22+s16+$0x0] =	vst.idx.add.f32.msk $0xffff, v11;
	v5 =	vpop (erf)  }
0x3c6: {  	v17 =	vld [tilespmem:s24+$0xFFFFFFE0];
	v8 =	vadd.f32 v16, v5;
	v5 =	vmul.f32 v7, v18;
	v7 =	vcvt.s32.f32 v28  }
.Ltmp7:
0x3c7: {  	v20 =	vtrunc.f32 v20;
	v16 =	vadd.f32 v21, v4;
	v13 =	vld [tilespmem:s21+$0xFFFFFFD0];
	v18 =	vmul.f32 $2.048000000e+03, v25;
	(pc) =	sbr.rel @p0 .LBB2_16-.Ltmp7, $4  }
0x3c8: {  	[tilespmem:v19+s17+$0x0] =	vst.idx.add.f32.msk $0xffff, v11;
	v21 =	vmul.f32 $8.192000000e+03, v7;
	v4 =	vmul.f32 v7, v10  }
0x3c9: {  	v10 =	vadd.f32 v31, v16;
	v7 =	vtrunc.f32 v18;
	[tilespmem:v26+s16+$0x0] =	vst.idx.add.f32.msk $0xffff, v8;
	(erf) = vpow2.f32 v27  }
0x3ca: {  	v11 =	vcvt.f32.s32 v7;
	v18 =	vld [tilespmem:s24+$0x20];
	(erf) = vpow2.f32 v29  }
0x3cb: {  	s23 =	sadd.s32 $0x80, s23;
	v16 =	vcvt.f32.s32 v20;
	v7 =	vadd.f32 v23, v10;
	v10 =	vadd.f32 v21, v32;
	s24 =	sadd.s32 $0x80, s24;
	v19 =	vld [tilespmem:s21+$0xFFFFFFE0]  }
0x3cc: {  	v9 =	vmul.f32 $2.048000000e+03, v9  }
0x3cd: {  	v17 =	vmul.f32 $2.048000000e+03, v17;
	v12 =	vmul.f32 $2.048000000e+03, v12  }
0x3ce: {  	v15 =	vcvt.f32.s32 v15;
	v13 =	vmul.f32 $2.048000000e+03, v13  }
0x3cf: {  	v3 =	vmul.f32 $8.192000000e+03, v3;
	v9 =	vtrunc.f32 v9  }
0x3d0: {  	v13 =	vtrunc.f32 v13;
	v12 =	vtrunc.f32 v12  }
0x3d1: {  	v18 =	vmul.f32 $2.048000000e+03, v18;
	v9 =	vcvt.f32.s32 v9  }
0x3d2: {  	v13 =	vcvt.f32.s32 v13;
	v19 =	vmul.f32 $2.048000000e+03, v19  }
0x3d3: {  	v20 =	vpop (erf);
	v12 =	vcvt.f32.s32 v12;
	v18 =	vtrunc.f32 v18  }
0x3d4: {  	v14 =	vadd.f32 v14, v20;
	v19 =	vtrunc.f32 v19;
	[tilespmem:v15+s17+$0x0] =	vst.idx.add.f32.msk $0xffff, v8;
	v8 =	vcvt.f32.s32 v18  }
0x3d5: {  	[tilespmem:v16+s16+$0x0] =	vst.idx.add.f32.msk $0xffff, v10;
	v17 =	vtrunc.f32 v17;
	v20 =	vpop (erf);
	v19 =	vcvt.f32.s32 v19  }
0x3d6: {  	v17 =	vcvt.f32.s32 v17;
	[tilespmem:v11+s16+$0x0] =	vst.idx.add.f32.msk $0xffff, v14;
	v3 =	vadd.f32 v3, v20  }
0x3d7: {  	v6 =	vmul.f32 $8.192000000e+03, v6;
	[tilespmem:v9+s17+$0x0] =	vst.idx.add.f32.msk $0xffff, v14  }
0x3d8: {  	v15 =	vpop (erf);
	[tilespmem:v13+s16+$0x0] =	vst.idx.add.f32.msk $0xffff, v3  }
0x3d9: {  	v6 =	vadd.f32 v6, v15;
	[tilespmem:v12+s17+$0x0] =	vst.idx.add.f32.msk $0xffff, v3  }
0x3da: {  	[tilespmem:v8+s17+$0x0] =	vst.idx.add.f32.msk $0xffff, v10  }
0x3db: {  	[tilespmem:v19+s16+$0x0] =	vst.idx.add.f32.msk $0xffff, v6  }
0x3dc: {  	[tilespmem:v17+s17+$0x0] =	vst.idx.add.f32.msk $0xffff, v6  }
0x3dd: {  	_ =	swait.ge [sflag:s11], $0x1000  }
0x3de: {  	[sflag:s11] =	ssyncset.done $0x0  }
0x3df: {  	[sflag:s11] =	ssyncadd.s32 $0xFFFFF000  }
0x3e0: {  	_ =	swait.ge [sflag:s11], $0x1000  }
0x3e1: {  	[sflag:s11] =	ssyncset.done $0x0  }
0x3e2: {  	[sflag:s11] =	ssyncadd.s32 $0xFFFFF000  }
0x3e3: {  	_ =	swait.ge [sflag:s11], $0x1000  }
0x3e4: {  	[sflag:s11] =	ssyncset.done $0x0  }
0x3e5: {  	[sflag:s11] =	ssyncadd.s32 $0xFFFFF000  }
0x3e6: {  	_ =	swait.ge [sflag:s11], $0x1000  }
0x3e7: {  	[sflag:s11] =	ssyncset.done $0x0  }
0x3e8: {  	s22 =	simm.s32 $0x6040;
	[sflag:s11] =	ssyncadd.s32 $0xFFFFF000  }
0x3e9: {  	s20 =	simm.s32 $0x7040;
	v6 =	vld [tilespmem:s22+$0x30]  }
0x3ea: {  	s23 =	simm.s32 $0x4040;
	v8 =	vld [tilespmem:s20+$0x30]  }
0x3eb: {  	s21 =	simm.s32 $0x5040;
	v3 =	vld [tilespmem:s23+$0x30]  }
0x3ec: {  	v9 =	vld [tilespmem:s21+$0x30]  }
0x3ed: {  	v10 =	vld [tilespmem:s20+$0x10]  }
0x3ee: {  	v11 =	vmul.f32 v1, v2;
	v2 =	vld [tilespmem:s22+$0x10]  }
0x3ef: {  	v13 =	vld [tilespmem:s22+$0xFFFFFFC0]  }
0x3f0: {  	v15 =	vld [tilespmem:s23+$0xFFFFFFC0]  }
0x3f1: {  	v16 =	vld [tilespmem:s21+$0xFFFFFFC0]  }
0x3f2: {  	v17 =	vld [tilespmem:s23+$0x20]  }
0x3f3: {  	v18 =	vld [tilespmem:s21+$0x10]  }
0x3f4: {  	v20 =	vld [tilespmem:s23+$0x10]  }
0x3f5: {  	v21 =	vld [tilespmem:s23+$0x0];
	v1 =	vcvt.s32.f32 v8  }
0x3f6: {  	v25 =	vld [tilespmem:s23+$0xFFFFFFE0];
	v12 =	vmul.f32 $1.442695020e+00, v3;
	v6 =	vmul.f32 $2.048000000e+03, v6  }
0x3f7: {  	v28 =	vld [tilespmem:s23+$0xFFFFFFD0];
	v9 =	vmul.f32 $2.048000000e+03, v9;
	v10 =	vcvt.s32.f32 v10  }
0x3f8: {  	v31 =	vld [tilespmem:s20+$0xFFFFFFF0];
	v2 =	vmul.f32 $2.048000000e+03, v2;
	v13 =	vmul.f32 $2.048000000e+03, v13  }
0x3f9: {  	v19 =	vmul.f32 $1.442695020e+00, v15;
	v24 =	vmul.f32 $1.442695020e+00, v17  }
0x3fa: {  	v16 =	vmul.f32 $2.048000000e+03, v16;
	v18 =	vmul.f32 $2.048000000e+03, v18  }
0x3fb: {  	v27 =	vmul.f32 $1.442695020e+00, v20;
	v29 =	vmul.f32 $1.442695020e+00, v21  }
0x3fc: {  	v57 =	vmul.f32 $1.442695020e+00, v25;
	v32 =	vmul.f32 $1.442695020e+00, v28  }
0x3fd: {  	v59 =	vcvt.s32.f32 v31;
	v14 =	vmul.f32 $8.192000000e+03, v1  }
0x3fe: {  	v6 =	vtrunc.f32 v6;
	(erf) = vpow2.f32 v12  }
0x3ff: {  	v8 =	vld [tilespmem:s21+$0x0];
	v9 =	vtrunc.f32 v9;
	v2 =	vtrunc.f32 v2  }
0x400: {  	v12 =	vld [tilespmem:s21+$0x20];
	v16 =	vtrunc.f32 v16;
	v18 =	vtrunc.f32 v18  }
0x401: {  	v6 =	vcvt.f32.s32 v6;
	v22 =	vcvt.f32.s32 v2  }
0x402: {  	v2 =	vtrunc.f32 v13;
	(erf) = vpow2.f32 v19;
	v13 =	vld [tilespmem:s20+$0xFFFFFFC0]  }
0x403: {  	v9 =	vcvt.f32.s32 v9;
	v26 =	vcvt.f32.s32 v2;
	v2 =	vld [tilespmem:s20+$0xFFFFFFD0]  }
0x404: {  	v30 =	vld [tilespmem:s20+$0xFFFFFFE0];
	(erf) = vpow2.f32 v27;
	v8 =	vmul.f32 $2.048000000e+03, v8  }
0x405: {  	v5 =	vadd.f32 v5, v7;
	(erf) = vpow2.f32 v24;
	v23 =	vmul.f32 $2.048000000e+03, v12;
	v12 =	vld [tilespmem:s23+$0xFFFFFFF0]  }
0x406: {  	v56 =	vld [tilespmem:s20+$0x0];
	v19 =	vmul.f32 $8.192000000e+03, v10;
	v16 =	vcvt.f32.s32 v16  }
0x407: {  	v4 =	vadd.f32 v4, v5;
	v58 =	vld [tilespmem:s22+$0x0];
	v8 =	vtrunc.f32 v8;
	v13 =	vcvt.s32.f32 v13;
	v7 =	vpop (erf)  }
0x408: {  	v60 =	vld [tilespmem:s20+$0x20];
	v8 =	vcvt.f32.s32 v8;
	v2 =	vcvt.s32.f32 v2;
	v7 =	vadd.f32 v14, v7  }
0x409: {  	v61 =	vld [tilespmem:s21+$0xFFFFFFF0];
	v5 =	vmul.f32 v13, v15;
	(erf) = vpow2.f32 v29  }
0x40a: {  	v14 =	vmul.f32 $1.442695020e+00, v12;
	[tilespmem:v9+s16+$0x0] =	vst.idx.add.f32.msk $0xffff, v7;
	v9 =	vmul.f32 $8.192000000e+03, v13  }
0x40b: {  	v31 =	vmul.f32 v59, v12;
	v13 =	vcvt.f32.s32 v18;
	[tilespmem:v6+s17+$0x0] =	vst.idx.add.f32.msk $0xffff, v7;
	v7 =	vadd.f32 v11, v4;
	v4 =	vpop (erf)  }
0x40c: {  	v18 =	vmul.f32 v2, v28;
	v6 =	vld [tilespmem:s22+$0xFFFFFFF0];
	v11 =	vcvt.s32.f32 v56;
	v15 =	vadd.f32 v9, v4  }
0x40d: {  	v4 =	vcvt.s32.f32 v30;
	v12 =	vpop (erf);
	v9 =	vld [tilespmem:s22+$0xFFFFFFD0];
	v5 =	vadd.f32 v5, v7;
	v7 =	vmul.f32 $2.048000000e+03, v58  }
0x40e: {  	v33 =	vpop (erf);
	(erf) = vpow2.f32 v14;
	v14 =	vmul.f32 v10, v20;
	v10 =	vld [tilespmem:s21+$0xFFFFFFD0]  }
0x40f: {  	v21 =	vmul.f32 v11, v21;
	v62 =	vmul.f32 $8.192000000e+03, v11;
	v19 =	vadd.f32 v19, v12;
	[tilespmem:v16+s16+$0x0] =	vst.idx.add.f32.msk $0xffff, v15  }
0x410: {  	v11 =	vmul.f32 $8.192000000e+03, v59;
	[tilespmem:v26+s17+$0x0] =	vst.idx.add.f32.msk $0xffff, v15;
	v5 =	vadd.f32 v18, v5;
	v15 =	vmul.f32 v4, v25  }
0x411: {  	v20 =	vtrunc.f32 v23;
	[tilespmem:v13+s16+$0x0] =	vst.idx.add.f32.msk $0xffff, v19;
	v13 =	vcvt.s32.f32 v60  }
0x412: {  	v16 =	vld [tilespmem:s22+$0xFFFFFFE0];
	v12 =	vtrunc.f32 v7;
	v18 =	vmul.f32 $2.048000000e+03, v61;
	v7 =	vpop (erf);
	v5 =	vadd.f32 v15, v5  }
0x413: {  	(erf) = vpow2.f32 v32;
	[tilespmem:v22+s17+$0x0] =	vst.idx.add.f32.msk $0xffff, v19;
	v7 =	vadd.f32 v62, v7;
	v63 =	vmul.f32 $8.192000000e+03, v13  }
0x414: {  	v19 =	vld [tilespmem:s21+$0xFFFFFFE0];
	v15 =	vmul.f32 v13, v17;
	v13 =	vtrunc.f32 v18;
	v5 =	vadd.f32 v31, v5  }
0x415: {  	(erf) = vpow2.f32 v57;
	[tilespmem:v8+s16+$0x0] =	vst.idx.add.f32.msk $0xffff, v7;
	v8 =	vcvt.f32.s32 v13  }
0x416: {  	s24 =	simm.s32 $0x60C0;
	s23 =	simm.s32 $0x40C0;
	v17 =	vld [tilespmem:s22+$0x20];
	s22 =	simm.s32 $0x0;
	v13 =	vcvt.f32.s32 v20;
	v18 =	vadd.f32 v21, v5;
	v5 =	vadd.f32 v63, v33  }
.LBB2_18:
0x417: {  	v20 =	vld [tilespmem:s24+$0x30];
	s22 =	sadd.s32 $0x8, s22;
	v16 =	vmul.f32 $2.048000000e+03, v16;
	v6 =	vmul.f32 $2.048000000e+03, v6;
	s21 =	sadd.s32 $0x80, s21;
	s20 =	sadd.s32 $0x80, s20  }
0x418: {  	v9 =	vmul.f32 $2.048000000e+03, v9;
	v21 =	vld [tilespmem:s21+$0x20];
	p0 =	slt.u32 s22, $0xF8;
	v14 =	vadd.f32 v14, v18;
	v18 =	vpop (erf)  }
0x419: {  	v12 =	vcvt.f32.s32 v12;
	v22 =	vld [tilespmem:s23+$0xFFFFFFC0];
	v11 =	vadd.f32 v11, v18;
	v6 =	vtrunc.f32 v6  }
0x41a: {  	v1 =	vmul.f32 v1, v3;
	v9 =	vtrunc.f32 v9;
	v18 =	vld [tilespmem:s24+$0xFFFFFFC0];
	v14 =	vadd.f32 v15, v14  }
0x41b: {  	v24 =	vmul.f32 $2.048000000e+03, v17;
	v15 =	vld [tilespmem:s21+$0x0];
	v3 =	vmul.f32 $2.048000000e+03, v19  }
0x41c: {  	v4 =	vmul.f32 $8.192000000e+03, v4;
	v16 =	vtrunc.f32 v16;
	v19 =	vld [tilespmem:s24+$0x10];
	v14 =	vadd.f32 v1, v14  }
0x41d: {  	v1 =	vmul.f32 $8.192000000e+03, v2;
	v2 =	vtrunc.f32 v24;
	v23 =	vld [tilespmem:s20+$0x10];
	v17 =	vpop (erf)  }
0x41e: {  	v10 =	vmul.f32 $2.048000000e+03, v10;
	v3 =	vtrunc.f32 v3;
	v24 =	vld [tilespmem:s21+$0x30];
	v25 =	vpop (erf)  }
0x41f: {  	v6 =	vcvt.f32.s32 v6;
	v17 =	vadd.f32 v1, v17;
	v26 =	vld [tilespmem:s20+$0x30];
	v4 =	vadd.f32 v4, v25  }
0x420: {  	v1 =	vtrunc.f32 v10;
	v10 =	vcvt.f32.s32 v3;
	[tilespmem:v12+s17+$0x0] =	vst.idx.add.f32.msk $0xffff, v7  }
0x421: {  	v7 =	vcvt.f32.s32 v1;
	v12 =	vcvt.f32.s32 v16;
	v3 =	vld [tilespmem:s23+$0x30]  }
0x422: {  	v2 =	vcvt.f32.s32 v2;
	[tilespmem:v13+s16+$0x0] =	vst.idx.add.f32.msk $0xffff, v5  }
0x423: {  	v9 =	vcvt.f32.s32 v9;
	v13 =	vld [tilespmem:s21+$0xFFFFFFC0]  }
0x424: {  	[tilespmem:v8+s16+$0x0] =	vst.idx.add.f32.msk $0xffff, v11  }
0x425: {  	v1 =	vcvt.s32.f32 v26;
	[tilespmem:v6+s17+$0x0] =	vst.idx.add.f32.msk $0xffff, v11  }
0x426: {  	v8 =	vmul.f32 $2.048000000e+03, v20;
	v6 =	vmul.f32 $1.442695020e+00, v3;
	[tilespmem:v10+s16+$0x0] =	vst.idx.add.f32.msk $0xffff, v4  }
0x427: {  	v11 =	vmul.f32 $2.048000000e+03, v24;
	v10 =	vmul.f32 $8.192000000e+03, v1;
	[tilespmem:v12+s17+$0x0] =	vst.idx.add.f32.msk $0xffff, v4  }
0x428: {  	v4 =	vtrunc.f32 v8;
	(erf) = vpow2.f32 v6;
	[tilespmem:v2+s17+$0x0] =	vst.idx.add.f32.msk $0xffff, v5  }
0x429: {  	v5 =	vcvt.s32.f32 v23;
	v2 =	vtrunc.f32 v11;
	[tilespmem:v7+s16+$0x0] =	vst.idx.add.f32.msk $0xffff, v17  }
0x42a: {  	v6 =	vmul.f32 $2.048000000e+03, v19;
	v4 =	vcvt.f32.s32 v4;
	[tilespmem:v9+s17+$0x0] =	vst.idx.add.f32.msk $0xffff, v17  }
0x42b: {  	v7 =	vmul.f32 $2.048000000e+03, v15;
	v2 =	vcvt.f32.s32 v2;
	v8 =	vld [tilespmem:s23+$0x20]  }
0x42c: {  	v9 =	vmul.f32 $2.048000000e+03, v18;
	v6 =	vtrunc.f32 v6;
	v11 =	vld [tilespmem:s21+$0x10]  }
0x42d: {  	v12 =	vmul.f32 $1.442695020e+00, v22;
	v7 =	vtrunc.f32 v7;
	v15 =	vld [tilespmem:s23+$0x10]  }
0x42e: {  	v18 =	vmul.f32 $2.048000000e+03, v21;
	v17 =	vcvt.f32.s32 v6;
	v16 =	vld [tilespmem:s23+$0x0]  }
0x42f: {  	v6 =	vtrunc.f32 v9;
	v19 =	vld [tilespmem:s23+$0xFFFFFFF0];
	(erf) = vpow2.f32 v12  }
0x430: {  	v12 =	vmul.f32 $8.192000000e+03, v5;
	v9 =	vld [tilespmem:s20+$0xFFFFFFC0];
	v20 =	vmul.f32 $1.442695020e+00, v8  }
0x431: {  	v13 =	vmul.f32 $2.048000000e+03, v13;
	v21 =	vld [tilespmem:s23+$0xFFFFFFE0];
	v11 =	vmul.f32 $2.048000000e+03, v11;
	v23 =	vpop (erf)  }
0x432: {  	v24 =	vcvt.f32.s32 v6;
	v6 =	vld [tilespmem:s20+$0xFFFFFFD0];
	v25 =	vmul.f32 $1.442695020e+00, v15  }
0x433: {  	v13 =	vtrunc.f32 v13;
	v26 =	vld [tilespmem:s23+$0xFFFFFFD0];
	v27 =	vmul.f32 $1.442695020e+00, v16  }
0x434: {  	v11 =	vtrunc.f32 v11;
	v28 =	vld [tilespmem:s20+$0xFFFFFFE0];
	(erf) = vpow2.f32 v25  }
0x435: {  	v9 =	vcvt.s32.f32 v9;
	v25 =	vld [tilespmem:s20+$0x0];
	(erf) = vpow2.f32 v20  }
0x436: {  	v10 =	vadd.f32 v10, v23;
	v30 =	vmul.f32 $1.442695020e+00, v19;
	v20 =	vmul.f32 $1.442695020e+00, v21;
	v29 =	vld [tilespmem:s20+$0xFFFFFFF0]  }
0x437: {  	v22 =	vmul.f32 v9, v22;
	v23 =	vld [tilespmem:s24+$0x0];
	(erf) = vpow2.f32 v27  }
0x438: {  	v13 =	vcvt.f32.s32 v13;
	v27 =	vmul.f32 $1.442695020e+00, v26;
	[tilespmem:v2+s16+$0x0] =	vst.idx.add.f32.msk $0xffff, v10;
	v31 =	vpop (erf)  }
0x439: {  	v9 =	vmul.f32 $8.192000000e+03, v9;
	v2 =	vcvt.s32.f32 v6;
	v14 =	vadd.f32 v22, v14;
	[tilespmem:v4+s17+$0x0] =	vst.idx.add.f32.msk $0xffff, v10  }
0x43a: {  	v22 =	vcvt.f32.s32 v11;
	v6 =	vld [tilespmem:s24+$0xFFFFFFF0];
	v10 =	vcvt.s32.f32 v25  }
0x43b: {  	v11 =	vadd.f32 v9, v31;
	v25 =	vmul.f32 v2, v26;
	v9 =	vld [tilespmem:s24+$0xFFFFFFD0];
	v26 =	vcvt.s32.f32 v29  }
0x43c: {  	v4 =	vcvt.s32.f32 v28;
	v28 =	vcvt.f32.s32 v7;
	v29 =	vld [tilespmem:s20+$0x20]  }
0x43d: {  	v25 =	vadd.f32 v25, v14;
	v34 =	vmul.f32 $2.048000000e+03, v23;
	v31 =	vld [tilespmem:s21+$0xFFFFFFF0];
	v19 =	vmul.f32 v26, v19;
	v14 =	vpop (erf)  }
0x43e: {  	v23 =	vmul.f32 v10, v16;
	[tilespmem:v13+s16+$0x0] =	vst.idx.add.f32.msk $0xffff, v11;
	v13 =	vmul.f32 $8.192000000e+03, v10;
	v32 =	vadd.f32 v12, v14;
	v33 =	vpop (erf)  }
0x43f: {  	v12 =	vtrunc.f32 v34;
	[tilespmem:v24+s17+$0x0] =	vst.idx.add.f32.msk $0xffff, v11;
	(erf) = vpow2.f32 v30  }
0x440: {  	v21 =	vmul.f32 v4, v21;
	v11 =	vmul.f32 $8.192000000e+03, v26;
	[tilespmem:v22+s16+$0x0] =	vst.idx.add.f32.msk $0xffff, v32;
	v7 =	vpop (erf)  }
0x441: {  	v14 =	vmul.f32 v5, v15;
	v16 =	vld [tilespmem:s24+$0xFFFFFFE0];
	v7 =	vadd.f32 v13, v7;
	v5 =	vcvt.s32.f32 v29  }
.Ltmp8:
0x442: {  	v22 =	vtrunc.f32 v18;
	v13 =	vadd.f32 v21, v25;
	v10 =	vld [tilespmem:s21+$0xFFFFFFD0];
	v21 =	vmul.f32 $2.048000000e+03, v31;
	(pc) =	sbr.rel @p0 .LBB2_18-.Ltmp8, $4  }
0x443: {  	[tilespmem:v17+s17+$0x0] =	vst.idx.add.f32.msk $0xffff, v32;
	v24 =	vmul.f32 $8.192000000e+03, v5;
	v15 =	vmul.f32 v5, v8  }
0x444: {  	v13 =	vadd.f32 v19, v13;
	v5 =	vtrunc.f32 v21;
	[tilespmem:v28+s16+$0x0] =	vst.idx.add.f32.msk $0xffff, v7;
	(erf) = vpow2.f32 v27  }
0x445: {  	v8 =	vcvt.f32.s32 v5;
	v17 =	vld [tilespmem:s24+$0x20];
	(erf) = vpow2.f32 v20  }
0x446: {  	s23 =	sadd.s32 $0x80, s23;
	v18 =	vadd.f32 v23, v13;
	v5 =	vadd.f32 v24, v33;
	v13 =	vcvt.f32.s32 v22;
	s24 =	sadd.s32 $0x80, s24;
	v19 =	vld [tilespmem:s21+$0xFFFFFFE0]  }
0x447: {  	v6 =	vmul.f32 $2.048000000e+03, v6  }
0x448: {  	v16 =	vmul.f32 $2.048000000e+03, v16;
	v9 =	vmul.f32 $2.048000000e+03, v9  }
0x449: {  	v12 =	vcvt.f32.s32 v12;
	v10 =	vmul.f32 $2.048000000e+03, v10  }
0x44a: {  	v2 =	vmul.f32 $8.192000000e+03, v2;
	v6 =	vtrunc.f32 v6  }
0x44b: {  	v10 =	vtrunc.f32 v10;
	v9 =	vtrunc.f32 v9  }
0x44c: {  	v17 =	vmul.f32 $2.048000000e+03, v17;
	v6 =	vcvt.f32.s32 v6  }
0x44d: {  	v20 =	vpop (erf);
	v10 =	vcvt.f32.s32 v10;
	v19 =	vmul.f32 $2.048000000e+03, v19  }
0x44e: {  	v11 =	vadd.f32 v11, v20;
	v9 =	vcvt.f32.s32 v9;
	v17 =	vtrunc.f32 v17  }
0x44f: {  	[tilespmem:v13+s16+$0x0] =	vst.idx.add.f32.msk $0xffff, v5;
	v19 =	vtrunc.f32 v19;
	v60 =	vcvt.f32.s32 v17  }
0x450: {  	v16 =	vtrunc.f32 v16;
	[tilespmem:v8+s16+$0x0] =	vst.idx.add.f32.msk $0xffff, v11;
	v59 =	vpop (erf);
	v19 =	vcvt.f32.s32 v19  }
0x451: {  	v16 =	vcvt.f32.s32 v16;
	[tilespmem:v12+s17+$0x0] =	vst.idx.add.f32.msk $0xffff, v7;
	v2 =	vadd.f32 v2, v59  }
0x452: {  	v4 =	vmul.f32 $8.192000000e+03, v4;
	v62 =	vadd.f32 v14, v18;
	[tilespmem:v6+s17+$0x0] =	vst.idx.add.f32.msk $0xffff, v11  }
0x453: {  	v1 =	vmul.f32 v1, v3;
	v61 =	vpop (erf);
	[tilespmem:v10+s16+$0x0] =	vst.idx.add.f32.msk $0xffff, v2  }
0x454: {  	v63 =	vadd.f32 v15, v62;
	v4 =	vadd.f32 v4, v61;
	[tilespmem:v9+s17+$0x0] =	vst.idx.add.f32.msk $0xffff, v2  }
0x455: {  	[tilespmem:v60+s17+$0x0] =	vst.idx.add.f32.msk $0xffff, v5  }
0x456: {  	v1 =	vadd.f32 v1, v63;
	[tilespmem:v19+s16+$0x0] =	vst.idx.add.f32.msk $0xffff, v4  }
0x457: {  	[tilespmem:v16+s17+$0x0] =	vst.idx.add.f32.msk $0xffff, v4  }
0x458: {  	s20 =	simm.s32 $0x80;
	s21 =	simm.s32 $0x400;
	[tilespmem:$0x9000] =	vst v1  }
0x459: {  	[hbm4b:s4+s20] =	stream.strided.scatter [tilespmem:s16], [sflag:$0x2], $0x800, s21, s20, $0x38;
	[tilespmem:$0x9080] =	vst v63  }
0x45a: {  	_ =	swait.ge [sflag:s18], $0x800  }
0x45b: {  	[sflag:s18] =	ssyncset.done $0x0  }
0x45c: {  	[sflag:s18] =	ssyncadd.s32 $0xFFFFF800  }
0x45d: {  	[hbm4b:s5+s20] =	stream.strided.scatter [tilespmem:s17], [sflag:$0x2], $0x800, s21, s20, $0x38;
	[tilespmem:$0x9080] =	vst v63  }
0x45e: {  	s19 =	sadd.s32 $0x1, s19;
	_ =	swait.ge [sflag:s18], $0x800  }
0x45f: {  	p0 =	sne.s32 s19, s7;
	[sflag:s18] =	ssyncset.done $0x0  }
.Ltmp9:
0x460: {  	s24 =	simm.s32 $0x9000;
	[sflag:s18] =	ssyncadd.s32 $0xFFFFF800;
	(pc) =	sbr.rel @p0 .LBB2_1-.Ltmp9, $4  }
0x461: {  	[hbm4b:s6+s1] =	stream.linear.scatter [tilespmem:s24], [sflag:$0x2], $0x80, $0x38;
	[tilespmem:$0x9080] =	vst v63  }
0x462: {  	_ =	swait.ge [sflag:s18], $0x80  }
0x463: {  	[sflag:s18] =	ssyncset.done $0x0  }
0x464: {  	[sflag:s18] =	ssyncadd.s32 $0xFFFFFF80  }
0x465: {  	_ =	sfence.sel $0x180000  }
0x466: {  	[bflag:$0x0] =	sbarrier.arrive $0xFFFF  }
0x467: {  	_ =	strace $0x90000047  }
0x468: {  	s0 =	stileid.u32;
	[bflag:$0x2] =	sbarrier.arrive $0xFFFF  }
0x469: {  	p0 =	sne.s32 s0, $0x0;
	s0 =	rddreg [dreg:$0x5]  }
0x46a: {  	s0 =	sadd.s32 @!p0 $0x100000, s0  }
0x46b: {  	[sflag:s0] =	ssyncadd.tile.s32 @!p0 $0x1;
	_ =	shalt  }
.Lfunc_end2:
_tile_overlayer_lowered:
.L_overlay_start_2:
0x46c: {  	(tag) =	ssettag $0x2  }
0x46d: {  	s0 =	rddreg [dreg:$0x0];
	s2 =	stileid.u32  }
0x46e: {  	s1 =	rddreg [dreg:$0x1];
	p0 =	sne.s32 s2, $0x0  }
0x46f: {  	s3 =	rddreg [dreg:$0x2];
	[bflag:$0x3] =	sbarrier.arrive $0xFFFF;
	s2 =	simm.s32 @!p0 $0x1C02  }
0x470: {  	[timem:s3], [sflag:s2] =	dma.local @!p0 [hbm:s0], s1  }
0x471: {  	s0 =	simm.s32 @!p0 $0x2  }
0x472: {  	_ =	swait.ge @!p0 [sflag:s0], s1  }
0x473: {  	s1 =	ssub.s32 @!p0 $0x0, s1;
	[sflag:s0] =	ssyncset.done @!p0 $0x0  }
0x474: {  	[sflag:s0] =	ssyncadd.s32 @!p0 s1  }
0x475: {  	[bflag:$0x3] =	sbarrier.arrive $0xFFFF  }
0x476: {  	_ =	shalt  }

</sc_bundles>
